<compile_context>
chip_gen: v7x
topology: tpu7x:2x2x1
jax: 0.10.2.dev20260603
libtpu: 0.0.44.dev20260713+nightly
codegen_flags: <defaults>
</compile_context>

<pallas_src>
import functools

import jax
import jax.numpy as jnp
from jax import lax
from jax.experimental import pallas as pl
from jax.experimental.pallas import tpu as pltpu
from jax.experimental.pallas import tpu_sc as plsc

N = 10000
D = 128
E = 320000
NC = 2
NS = 16
NW = NC * NS
CH = 80
NCHUNK0 = 180
NCHUNK1 = 72
EPW0 = NCHUNK0 * CH
EPW1 = NCHUNK1 * CH
EP = (EPW0 + EPW1) * NS
NP = 10240
RPT = NP // NS
ZCH = CH


def _sc_aggregate(h, src, dst):
    mesh = plsc.VectorSubcoreMesh(core_axis_name="c", subcore_axis_name="s")

    @functools.partial(
        pl.kernel,
        mesh=mesh,
        out_type=[
            jax.ShapeDtypeStruct((NP, D), jnp.float32),
            jax.ShapeDtypeStruct((NP, D), jnp.float32),
        ],
        scratch_types=[
            pltpu.VMEM((CH,), jnp.int32),
            pltpu.VMEM((CH,), jnp.int32),
            pltpu.VMEM((CH,), jnp.int32),
            pltpu.VMEM((CH,), jnp.int32),
            pltpu.VMEM((CH,), jnp.int32),
            pltpu.VMEM((CH,), jnp.int32),
            pltpu.VMEM((CH,), jnp.int32),
            pltpu.VMEM((CH,), jnp.int32),
            pltpu.VMEM((CH,), jnp.int32),
            pltpu.VMEM((CH,), jnp.int32),
            pltpu.VMEM((CH,), jnp.int32),
            pltpu.VMEM((CH,), jnp.int32),
            pltpu.VMEM((CH, D), jnp.float32),
            pltpu.VMEM((CH, D), jnp.float32),
            pltpu.VMEM((CH, D), jnp.float32),
            pltpu.VMEM((CH, D), jnp.float32),
            pltpu.VMEM_SHARED((NP, D), jnp.float32),
            pltpu.SemaphoreType.DMA,
            pltpu.SemaphoreType.DMA,
            pltpu.SemaphoreType.DMA,
            pltpu.SemaphoreType.DMA,
            pltpu.SemaphoreType.DMA,
            pltpu.SemaphoreType.DMA,
            pltpu.SemaphoreType.DMA,
            pltpu.SemaphoreType.DMA,
            pltpu.SemaphoreType.DMA,
            pltpu.SemaphoreType.DMA,
            pltpu.SemaphoreType.DMA,
            pltpu.SemaphoreType.DMA,
            pltpu.SemaphoreType.DMA,
            pltpu.SemaphoreType.DMA,
            pltpu.SemaphoreType.DMA,
            pltpu.SemaphoreType.DMA,
        ],
    )
    def agg_kernel(h_hbm, src_hbm, dst_hbm, out0, out1,
                   sidx0, sidx1, sidx2, sidx3, didx0, didx1, didx2, didx3,
                   dcp0, dcp1, dcp2, dcp3, rows0, rows1, rows2, rows3, acc,
                   gsem0, gsem1, gsem2, gsem3, ssem0, ssem1, ssem2, ssem3,
                   sisem0, sisem1, sisem2, sisem3,
                   disem0, disem1, disem2, disem3):
        cid = lax.axis_index("c")
        sid = lax.axis_index("s")
        wid = cid * NS + sid

        z = jnp.zeros((16,), jnp.float32)

        def zstore(i, _):
            r = i // (D // 16)
            k = i % (D // 16)
            rows0[r, pl.ds(k * 16, 16)] = z
            return 0

        lax.fori_loop(0, ZCH * (D // 16), zstore, 0)

        def zcopy(j, _):
            pltpu.sync_copy(rows0, acc.at[pl.ds(sid * RPT + j * ZCH, ZCH)])
            return 0

        lax.fori_loop(0, RPT // ZCH, zcopy, 0)
        plsc.subcore_barrier()

        nchunk = jnp.where(cid == 0, NCHUNK0, NCHUNK1)
        base0 = jnp.where(cid == 0, sid * EPW0, NS * EPW0 + sid * EPW1)
        slots = (
            (sidx0, didx0, dcp0, rows0, gsem0, ssem0, sisem0, disem0),
            (sidx1, didx1, dcp1, rows1, gsem1, ssem1, sisem1, disem1),
            (sidx2, didx2, dcp2, rows2, gsem2, ssem2, sisem2, disem2),
            (sidx3, didx3, dcp3, rows3, gsem3, ssem3, sisem3, disem3),
        )

        def iload(j, s):
            si, di = s[0], s[1]
            pltpu.async_copy(src_hbm.at[pl.ds(base0 + j * CH, CH)], si, s[6])
            pltpu.async_copy(dst_hbm.at[pl.ds(base0 + j * CH, CH)], di, s[7])

        def iwait(j, s):
            si, di = s[0], s[1]
            pltpu.make_async_copy(
                src_hbm.at[pl.ds(base0 + j * CH, CH)], si, s[6]).wait()
            pltpu.make_async_copy(
                dst_hbm.at[pl.ds(base0 + j * CH, CH)], di, s[7]).wait()

        def gstart(s):
            pltpu.async_copy(h_hbm.at[s[0]], s[3], s[4])

        def gwait(s):
            pltpu.make_async_copy(h_hbm.at[s[0]], s[3], s[4]).wait()

        def sstart(s):
            pltpu.async_copy(s[3], acc.at[s[2]], s[5], add=True)

        def swait(s):
            pltpu.make_async_copy(s[3], acc.at[s[2]], s[5]).wait()

        def dcopy(s):
            di, dc = s[1], s[2]
            for k in range(CH // 16):
                dc[pl.ds(k * 16, 16)] = di[pl.ds(k * 16, 16)]

        iload(0, slots[0])
        iwait(0, slots[0])
        gstart(slots[0])
        iload(1, slots[1])

        def body(i, _):
            for b in range(4):
                j = 4 * i + b
                s = slots[b]
                s1 = slots[(b + 1) % 4]
                s2 = slots[(b + 2) % 4]

                @pl.when(j >= 3)
                def _():
                    swait(s1)

                @pl.when(j + 1 < nchunk)
                def _():
                    iwait(j + 1, s1)
                    gstart(s1)

                gwait(s)
                dcopy(s)
                sstart(s)

                @pl.when(j + 2 < nchunk)
                def _():
                    iload(j + 2, s2)

            return 0

        lax.fori_loop(0, nchunk // 4, body, 0)
        swait(slots[1])
        swait(slots[2])
        swait(slots[3])
        plsc.subcore_barrier()

        @pl.when(cid == 0)
        def _():
            pltpu.sync_copy(acc.at[pl.ds(sid * RPT, RPT)],
                            out0.at[pl.ds(sid * RPT, RPT)])

        @pl.when(cid == 1)
        def _():
            pltpu.sync_copy(acc.at[pl.ds(sid * RPT, RPT)],
                            out1.at[pl.ds(sid * RPT, RPT)])

    return agg_kernel(h, src, dst)


_BR = 1000


def _tc_linear(x, W, b):

    def body(x_ref, w_ref, b_ref, o_ref):
        o_ref[...] = (
            jnp.dot(x_ref[...], w_ref[...], preferred_element_type=jnp.float32)
            + b_ref[...]
        )

    return pl.pallas_call(
        body,
        grid=(N // _BR,),
        in_specs=[
            pl.BlockSpec((_BR, D), lambda i: (i, 0)),
            pl.BlockSpec((D, D), lambda i: (0, 0)),
            pl.BlockSpec((1, D), lambda i: (0, 0)),
        ],
        out_specs=pl.BlockSpec((_BR, D), lambda i: (i, 0)),
        out_shape=jax.ShapeDtypeStruct((N, D), jnp.float32),
    )(x, W, b.reshape(1, D))


def _tc_add_relu_linear(p0, p1, W, b):

    def body(p0_ref, p1_ref, w_ref, b_ref, o_ref):
        hloc = jnp.maximum(p0_ref[...] + p1_ref[...], 0.0)
        o_ref[...] = (
            jnp.dot(hloc, w_ref[...], preferred_element_type=jnp.float32)
            + b_ref[...]
        )

    return pl.pallas_call(
        body,
        grid=(N // _BR,),
        in_specs=[
            pl.BlockSpec((_BR, D), lambda i: (i, 0)),
            pl.BlockSpec((_BR, D), lambda i: (i, 0)),
            pl.BlockSpec((D, D), lambda i: (0, 0)),
            pl.BlockSpec((1, D), lambda i: (0, 0)),
        ],
        out_specs=pl.BlockSpec((_BR, D), lambda i: (i, 0)),
        out_shape=jax.ShapeDtypeStruct((N, D), jnp.float32),
    )(p0, p1, W, b.reshape(1, D))


def _tc_add_relu_norm(p0, p1):

    def body(p0_ref, p1_ref, o_ref):
        y = jnp.maximum(p0_ref[...] + p1_ref[...], 0.0)
        nrm = jnp.sqrt(jnp.sum(y * y, axis=-1, keepdims=True))
        o_ref[...] = y / jnp.maximum(nrm, 1e-12)

    return pl.pallas_call(
        body,
        grid=(N // _BR,),
        in_specs=[
            pl.BlockSpec((_BR, D), lambda i: (i, 0)),
            pl.BlockSpec((_BR, D), lambda i: (i, 0)),
        ],
        out_specs=pl.BlockSpec((_BR, D), lambda i: (i, 0)),
        out_shape=jax.ShapeDtypeStruct((N, D), jnp.float32),
    )(p0, p1)


def kernel(x, edge_index, W0, b0, W1, b1):
    pad = EP - E
    src = jnp.concatenate([edge_index[0], jnp.zeros((pad,), jnp.int32)])
    dst = jnp.concatenate([edge_index[1], jnp.full((pad,), NP - 1, jnp.int32)])
    h1 = _tc_linear(x, W0, b0)
    a0, a1 = _sc_aggregate(h1, src, dst)
    h2 = _tc_add_relu_linear(a0, a1, W1, b1)
    c0, c1 = _sc_aggregate(h2, src, dst)
    return _tc_add_relu_norm(c0, c1)

# --- scband reference (transcript-rebuilt; emitter-appended) ---
"""Pipeline reference for scband-gnnstack-stage-53609781789221 (READ-ONLY COPY).

The authoritative reference and input builder live on the scoring server;
editing this copy changes nothing except your own understanding.
"""

import jax, jax.numpy as jnp
import numpy as np

N = 10000
E = 320000
D_IN = 128
D_OUT = 128
NUM_LAYERS = 2


def setup_inputs(seed: int = 0) -> dict:
    key = jax.random.key(seed)
    k1, k2, k3, k4, k5, k6 = jax.random.split(key, 6)
    x = jax.random.normal(k1, (N, D_IN), dtype=jnp.float32)
    edge_index = jax.random.randint(k2, (2, E), 0, N, dtype=jnp.int32)
    scale0 = 1.0 / np.sqrt(D_IN)
    scale1 = 1.0 / np.sqrt(D_OUT)
    W0 = jax.random.normal(k3, (D_IN, D_OUT), dtype=jnp.float32) * scale0
    b0 = jnp.zeros((D_OUT,), dtype=jnp.float32)
    W1 = jax.random.normal(k4, (D_OUT, D_OUT), dtype=jnp.float32) * scale1
    b1 = jnp.zeros((D_OUT,), dtype=jnp.float32)
    return {"x": x, "edge_index": edge_index, "W0": W0, "b0": b0, "W1": W1, "b1": b1}


def _gnn_layer(x, src, dst, W, b):
    # GraphGym GNNLayer (GraphConv-style): linear transform, gather messages
    # from source nodes, scatter-add to destination nodes, then activation.
    h = x @ W + b
    msgs = jnp.take(h, src, axis=0)
    agg = jax.ops.segment_sum(msgs, dst, num_segments=N)
    return jax.nn.relu(agg)


def reference(x, edge_index, W0, b0, W1, b1):
    # GNNStackStage with stage_type='stack', num_layers=2, cfg.gnn.l2norm=True
    src = edge_index[0]
    dst = edge_index[1]
    x = _gnn_layer(x, src, dst, W0, b0)
    x = _gnn_layer(x, src, dst, W1, b1)
    # F.normalize(x, p=2, dim=-1)
    norm = jnp.linalg.norm(x, axis=-1, keepdims=True)
    x = x / jnp.maximum(norm, 1e-12)
    return x

if __name__ == "__main__":
    import jax
    _d = setup_inputs()
    print(jax.jit(kernel)(*tuple(_d.values())))

</pallas_src>

<mosaic_0001>
#map = affine_map<(d0, d1) -> (0, 0)>
#map1 = affine_map<(d0, d1) -> (0)>
module attributes {stable_mosaic.version = 14 : i64} {
  func.func @agg_kernel(%arg0: i32, %arg1: i32, %arg2: memref<10000x128xf32, #tpu.memory_space<hbm>>, %arg3: memref<322560xi32, #tpu.memory_space<hbm>>, %arg4: memref<322560xi32, #tpu.memory_space<hbm>>, %arg5: memref<10240x128xf32, #tpu.memory_space<hbm>>, %arg6: memref<10240x128xf32, #tpu.memory_space<hbm>>, %arg7: memref<80xi32, #tpu.memory_space<vmem>>, %arg8: memref<80xi32, #tpu.memory_space<vmem>>, %arg9: memref<80xi32, #tpu.memory_space<vmem>>, %arg10: memref<80xi32, #tpu.memory_space<vmem>>, %arg11: memref<80xi32, #tpu.memory_space<vmem>>, %arg12: memref<80xi32, #tpu.memory_space<vmem>>, %arg13: memref<80xi32, #tpu.memory_space<vmem>>, %arg14: memref<80xi32, #tpu.memory_space<vmem>>, %arg15: memref<80xi32, #tpu.memory_space<vmem>>, %arg16: memref<80xi32, #tpu.memory_space<vmem>>, %arg17: memref<80xi32, #tpu.memory_space<vmem>>, %arg18: memref<80xi32, #tpu.memory_space<vmem>>, %arg19: memref<80x128xf32, #tpu.memory_space<vmem>>, %arg20: memref<80x128xf32, #tpu.memory_space<vmem>>, %arg21: memref<80x128xf32, #tpu.memory_space<vmem>>, %arg22: memref<80x128xf32, #tpu.memory_space<vmem>>, %arg23: memref<10240x128xf32, #tpu.memory_space<vmem_shared>>, %arg24: memref<!tpu.dma_semaphore, #tpu.memory_space<semaphore_mem>>, %arg25: memref<!tpu.dma_semaphore, #tpu.memory_space<semaphore_mem>>, %arg26: memref<!tpu.dma_semaphore, #tpu.memory_space<semaphore_mem>>, %arg27: memref<!tpu.dma_semaphore, #tpu.memory_space<semaphore_mem>>, %arg28: memref<!tpu.dma_semaphore, #tpu.memory_space<semaphore_mem>>, %arg29: memref<!tpu.dma_semaphore, #tpu.memory_space<semaphore_mem>>, %arg30: memref<!tpu.dma_semaphore, #tpu.memory_space<semaphore_mem>>, %arg31: memref<!tpu.dma_semaphore, #tpu.memory_space<semaphore_mem>>, %arg32: memref<!tpu.dma_semaphore, #tpu.memory_space<semaphore_mem>>, %arg33: memref<!tpu.dma_semaphore, #tpu.memory_space<semaphore_mem>>, %arg34: memref<!tpu.dma_semaphore, #tpu.memory_space<semaphore_mem>>, %arg35: memref<!tpu.dma_semaphore, #tpu.memory_space<semaphore_mem>>, %arg36: memref<!tpu.dma_semaphore, #tpu.memory_space<semaphore_mem>>, %arg37: memref<!tpu.dma_semaphore, #tpu.memory_space<semaphore_mem>>, %arg38: memref<!tpu.dma_semaphore, #tpu.memory_space<semaphore_mem>>, %arg39: memref<!tpu.dma_semaphore, #tpu.memory_space<semaphore_mem>>) attributes {dimension_semantics = [#tpu.dimension_semantics<core_parallel>, #tpu.dimension_semantics<subcore_parallel>], iteration_bounds = array<i64: 2, 16>, scalar_prefetch = 0 : i64, scratch_operands = 33 : i64, tpu.core_type = #tpu.core_type<sc_vector_subcore>, window_params = [{transform_indices = #map}, {transform_indices = #map1}, {transform_indices = #map1}, {transform_indices = #map}, {transform_indices = #map}]} {
    %mul3A = arith.constant 16 : i32
    %mul3A_0 = arith.muli %arg0, %mul3A : i32
    %add3A = arith.addi %mul3A_0, %arg1 : i32
    %broadcast_in_dim3A = arith.constant 0.000000e+00 : f32
    %broadcast_in_dim3A_1 = vector.broadcast %broadcast_in_dim3A : f32 to vector<16xf32>
    %scan3A = arith.constant 0 : i32
    %scan3A_2 = arith.constant 0 : i32
    %scan3A_3 = arith.constant 640 : i32
    %scan3A_4 = arith.addi %scan3A_2, %scan3A_3 : i32
    %scan3A_5 = arith.constant 1 : i32
    %scan3A_6 = scf.for %scan3A_98 = %scan3A_2 to %scan3A_4 step %scan3A_5 iter_args(%scan3A_99 = %scan3A) -> (i32)  : i32 {
      %jit3A_100 = arith.constant 8 : i32
      %div3A_101 = arith.divsi %scan3A_98, %jit3A_100 : i32
      %sign3A_102 = arith.constant 0 : i32
      %sign3A_103 = arith.cmpi sgt, %scan3A_98, %sign3A_102 : i32
      %sign3A_104 = arith.extui %sign3A_103 : i1 to i32
      %sign3A_105 = arith.constant 0 : i32
      %sign3A_106 = arith.cmpi slt, %scan3A_98, %sign3A_105 : i32
      %sign3A_107 = arith.extui %sign3A_106 : i1 to i32
      %sign3A_108 = arith.subi %sign3A_104, %sign3A_107 : i32
      %sign3A_109 = arith.constant 0 : i32
      %sign3A_110 = arith.cmpi sgt, %jit3A_100, %sign3A_109 : i32
      %sign3A_111 = arith.extui %sign3A_110 : i1 to i32
      %sign3A_112 = arith.constant 0 : i32
      %sign3A_113 = arith.cmpi slt, %jit3A_100, %sign3A_112 : i32
      %sign3A_114 = arith.extui %sign3A_113 : i1 to i32
      %sign3A_115 = arith.subi %sign3A_111, %sign3A_114 : i32
      %ne3A_116 = arith.cmpi ne, %sign3A_108, %sign3A_115 : i32
      %rem3A_117 = arith.remsi %scan3A_98, %jit3A_100 : i32
      %ne3A_118 = arith.constant 0 : i32
      %ne3A_119 = arith.cmpi ne, %rem3A_117, %ne3A_118 : i32
      %and3A_120 = arith.andi %ne3A_116, %ne3A_119 : i1
      %sub3A_121 = arith.constant 1 : i32
      %sub3A_122 = arith.subi %div3A_101, %sub3A_121 : i32
      %select_n3A_123 = arith.select %and3A_120, %sub3A_122, %div3A_101 : i32
      %jit3A_124 = arith.constant 8 : i32
      %eq3A_125 = arith.constant 0 : i32
      %eq3A_126 = arith.cmpi eq, %jit3A_124, %eq3A_125 : i32
      %jit3A_127 = arith.constant 1 : i32
      %select_n3A_128 = arith.select %eq3A_126, %jit3A_127, %jit3A_124 : i32
      %rem3A_129 = arith.remsi %scan3A_98, %select_n3A_128 : i32
      %ne3A_130 = arith.constant 0 : i32
      %ne3A_131 = arith.cmpi ne, %rem3A_129, %ne3A_130 : i32
      %lt3A = arith.constant 0 : i32
      %lt3A_132 = arith.cmpi slt, %rem3A_129, %lt3A : i32
      %lt3A_133 = arith.constant 0 : i32
      %lt3A_134 = arith.cmpi slt, %select_n3A_128, %lt3A_133 : i32
      %ne3A_135 = arith.xori %lt3A_132, %lt3A_134 : i1
      %and3A_136 = arith.andi %ne3A_135, %ne3A_131 : i1
      %add3A_137 = arith.addi %rem3A_129, %select_n3A_128 : i32
      %select_n3A_138 = arith.select %and3A_136, %add3A_137, %rem3A_129 : i32
      %mul3A_139 = arith.constant 16 : i32
      %mul3A_140 = arith.muli %select_n3A_138, %mul3A_139 : i32
      %swap3A = arith.index_cast %select_n3A_123 : i32 to index
      %swap3A_141 = arith.index_cast %mul3A_140 : i32 to index
      %swap3A_142 = tpu.vector_load %arg19[%swap3A, %swap3A_141] {strides = array<i32>} : memref<80x128xf32, #tpu.memory_space<vmem>>, vector<1x16xf32>,
      %swap3A_143 = vector.shape_cast %swap3A_142 : vector<1x16xf32> to vector<16xf32>
      %swap3A_144 = vector.shape_cast %broadcast_in_dim3A_1 : vector<16xf32> to vector<1x16xf32>
      tpu.vector_store %arg19[%swap3A, %swap3A_141], %swap3A_144 {strides = array<i32>} : memref<80x128xf32, #tpu.memory_space<vmem>>, vector<1x16xf32>,
      %scan3A_145 = arith.constant 0 : i32
      scf.yield %scan3A_145 : i32
    }
    %scan3A_7 = arith.constant 640 : i32
    %scan3A_8 = arith.constant 0 : i32
    %scan3A_9 = arith.constant 0 : i32
    %scan3A_10 = arith.constant 8 : i32
    %scan3A_11 = arith.addi %scan3A_9, %scan3A_10 : i32
    %scan3A_12 = arith.constant 1 : i32
    %scan3A_13 = scf.for %scan3A_98 = %scan3A_9 to %scan3A_11 step %scan3A_12 iter_args(%scan3A_99 = %scan3A_8) -> (i32)  : i32 {
      %mul3A_100 = arith.constant 640 : i32
      %mul3A_101 = arith.muli %arg1, %mul3A_100 : i32
      %mul3A_102 = arith.constant 80 : i32
      %mul3A_103 = arith.muli %scan3A_98, %mul3A_102 : i32
      %add3A_104 = arith.addi %mul3A_101, %mul3A_103 : i32
      "tpu.region"() ({
        %run_scoped3A = tpu.sem_alloc : memref<!tpu.dma_semaphore, #tpu.memory_space<semaphore_mem>>
        %dma_start3A_106 = arith.constant 0 : i32
        %dma_start3A_107 = tpu.memref_slice %arg23[%add3A_104, %dma_start3A_106] : memref<10240x128xf32, #tpu.memory_space<vmem_shared>> -> memref<80x128xf32, #tpu.memory_space<vmem_shared>>
        %dma_start3A_108 = arith.constant 0 : i32
        %dma_start3A_109 = tpu.memref_slice %arg23[%add3A_104, %dma_start3A_108] : memref<10240x128xf32, #tpu.memory_space<vmem_shared>> -> memref<80x128xf32, #tpu.memory_space<vmem_shared>>
        tpu.enqueue_dma source(%arg19 : memref<80x128xf32, #tpu.memory_space<vmem>>) target(%dma_start3A_109 : memref<80x128xf32, #tpu.memory_space<vmem_shared>>) target_semaphore(%run_scoped3A : memref<!tpu.dma_semaphore, #tpu.memory_space<semaphore_mem>>)
        %dma_wait3A_110 = arith.constant 0 : i32
        %dma_wait3A_111 = tpu.memref_slice %arg23[%add3A_104, %dma_wait3A_110] : memref<10240x128xf32, #tpu.memory_space<vmem_shared>> -> memref<80x128xf32, #tpu.memory_space<vmem_shared>>
        %dma_wait3A_112 = arith.constant 0 : i32
        %dma_wait3A_113 = tpu.memref_slice %arg23[%add3A_104, %dma_wait3A_112] : memref<10240x128xf32, #tpu.memory_space<vmem_shared>> -> memref<80x128xf32, #tpu.memory_space<vmem_shared>>
        tpu.wait_dma2 semaphore(%run_scoped3A : memref<!tpu.dma_semaphore, #tpu.memory_space<semaphore_mem>>) src(%arg19 : memref<80x128xf32, #tpu.memory_space<vmem>>) dst(%dma_wait3A_113 : memref<80x128xf32, #tpu.memory_space<vmem_shared>>)
        tpu.yield
      }) : () -> ()
      %scan3A_105 = arith.constant 0 : i32
      scf.yield %scan3A_105 : i32
    }
    %scan3A_14 = arith.constant 8 : i32
    %barrier3A = arith.constant 0 : index
    tpu.barrier barrier_id(%barrier3A)
    %eq3A = arith.constant 0 : i32
    %eq3A_15 = arith.cmpi eq, %arg0, %eq3A : i32
    %jit3A = arith.constant 180 : i32
    %jit3A_16 = arith.constant 72 : i32
    %select_n3A = arith.select %eq3A_15, %jit3A, %jit3A_16 : i32
    %eq3A_17 = arith.constant 0 : i32
    %eq3A_18 = arith.cmpi eq, %arg0, %eq3A_17 : i32
    %mul3A_19 = arith.constant 14400 : i32
    %mul3A_20 = arith.muli %arg1, %mul3A_19 : i32
    %mul3A_21 = arith.constant 5760 : i32
    %mul3A_22 = arith.muli %arg1, %mul3A_21 : i32
    %add3A_23 = arith.constant 230400 : i32
    %add3A_24 = arith.addi %add3A_23, %mul3A_22 : i32
    %select_n3A_25 = arith.select %eq3A_18, %mul3A_20, %add3A_24 : i32
    %add3A_26 = arith.constant 0 : i32
    %add3A_27 = arith.addi %select_n3A_25, %add3A_26 : i32
    %dma_start3A = tpu.memref_slice %arg3[%add3A_27] : memref<322560xi32, #tpu.memory_space<hbm>> -> memref<80xi32, #tpu.memory_space<hbm>>
    %dma_start3A_28 = tpu.memref_slice %arg3[%add3A_27] : memref<322560xi32, #tpu.memory_space<hbm>> -> memref<80xi32, #tpu.memory_space<hbm>>
    tpu.enqueue_dma source(%dma_start3A_28 : memref<80xi32, #tpu.memory_space<hbm>>) target(%arg7 : memref<80xi32, #tpu.memory_space<vmem>>) target_semaphore(%arg32 : memref<!tpu.dma_semaphore, #tpu.memory_space<semaphore_mem>>)
    %add3A_29 = arith.constant 0 : i32
    %add3A_30 = arith.addi %select_n3A_25, %add3A_29 : i32
    %dma_start3A_31 = tpu.memref_slice %arg4[%add3A_30] : memref<322560xi32, #tpu.memory_space<hbm>> -> memref<80xi32, #tpu.memory_space<hbm>>
    %dma_start3A_32 = tpu.memref_slice %arg4[%add3A_30] : memref<322560xi32, #tpu.memory_space<hbm>> -> memref<80xi32, #tpu.memory_space<hbm>>
    tpu.enqueue_dma source(%dma_start3A_32 : memref<80xi32, #tpu.memory_space<hbm>>) target(%arg11 : memref<80xi32, #tpu.memory_space<vmem>>) target_semaphore(%arg36 : memref<!tpu.dma_semaphore, #tpu.memory_space<semaphore_mem>>)
    %add3A_33 = arith.constant 0 : i32
    %add3A_34 = arith.addi %select_n3A_25, %add3A_33 : i32
    %dma_wait3A = tpu.memref_slice %arg3[%add3A_34] : memref<322560xi32, #tpu.memory_space<hbm>> -> memref<80xi32, #tpu.memory_space<hbm>>
    %dma_wait3A_35 = tpu.memref_slice %arg3[%add3A_34] : memref<322560xi32, #tpu.memory_space<hbm>> -> memref<80xi32, #tpu.memory_space<hbm>>
    tpu.wait_dma2 semaphore(%arg32 : memref<!tpu.dma_semaphore, #tpu.memory_space<semaphore_mem>>) src(%dma_wait3A_35 : memref<80xi32, #tpu.memory_space<hbm>>) dst(%arg7 : memref<80xi32, #tpu.memory_space<vmem>>)
    %add3A_36 = arith.constant 0 : i32
    %add3A_37 = arith.addi %select_n3A_25, %add3A_36 : i32
    %dma_wait3A_38 = tpu.memref_slice %arg4[%add3A_37] : memref<322560xi32, #tpu.memory_space<hbm>> -> memref<80xi32, #tpu.memory_space<hbm>>
    %dma_wait3A_39 = tpu.memref_slice %arg4[%add3A_37] : memref<322560xi32, #tpu.memory_space<hbm>> -> memref<80xi32, #tpu.memory_space<hbm>>
    tpu.wait_dma2 semaphore(%arg36 : memref<!tpu.dma_semaphore, #tpu.memory_space<semaphore_mem>>) src(%dma_wait3A_39 : memref<80xi32, #tpu.memory_space<hbm>>) dst(%arg11 : memref<80xi32, #tpu.memory_space<vmem>>)
    %dma_start3A_40 = arith.constant 0 : i32
    %dma_start3A_41 = arith.constant 0 : i32
    %dma_start3A_42 = tpu.memref_slice %arg2[%dma_start3A_40, %dma_start3A_41] : memref<10000x128xf32, #tpu.memory_space<hbm>> -> memref<10000x128xf32, #tpu.memory_space<hbm>>
    tpu.enqueue_indirect_dma source(%dma_start3A_42 : memref<10000x128xf32, #tpu.memory_space<hbm>>) target(%arg19 : memref<80x128xf32, #tpu.memory_space<vmem>>) offsets(%arg7 : memref<80xi32, #tpu.memory_space<vmem>>) semaphore(%arg24 : memref<!tpu.dma_semaphore, #tpu.memory_space<semaphore_mem>>)
    %add3A_43 = arith.constant 80 : i32
    %add3A_44 = arith.addi %select_n3A_25, %add3A_43 : i32
    %dma_start3A_45 = tpu.memref_slice %arg3[%add3A_44] : memref<322560xi32, #tpu.memory_space<hbm>> -> memref<80xi32, #tpu.memory_space<hbm>>
    %dma_start3A_46 = tpu.memref_slice %arg3[%add3A_44] : memref<322560xi32, #tpu.memory_space<hbm>> -> memref<80xi32, #tpu.memory_space<hbm>>
    tpu.enqueue_dma source(%dma_start3A_46 : memref<80xi32, #tpu.memory_space<hbm>>) target(%arg8 : memref<80xi32, #tpu.memory_space<vmem>>) target_semaphore(%arg33 : memref<!tpu.dma_semaphore, #tpu.memory_space<semaphore_mem>>)
    %add3A_47 = arith.constant 80 : i32
    %add3A_48 = arith.addi %select_n3A_25, %add3A_47 : i32
    %dma_start3A_49 = tpu.memref_slice %arg4[%add3A_48] : memref<322560xi32, #tpu.memory_space<hbm>> -> memref<80xi32, #tpu.memory_space<hbm>>
    %dma_start3A_50 = tpu.memref_slice %arg4[%add3A_48] : memref<322560xi32, #tpu.memory_space<hbm>> -> memref<80xi32, #tpu.memory_space<hbm>>
    tpu.enqueue_dma source(%dma_start3A_50 : memref<80xi32, #tpu.memory_space<hbm>>) target(%arg12 : memref<80xi32, #tpu.memory_space<vmem>>) target_semaphore(%arg37 : memref<!tpu.dma_semaphore, #tpu.memory_space<semaphore_mem>>)
    %jit3A_51 = arith.constant 4 : i32
    %div3A = arith.divsi %select_n3A, %jit3A_51 : i32
    %sign3A = arith.constant 0 : i32
    %sign3A_52 = arith.cmpi sgt, %select_n3A, %sign3A : i32
    %sign3A_53 = arith.extui %sign3A_52 : i1 to i32
    %sign3A_54 = arith.constant 0 : i32
    %sign3A_55 = arith.cmpi slt, %select_n3A, %sign3A_54 : i32
    %sign3A_56 = arith.extui %sign3A_55 : i1 to i32
    %sign3A_57 = arith.subi %sign3A_53, %sign3A_56 : i32
    %sign3A_58 = arith.constant 0 : i32
    %sign3A_59 = arith.cmpi sgt, %jit3A_51, %sign3A_58 : i32
    %sign3A_60 = arith.extui %sign3A_59 : i1 to i32
    %sign3A_61 = arith.constant 0 : i32
    %sign3A_62 = arith.cmpi slt, %jit3A_51, %sign3A_61 : i32
    %sign3A_63 = arith.extui %sign3A_62 : i1 to i32
    %sign3A_64 = arith.subi %sign3A_60, %sign3A_63 : i32
    %ne3A = arith.cmpi ne, %sign3A_57, %sign3A_64 : i32
    %rem3A = arith.remsi %select_n3A, %jit3A_51 : i32
    %ne3A_65 = arith.constant 0 : i32
    %ne3A_66 = arith.cmpi ne, %rem3A, %ne3A_65 : i32
    %and3A = arith.andi %ne3A, %ne3A_66 : i1
    %sub3A = arith.constant 1 : i32
    %sub3A_67 = arith.subi %div3A, %sub3A : i32
    %select_n3A_68 = arith.select %and3A, %sub3A_67, %div3A : i32
    %while3A = arith.constant 0 : i32
    %while3A_69 = arith.constant 0 : i32
    %while3A_70 = arith.subi %select_n3A_68, %while3A : i32
    %while3A_71 = arith.addi %while3A, %while3A_70 : i32
    %while3A_72 = arith.constant 1 : i32
    %while3A_73 = arith.divsi %while3A_70, %while3A_72 : i32
    %while3A_74 = arith.muli %while3A_73, %while3A_72 : i32
    %while3A_75 = arith.addi %while3A, %while3A_74 : i32
    %while3A_76 = arith.constant 1 : i32
    %while3A_77 = scf.for %while3A_98 = %while3A to %while3A_75 step %while3A_76 iter_args(%while3A_99 = %while3A_69) -> (i32)  : i32 {
      %mul3A_100 = arith.constant 4 : i32
      %mul3A_101 = arith.muli %mul3A_100, %while3A_98 : i32
      %add3A_102 = arith.constant 0 : i32
      %add3A_103 = arith.addi %mul3A_101, %add3A_102 : i32
      %ge3A = arith.constant 3 : i32
      %ge3A_104 = arith.cmpi sge, %add3A_103, %ge3A : i32
      %convert_element_type3A_105 = arith.extui %ge3A_104 : i1 to i32
      %cond3A_106 = arith.constant 0 : i32
      %cond3A_107 = arith.cmpi ne, %convert_element_type3A_105, %cond3A_106 : i32
      scf.if %cond3A_107 {
        %dma_wait3A_345 = arith.constant 0 : i32
        %dma_wait3A_346 = arith.constant 0 : i32
        %dma_wait3A_347 = tpu.memref_slice %arg23[%dma_wait3A_345, %dma_wait3A_346] : memref<10240x128xf32, #tpu.memory_space<vmem_shared>> -> memref<10240x128xf32, #tpu.memory_space<vmem_shared>>
        tpu.wait_indirect_dma semaphore(%arg29 : memref<!tpu.dma_semaphore, #tpu.memory_space<semaphore_mem>>) src(%arg20 : memref<80x128xf32, #tpu.memory_space<vmem>>) dst(%dma_wait3A_347 : memref<10240x128xf32, #tpu.memory_space<vmem_shared>>)
      } else {
      }
      %add3A_108 = arith.constant 1 : i32
      %add3A_109 = arith.addi %add3A_103, %add3A_108 : i32
      %lt3A = arith.cmpi slt, %add3A_109, %select_n3A : i32
      %convert_element_type3A_110 = arith.extui %lt3A : i1 to i32
      %cond3A_111 = arith.constant 0 : i32
      %cond3A_112 = arith.cmpi ne, %convert_element_type3A_110, %cond3A_111 : i32
      scf.if %cond3A_112 {
        %add3A_345 = arith.constant 1 : i32
        %add3A_346 = arith.addi %add3A_103, %add3A_345 : i32
        %mul3A_347 = arith.constant 80 : i32
        %mul3A_348 = arith.muli %add3A_346, %mul3A_347 : i32
        %add3A_349 = arith.addi %select_n3A_25, %mul3A_348 : i32
        %dma_wait3A_350 = tpu.memref_slice %arg3[%add3A_349] : memref<322560xi32, #tpu.memory_space<hbm>> -> memref<80xi32, #tpu.memory_space<hbm>>
        %dma_wait3A_351 = tpu.memref_slice %arg3[%add3A_349] : memref<322560xi32, #tpu.memory_space<hbm>> -> memref<80xi32, #tpu.memory_space<hbm>>
        tpu.wait_dma2 semaphore(%arg33 : memref<!tpu.dma_semaphore, #tpu.memory_space<semaphore_mem>>) src(%dma_wait3A_351 : memref<80xi32, #tpu.memory_space<hbm>>) dst(%arg8 : memref<80xi32, #tpu.memory_space<vmem>>)
        %mul3A_352 = arith.constant 80 : i32
        %mul3A_353 = arith.muli %add3A_346, %mul3A_352 : i32
        %add3A_354 = arith.addi %select_n3A_25, %mul3A_353 : i32
        %dma_wait3A_355 = tpu.memref_slice %arg4[%add3A_354] : memref<322560xi32, #tpu.memory_space<hbm>> -> memref<80xi32, #tpu.memory_space<hbm>>
        %dma_wait3A_356 = tpu.memref_slice %arg4[%add3A_354] : memref<322560xi32, #tpu.memory_space<hbm>> -> memref<80xi32, #tpu.memory_space<hbm>>
        tpu.wait_dma2 semaphore(%arg37 : memref<!tpu.dma_semaphore, #tpu.memory_space<semaphore_mem>>) src(%dma_wait3A_356 : memref<80xi32, #tpu.memory_space<hbm>>) dst(%arg12 : memref<80xi32, #tpu.memory_space<vmem>>)
        %dma_start3A_357 = arith.constant 0 : i32
        %dma_start3A_358 = arith.constant 0 : i32
        %dma_start3A_359 = tpu.memref_slice %arg2[%dma_start3A_357, %dma_start3A_358] : memref<10000x128xf32, #tpu.memory_space<hbm>> -> memref<10000x128xf32, #tpu.memory_space<hbm>>
        tpu.enqueue_indirect_dma source(%dma_start3A_359 : memref<10000x128xf32, #tpu.memory_space<hbm>>) target(%arg20 : memref<80x128xf32, #tpu.memory_space<vmem>>) offsets(%arg8 : memref<80xi32, #tpu.memory_space<vmem>>) semaphore(%arg25 : memref<!tpu.dma_semaphore, #tpu.memory_space<semaphore_mem>>)
      } else {
      }
      %dma_wait3A_113 = arith.constant 0 : i32
      %dma_wait3A_114 = arith.constant 0 : i32
      %dma_wait3A_115 = tpu.memref_slice %arg2[%dma_wait3A_113, %dma_wait3A_114] : memref<10000x128xf32, #tpu.memory_space<hbm>> -> memref<10000x128xf32, #tpu.memory_space<hbm>>
      tpu.wait_indirect_dma semaphore(%arg24 : memref<!tpu.dma_semaphore, #tpu.memory_space<semaphore_mem>>) src(%dma_wait3A_115 : memref<10000x128xf32, #tpu.memory_space<hbm>>) dst(%arg19 : memref<80x128xf32, #tpu.memory_space<vmem>>)
      %get3A = arith.constant 0 : index
      %get3A_116 = tpu.vector_load %arg11[%get3A] {strides = array<i32>} : memref<80xi32, #tpu.memory_space<vmem>>, vector<16xi32>,
      %get3A_117 = vector.shape_cast %get3A_116 : vector<16xi32> to vector<16xi32>
      %swap3A = arith.constant 0 : index
      %swap3A_118 = tpu.vector_load %arg15[%swap3A] {strides = array<i32>} : memref<80xi32, #tpu.memory_space<vmem>>, vector<16xi32>,
      %swap3A_119 = vector.shape_cast %swap3A_118 : vector<16xi32> to vector<16xi32>
      %swap3A_120 = vector.shape_cast %get3A_117 : vector<16xi32> to vector<16xi32>
      tpu.vector_store %arg15[%swap3A], %swap3A_120 {strides = array<i32>} : memref<80xi32, #tpu.memory_space<vmem>>, vector<16xi32>,
      %get3A_121 = arith.constant 16 : index
      %get3A_122 = tpu.vector_load %arg11[%get3A_121] {strides = array<i32>} : memref<80xi32, #tpu.memory_space<vmem>>, vector<16xi32>,
      %get3A_123 = vector.shape_cast %get3A_122 : vector<16xi32> to vector<16xi32>
      %swap3A_124 = arith.constant 16 : index
      %swap3A_125 = tpu.vector_load %arg15[%swap3A_124] {strides = array<i32>} : memref<80xi32, #tpu.memory_space<vmem>>, vector<16xi32>,
      %swap3A_126 = vector.shape_cast %swap3A_125 : vector<16xi32> to vector<16xi32>
      %swap3A_127 = vector.shape_cast %get3A_123 : vector<16xi32> to vector<16xi32>
      tpu.vector_store %arg15[%swap3A_124], %swap3A_127 {strides = array<i32>} : memref<80xi32, #tpu.memory_space<vmem>>, vector<16xi32>,
      %get3A_128 = arith.constant 32 : index
      %get3A_129 = tpu.vector_load %arg11[%get3A_128] {strides = array<i32>} : memref<80xi32, #tpu.memory_space<vmem>>, vector<16xi32>,
      %get3A_130 = vector.shape_cast %get3A_129 : vector<16xi32> to vector<16xi32>
      %swap3A_131 = arith.constant 32 : index
      %swap3A_132 = tpu.vector_load %arg15[%swap3A_131] {strides = array<i32>} : memref<80xi32, #tpu.memory_space<vmem>>, vector<16xi32>,
      %swap3A_133 = vector.shape_cast %swap3A_132 : vector<16xi32> to vector<16xi32>
      %swap3A_134 = vector.shape_cast %get3A_130 : vector<16xi32> to vector<16xi32>
      tpu.vector_store %arg15[%swap3A_131], %swap3A_134 {strides = array<i32>} : memref<80xi32, #tpu.memory_space<vmem>>, vector<16xi32>,
      %get3A_135 = arith.constant 48 : index
      %get3A_136 = tpu.vector_load %arg11[%get3A_135] {strides = array<i32>} : memref<80xi32, #tpu.memory_space<vmem>>, vector<16xi32>,
      %get3A_137 = vector.shape_cast %get3A_136 : vector<16xi32> to vector<16xi32>
      %swap3A_138 = arith.constant 48 : index
      %swap3A_139 = tpu.vector_load %arg15[%swap3A_138] {strides = array<i32>} : memref<80xi32, #tpu.memory_space<vmem>>, vector<16xi32>,
      %swap3A_140 = vector.shape_cast %swap3A_139 : vector<16xi32> to vector<16xi32>
      %swap3A_141 = vector.shape_cast %get3A_137 : vector<16xi32> to vector<16xi32>
      tpu.vector_store %arg15[%swap3A_138], %swap3A_141 {strides = array<i32>} : memref<80xi32, #tpu.memory_space<vmem>>, vector<16xi32>,
      %get3A_142 = arith.constant 64 : index
      %get3A_143 = tpu.vector_load %arg11[%get3A_142] {strides = array<i32>} : memref<80xi32, #tpu.memory_space<vmem>>, vector<16xi32>,
      %get3A_144 = vector.shape_cast %get3A_143 : vector<16xi32> to vector<16xi32>
      %swap3A_145 = arith.constant 64 : index
      %swap3A_146 = tpu.vector_load %arg15[%swap3A_145] {strides = array<i32>} : memref<80xi32, #tpu.memory_space<vmem>>, vector<16xi32>,
      %swap3A_147 = vector.shape_cast %swap3A_146 : vector<16xi32> to vector<16xi32>
      %swap3A_148 = vector.shape_cast %get3A_144 : vector<16xi32> to vector<16xi32>
      tpu.vector_store %arg15[%swap3A_145], %swap3A_148 {strides = array<i32>} : memref<80xi32, #tpu.memory_space<vmem>>, vector<16xi32>,
      %dma_start3A_149 = arith.constant 0 : i32
      %dma_start3A_150 = arith.constant 0 : i32
      %dma_start3A_151 = tpu.memref_slice %arg23[%dma_start3A_149, %dma_start3A_150] : memref<10240x128xf32, #tpu.memory_space<vmem_shared>> -> memref<10240x128xf32, #tpu.memory_space<vmem_shared>>
      tpu.enqueue_indirect_dma source(%arg19 : memref<80x128xf32, #tpu.memory_space<vmem>>) target(%dma_start3A_151 : memref<10240x128xf32, #tpu.memory_space<vmem_shared>>) offsets(%arg15 : memref<80xi32, #tpu.memory_space<vmem>>) semaphore(%arg28 : memref<!tpu.dma_semaphore, #tpu.memory_space<semaphore_mem>>) {add = true}
      %add3A_152 = arith.constant 2 : i32
      %add3A_153 = arith.addi %add3A_103, %add3A_152 : i32
      %lt3A_154 = arith.cmpi slt, %add3A_153, %select_n3A : i32
      %convert_element_type3A_155 = arith.extui %lt3A_154 : i1 to i32
      %cond3A_156 = arith.constant 0 : i32
      %cond3A_157 = arith.cmpi ne, %convert_element_type3A_155, %cond3A_156 : i32
      scf.if %cond3A_157 {
        %add3A_345 = arith.constant 2 : i32
        %add3A_346 = arith.addi %add3A_103, %add3A_345 : i32
        %mul3A_347 = arith.constant 80 : i32
        %mul3A_348 = arith.muli %add3A_346, %mul3A_347 : i32
        %add3A_349 = arith.addi %select_n3A_25, %mul3A_348 : i32
        %dma_start3A_350 = tpu.memref_slice %arg3[%add3A_349] : memref<322560xi32, #tpu.memory_space<hbm>> -> memref<80xi32, #tpu.memory_space<hbm>>
        %dma_start3A_351 = tpu.memref_slice %arg3[%add3A_349] : memref<322560xi32, #tpu.memory_space<hbm>> -> memref<80xi32, #tpu.memory_space<hbm>>
        tpu.enqueue_dma source(%dma_start3A_351 : memref<80xi32, #tpu.memory_space<hbm>>) target(%arg9 : memref<80xi32, #tpu.memory_space<vmem>>) target_semaphore(%arg34 : memref<!tpu.dma_semaphore, #tpu.memory_space<semaphore_mem>>)
        %mul3A_352 = arith.constant 80 : i32
        %mul3A_353 = arith.muli %add3A_346, %mul3A_352 : i32
        %add3A_354 = arith.addi %select_n3A_25, %mul3A_353 : i32
        %dma_start3A_355 = tpu.memref_slice %arg4[%add3A_354] : memref<322560xi32, #tpu.memory_space<hbm>> -> memref<80xi32, #tpu.memory_space<hbm>>
        %dma_start3A_356 = tpu.memref_slice %arg4[%add3A_354] : memref<322560xi32, #tpu.memory_space<hbm>> -> memref<80xi32, #tpu.memory_space<hbm>>
        tpu.enqueue_dma source(%dma_start3A_356 : memref<80xi32, #tpu.memory_space<hbm>>) target(%arg13 : memref<80xi32, #tpu.memory_space<vmem>>) target_semaphore(%arg38 : memref<!tpu.dma_semaphore, #tpu.memory_space<semaphore_mem>>)
      } else {
      }
      %mul3A_158 = arith.constant 4 : i32
      %mul3A_159 = arith.muli %mul3A_158, %while3A_98 : i32
      %add3A_160 = arith.constant 1 : i32
      %add3A_161 = arith.addi %mul3A_159, %add3A_160 : i32
      %ge3A_162 = arith.constant 3 : i32
      %ge3A_163 = arith.cmpi sge, %add3A_161, %ge3A_162 : i32
      %convert_element_type3A_164 = arith.extui %ge3A_163 : i1 to i32
      %cond3A_165 = arith.constant 0 : i32
      %cond3A_166 = arith.cmpi ne, %convert_element_type3A_164, %cond3A_165 : i32
      scf.if %cond3A_166 {
        %dma_wait3A_345 = arith.constant 0 : i32
        %dma_wait3A_346 = arith.constant 0 : i32
        %dma_wait3A_347 = tpu.memref_slice %arg23[%dma_wait3A_345, %dma_wait3A_346] : memref<10240x128xf32, #tpu.memory_space<vmem_shared>> -> memref<10240x128xf32, #tpu.memory_space<vmem_shared>>
        tpu.wait_indirect_dma semaphore(%arg30 : memref<!tpu.dma_semaphore, #tpu.memory_space<semaphore_mem>>) src(%arg21 : memref<80x128xf32, #tpu.memory_space<vmem>>) dst(%dma_wait3A_347 : memref<10240x128xf32, #tpu.memory_space<vmem_shared>>)
      } else {
      }
      %add3A_167 = arith.constant 1 : i32
      %add3A_168 = arith.addi %add3A_161, %add3A_167 : i32
      %lt3A_169 = arith.cmpi slt, %add3A_168, %select_n3A : i32
      %convert_element_type3A_170 = arith.extui %lt3A_169 : i1 to i32
      %cond3A_171 = arith.constant 0 : i32
      %cond3A_172 = arith.cmpi ne, %convert_element_type3A_170, %cond3A_171 : i32
      scf.if %cond3A_172 {
        %add3A_345 = arith.constant 1 : i32
        %add3A_346 = arith.addi %add3A_161, %add3A_345 : i32
        %mul3A_347 = arith.constant 80 : i32
        %mul3A_348 = arith.muli %add3A_346, %mul3A_347 : i32
        %add3A_349 = arith.addi %select_n3A_25, %mul3A_348 : i32
        %dma_wait3A_350 = tpu.memref_slice %arg3[%add3A_349] : memref<322560xi32, #tpu.memory_space<hbm>> -> memref<80xi32, #tpu.memory_space<hbm>>
        %dma_wait3A_351 = tpu.memref_slice %arg3[%add3A_349] : memref<322560xi32, #tpu.memory_space<hbm>> -> memref<80xi32, #tpu.memory_space<hbm>>
        tpu.wait_dma2 semaphore(%arg34 : memref<!tpu.dma_semaphore, #tpu.memory_space<semaphore_mem>>) src(%dma_wait3A_351 : memref<80xi32, #tpu.memory_space<hbm>>) dst(%arg9 : memref<80xi32, #tpu.memory_space<vmem>>)
        %mul3A_352 = arith.constant 80 : i32
        %mul3A_353 = arith.muli %add3A_346, %mul3A_352 : i32
        %add3A_354 = arith.addi %select_n3A_25, %mul3A_353 : i32
        %dma_wait3A_355 = tpu.memref_slice %arg4[%add3A_354] : memref<322560xi32, #tpu.memory_space<hbm>> -> memref<80xi32, #tpu.memory_space<hbm>>
        %dma_wait3A_356 = tpu.memref_slice %arg4[%add3A_354] : memref<322560xi32, #tpu.memory_space<hbm>> -> memref<80xi32, #tpu.memory_space<hbm>>
        tpu.wait_dma2 semaphore(%arg38 : memref<!tpu.dma_semaphore, #tpu.memory_space<semaphore_mem>>) src(%dma_wait3A_356 : memref<80xi32, #tpu.memory_space<hbm>>) dst(%arg13 : memref<80xi32, #tpu.memory_space<vmem>>)
        %dma_start3A_357 = arith.constant 0 : i32
        %dma_start3A_358 = arith.constant 0 : i32
        %dma_start3A_359 = tpu.memref_slice %arg2[%dma_start3A_357, %dma_start3A_358] : memref<10000x128xf32, #tpu.memory_space<hbm>> -> memref<10000x128xf32, #tpu.memory_space<hbm>>
        tpu.enqueue_indirect_dma source(%dma_start3A_359 : memref<10000x128xf32, #tpu.memory_space<hbm>>) target(%arg21 : memref<80x128xf32, #tpu.memory_space<vmem>>) offsets(%arg9 : memref<80xi32, #tpu.memory_space<vmem>>) semaphore(%arg26 : memref<!tpu.dma_semaphore, #tpu.memory_space<semaphore_mem>>)
      } else {
      }
      %dma_wait3A_173 = arith.constant 0 : i32
      %dma_wait3A_174 = arith.constant 0 : i32
      %dma_wait3A_175 = tpu.memref_slice %arg2[%dma_wait3A_173, %dma_wait3A_174] : memref<10000x128xf32, #tpu.memory_space<hbm>> -> memref<10000x128xf32, #tpu.memory_space<hbm>>
      tpu.wait_indirect_dma semaphore(%arg25 : memref<!tpu.dma_semaphore, #tpu.memory_space<semaphore_mem>>) src(%dma_wait3A_175 : memref<10000x128xf32, #tpu.memory_space<hbm>>) dst(%arg20 : memref<80x128xf32, #tpu.memory_space<vmem>>)
      %get3A_176 = arith.constant 0 : index
      %get3A_177 = tpu.vector_load %arg12[%get3A_176] {strides = array<i32>} : memref<80xi32, #tpu.memory_space<vmem>>, vector<16xi32>,
      %get3A_178 = vector.shape_cast %get3A_177 : vector<16xi32> to vector<16xi32>
      %swap3A_179 = arith.constant 0 : index
      %swap3A_180 = tpu.vector_load %arg16[%swap3A_179] {strides = array<i32>} : memref<80xi32, #tpu.memory_space<vmem>>, vector<16xi32>,
      %swap3A_181 = vector.shape_cast %swap3A_180 : vector<16xi32> to vector<16xi32>
      %swap3A_182 = vector.shape_cast %get3A_178 : vector<16xi32> to vector<16xi32>
      tpu.vector_store %arg16[%swap3A_179], %swap3A_182 {strides = array<i32>} : memref<80xi32, #tpu.memory_space<vmem>>, vector<16xi32>,
      %get3A_183 = arith.constant 16 : index
      %get3A_184 = tpu.vector_load %arg12[%get3A_183] {strides = array<i32>} : memref<80xi32, #tpu.memory_space<vmem>>, vector<16xi32>,
      %get3A_185 = vector.shape_cast %get3A_184 : vector<16xi32> to vector<16xi32>
      %swap3A_186 = arith.constant 16 : index
      %swap3A_187 = tpu.vector_load %arg16[%swap3A_186] {strides = array<i32>} : memref<80xi32, #tpu.memory_space<vmem>>, vector<16xi32>,
      %swap3A_188 = vector.shape_cast %swap3A_187 : vector<16xi32> to vector<16xi32>
      %swap3A_189 = vector.shape_cast %get3A_185 : vector<16xi32> to vector<16xi32>
      tpu.vector_store %arg16[%swap3A_186], %swap3A_189 {strides = array<i32>} : memref<80xi32, #tpu.memory_space<vmem>>, vector<16xi32>,
      %get3A_190 = arith.constant 32 : index
      %get3A_191 = tpu.vector_load %arg12[%get3A_190] {strides = array<i32>} : memref<80xi32, #tpu.memory_space<vmem>>, vector<16xi32>,
      %get3A_192 = vector.shape_cast %get3A_191 : vector<16xi32> to vector<16xi32>
      %swap3A_193 = arith.constant 32 : index
      %swap3A_194 = tpu.vector_load %arg16[%swap3A_193] {strides = array<i32>} : memref<80xi32, #tpu.memory_space<vmem>>, vector<16xi32>,
      %swap3A_195 = vector.shape_cast %swap3A_194 : vector<16xi32> to vector<16xi32>
      %swap3A_196 = vector.shape_cast %get3A_192 : vector<16xi32> to vector<16xi32>
      tpu.vector_store %arg16[%swap3A_193], %swap3A_196 {strides = array<i32>} : memref<80xi32, #tpu.memory_space<vmem>>, vector<16xi32>,
      %get3A_197 = arith.constant 48 : index
      %get3A_198 = tpu.vector_load %arg12[%get3A_197] {strides = array<i32>} : memref<80xi32, #tpu.memory_space<vmem>>, vector<16xi32>,
      %get3A_199 = vector.shape_cast %get3A_198 : vector<16xi32> to vector<16xi32>
      %swap3A_200 = arith.constant 48 : index
      %swap3A_201 = tpu.vector_load %arg16[%swap3A_200] {strides = array<i32>} : memref<80xi32, #tpu.memory_space<vmem>>, vector<16xi32>,
      %swap3A_202 = vector.shape_cast %swap3A_201 : vector<16xi32> to vector<16xi32>
      %swap3A_203 = vector.shape_cast %get3A_199 : vector<16xi32> to vector<16xi32>
      tpu.vector_store %arg16[%swap3A_200], %swap3A_203 {strides = array<i32>} : memref<80xi32, #tpu.memory_space<vmem>>, vector<16xi32>,
      %get3A_204 = arith.constant 64 : index
      %get3A_205 = tpu.vector_load %arg12[%get3A_204] {strides = array<i32>} : memref<80xi32, #tpu.memory_space<vmem>>, vector<16xi32>,
      %get3A_206 = vector.shape_cast %get3A_205 : vector<16xi32> to vector<16xi32>
      %swap3A_207 = arith.constant 64 : index
      %swap3A_208 = tpu.vector_load %arg16[%swap3A_207] {strides = array<i32>} : memref<80xi32, #tpu.memory_space<vmem>>, vector<16xi32>,
      %swap3A_209 = vector.shape_cast %swap3A_208 : vector<16xi32> to vector<16xi32>
      %swap3A_210 = vector.shape_cast %get3A_206 : vector<16xi32> to vector<16xi32>
      tpu.vector_store %arg16[%swap3A_207], %swap3A_210 {strides = array<i32>} : memref<80xi32, #tpu.memory_space<vmem>>, vector<16xi32>,
      %dma_start3A_211 = arith.constant 0 : i32
      %dma_start3A_212 = arith.constant 0 : i32
      %dma_start3A_213 = tpu.memref_slice %arg23[%dma_start3A_211, %dma_start3A_212] : memref<10240x128xf32, #tpu.memory_space<vmem_shared>> -> memref<10240x128xf32, #tpu.memory_space<vmem_shared>>
      tpu.enqueue_indirect_dma source(%arg20 : memref<80x128xf32, #tpu.memory_space<vmem>>) target(%dma_start3A_213 : memref<10240x128xf32, #tpu.memory_space<vmem_shared>>) offsets(%arg16 : memref<80xi32, #tpu.memory_space<vmem>>) semaphore(%arg29 : memref<!tpu.dma_semaphore, #tpu.memory_space<semaphore_mem>>) {add = true}
      %add3A_214 = arith.constant 2 : i32
      %add3A_215 = arith.addi %add3A_161, %add3A_214 : i32
      %lt3A_216 = arith.cmpi slt, %add3A_215, %select_n3A : i32
      %convert_element_type3A_217 = arith.extui %lt3A_216 : i1 to i32
      %cond3A_218 = arith.constant 0 : i32
      %cond3A_219 = arith.cmpi ne, %convert_element_type3A_217, %cond3A_218 : i32
      scf.if %cond3A_219 {
        %add3A_345 = arith.constant 2 : i32
        %add3A_346 = arith.addi %add3A_161, %add3A_345 : i32
        %mul3A_347 = arith.constant 80 : i32
        %mul3A_348 = arith.muli %add3A_346, %mul3A_347 : i32
        %add3A_349 = arith.addi %select_n3A_25, %mul3A_348 : i32
        %dma_start3A_350 = tpu.memref_slice %arg3[%add3A_349] : memref<322560xi32, #tpu.memory_space<hbm>> -> memref<80xi32, #tpu.memory_space<hbm>>
        %dma_start3A_351 = tpu.memref_slice %arg3[%add3A_349] : memref<322560xi32, #tpu.memory_space<hbm>> -> memref<80xi32, #tpu.memory_space<hbm>>
        tpu.enqueue_dma source(%dma_start3A_351 : memref<80xi32, #tpu.memory_space<hbm>>) target(%arg10 : memref<80xi32, #tpu.memory_space<vmem>>) target_semaphore(%arg35 : memref<!tpu.dma_semaphore, #tpu.memory_space<semaphore_mem>>)
        %mul3A_352 = arith.constant 80 : i32
        %mul3A_353 = arith.muli %add3A_346, %mul3A_352 : i32
        %add3A_354 = arith.addi %select_n3A_25, %mul3A_353 : i32
        %dma_start3A_355 = tpu.memref_slice %arg4[%add3A_354] : memref<322560xi32, #tpu.memory_space<hbm>> -> memref<80xi32, #tpu.memory_space<hbm>>
        %dma_start3A_356 = tpu.memref_slice %arg4[%add3A_354] : memref<322560xi32, #tpu.memory_space<hbm>> -> memref<80xi32, #tpu.memory_space<hbm>>
        tpu.enqueue_dma source(%dma_start3A_356 : memref<80xi32, #tpu.memory_space<hbm>>) target(%arg14 : memref<80xi32, #tpu.memory_space<vmem>>) target_semaphore(%arg39 : memref<!tpu.dma_semaphore, #tpu.memory_space<semaphore_mem>>)
      } else {
      }
      %mul3A_220 = arith.constant 4 : i32
      %mul3A_221 = arith.muli %mul3A_220, %while3A_98 : i32
      %add3A_222 = arith.constant 2 : i32
      %add3A_223 = arith.addi %mul3A_221, %add3A_222 : i32
      %ge3A_224 = arith.constant 3 : i32
      %ge3A_225 = arith.cmpi sge, %add3A_223, %ge3A_224 : i32
      %convert_element_type3A_226 = arith.extui %ge3A_225 : i1 to i32
      %cond3A_227 = arith.constant 0 : i32
      %cond3A_228 = arith.cmpi ne, %convert_element_type3A_226, %cond3A_227 : i32
      scf.if %cond3A_228 {
        %dma_wait3A_345 = arith.constant 0 : i32
        %dma_wait3A_346 = arith.constant 0 : i32
        %dma_wait3A_347 = tpu.memref_slice %arg23[%dma_wait3A_345, %dma_wait3A_346] : memref<10240x128xf32, #tpu.memory_space<vmem_shared>> -> memref<10240x128xf32, #tpu.memory_space<vmem_shared>>
        tpu.wait_indirect_dma semaphore(%arg31 : memref<!tpu.dma_semaphore, #tpu.memory_space<semaphore_mem>>) src(%arg22 : memref<80x128xf32, #tpu.memory_space<vmem>>) dst(%dma_wait3A_347 : memref<10240x128xf32, #tpu.memory_space<vmem_shared>>)
      } else {
      }
      %add3A_229 = arith.constant 1 : i32
      %add3A_230 = arith.addi %add3A_223, %add3A_229 : i32
      %lt3A_231 = arith.cmpi slt, %add3A_230, %select_n3A : i32
      %convert_element_type3A_232 = arith.extui %lt3A_231 : i1 to i32
      %cond3A_233 = arith.constant 0 : i32
      %cond3A_234 = arith.cmpi ne, %convert_element_type3A_232, %cond3A_233 : i32
      scf.if %cond3A_234 {
        %add3A_345 = arith.constant 1 : i32
        %add3A_346 = arith.addi %add3A_223, %add3A_345 : i32
        %mul3A_347 = arith.constant 80 : i32
        %mul3A_348 = arith.muli %add3A_346, %mul3A_347 : i32
        %add3A_349 = arith.addi %select_n3A_25, %mul3A_348 : i32
        %dma_wait3A_350 = tpu.memref_slice %arg3[%add3A_349] : memref<322560xi32, #tpu.memory_space<hbm>> -> memref<80xi32, #tpu.memory_space<hbm>>
        %dma_wait3A_351 = tpu.memref_slice %arg3[%add3A_349] : memref<322560xi32, #tpu.memory_space<hbm>> -> memref<80xi32, #tpu.memory_space<hbm>>
        tpu.wait_dma2 semaphore(%arg35 : memref<!tpu.dma_semaphore, #tpu.memory_space<semaphore_mem>>) src(%dma_wait3A_351 : memref<80xi32, #tpu.memory_space<hbm>>) dst(%arg10 : memref<80xi32, #tpu.memory_space<vmem>>)
        %mul3A_352 = arith.constant 80 : i32
        %mul3A_353 = arith.muli %add3A_346, %mul3A_352 : i32
        %add3A_354 = arith.addi %select_n3A_25, %mul3A_353 : i32
        %dma_wait3A_355 = tpu.memref_slice %arg4[%add3A_354] : memref<322560xi32, #tpu.memory_space<hbm>> -> memref<80xi32, #tpu.memory_space<hbm>>
        %dma_wait3A_356 = tpu.memref_slice %arg4[%add3A_354] : memref<322560xi32, #tpu.memory_space<hbm>> -> memref<80xi32, #tpu.memory_space<hbm>>
        tpu.wait_dma2 semaphore(%arg39 : memref<!tpu.dma_semaphore, #tpu.memory_space<semaphore_mem>>) src(%dma_wait3A_356 : memref<80xi32, #tpu.memory_space<hbm>>) dst(%arg14 : memref<80xi32, #tpu.memory_space<vmem>>)
        %dma_start3A_357 = arith.constant 0 : i32
        %dma_start3A_358 = arith.constant 0 : i32
        %dma_start3A_359 = tpu.memref_slice %arg2[%dma_start3A_357, %dma_start3A_358] : memref<10000x128xf32, #tpu.memory_space<hbm>> -> memref<10000x128xf32, #tpu.memory_space<hbm>>
        tpu.enqueue_indirect_dma source(%dma_start3A_359 : memref<10000x128xf32, #tpu.memory_space<hbm>>) target(%arg22 : memref<80x128xf32, #tpu.memory_space<vmem>>) offsets(%arg10 : memref<80xi32, #tpu.memory_space<vmem>>) semaphore(%arg27 : memref<!tpu.dma_semaphore, #tpu.memory_space<semaphore_mem>>)
      } else {
      }
      %dma_wait3A_235 = arith.constant 0 : i32
      %dma_wait3A_236 = arith.constant 0 : i32
      %dma_wait3A_237 = tpu.memref_slice %arg2[%dma_wait3A_235, %dma_wait3A_236] : memref<10000x128xf32, #tpu.memory_space<hbm>> -> memref<10000x128xf32, #tpu.memory_space<hbm>>
      tpu.wait_indirect_dma semaphore(%arg26 : memref<!tpu.dma_semaphore, #tpu.memory_space<semaphore_mem>>) src(%dma_wait3A_237 : memref<10000x128xf32, #tpu.memory_space<hbm>>) dst(%arg21 : memref<80x128xf32, #tpu.memory_space<vmem>>)
      %get3A_238 = arith.constant 0 : index
      %get3A_239 = tpu.vector_load %arg13[%get3A_238] {strides = array<i32>} : memref<80xi32, #tpu.memory_space<vmem>>, vector<16xi32>,
      %get3A_240 = vector.shape_cast %get3A_239 : vector<16xi32> to vector<16xi32>
      %swap3A_241 = arith.constant 0 : index
      %swap3A_242 = tpu.vector_load %arg17[%swap3A_241] {strides = array<i32>} : memref<80xi32, #tpu.memory_space<vmem>>, vector<16xi32>,
      %swap3A_243 = vector.shape_cast %swap3A_242 : vector<16xi32> to vector<16xi32>
      %swap3A_244 = vector.shape_cast %get3A_240 : vector<16xi32> to vector<16xi32>
      tpu.vector_store %arg17[%swap3A_241], %swap3A_244 {strides = array<i32>} : memref<80xi32, #tpu.memory_space<vmem>>, vector<16xi32>,
      %get3A_245 = arith.constant 16 : index
      %get3A_246 = tpu.vector_load %arg13[%get3A_245] {strides = array<i32>} : memref<80xi32, #tpu.memory_space<vmem>>, vector<16xi32>,
      %get3A_247 = vector.shape_cast %get3A_246 : vector<16xi32> to vector<16xi32>
      %swap3A_248 = arith.constant 16 : index
      %swap3A_249 = tpu.vector_load %arg17[%swap3A_248] {strides = array<i32>} : memref<80xi32, #tpu.memory_space<vmem>>, vector<16xi32>,
      %swap3A_250 = vector.shape_cast %swap3A_249 : vector<16xi32> to vector<16xi32>
      %swap3A_251 = vector.shape_cast %get3A_247 : vector<16xi32> to vector<16xi32>
      tpu.vector_store %arg17[%swap3A_248], %swap3A_251 {strides = array<i32>} : memref<80xi32, #tpu.memory_space<vmem>>, vector<16xi32>,
      %get3A_252 = arith.constant 32 : index
      %get3A_253 = tpu.vector_load %arg13[%get3A_252] {strides = array<i32>} : memref<80xi32, #tpu.memory_space<vmem>>, vector<16xi32>,
      %get3A_254 = vector.shape_cast %get3A_253 : vector<16xi32> to vector<16xi32>
      %swap3A_255 = arith.constant 32 : index
      %swap3A_256 = tpu.vector_load %arg17[%swap3A_255] {strides = array<i32>} : memref<80xi32, #tpu.memory_space<vmem>>, vector<16xi32>,
      %swap3A_257 = vector.shape_cast %swap3A_256 : vector<16xi32> to vector<16xi32>
      %swap3A_258 = vector.shape_cast %get3A_254 : vector<16xi32> to vector<16xi32>
      tpu.vector_store %arg17[%swap3A_255], %swap3A_258 {strides = array<i32>} : memref<80xi32, #tpu.memory_space<vmem>>, vector<16xi32>,
      %get3A_259 = arith.constant 48 : index
      %get3A_260 = tpu.vector_load %arg13[%get3A_259] {strides = array<i32>} : memref<80xi32, #tpu.memory_space<vmem>>, vector<16xi32>,
      %get3A_261 = vector.shape_cast %get3A_260 : vector<16xi32> to vector<16xi32>
      %swap3A_262 = arith.constant 48 : index
      %swap3A_263 = tpu.vector_load %arg17[%swap3A_262] {strides = array<i32>} : memref<80xi32, #tpu.memory_space<vmem>>, vector<16xi32>,
      %swap3A_264 = vector.shape_cast %swap3A_263 : vector<16xi32> to vector<16xi32>
      %swap3A_265 = vector.shape_cast %get3A_261 : vector<16xi32> to vector<16xi32>
      tpu.vector_store %arg17[%swap3A_262], %swap3A_265 {strides = array<i32>} : memref<80xi32, #tpu.memory_space<vmem>>, vector<16xi32>,
      %get3A_266 = arith.constant 64 : index
      %get3A_267 = tpu.vector_load %arg13[%get3A_266] {strides = array<i32>} : memref<80xi32, #tpu.memory_space<vmem>>, vector<16xi32>,
      %get3A_268 = vector.shape_cast %get3A_267 : vector<16xi32> to vector<16xi32>
      %swap3A_269 = arith.constant 64 : index
      %swap3A_270 = tpu.vector_load %arg17[%swap3A_269] {strides = array<i32>} : memref<80xi32, #tpu.memory_space<vmem>>, vector<16xi32>,
      %swap3A_271 = vector.shape_cast %swap3A_270 : vector<16xi32> to vector<16xi32>
      %swap3A_272 = vector.shape_cast %get3A_268 : vector<16xi32> to vector<16xi32>
      tpu.vector_store %arg17[%swap3A_269], %swap3A_272 {strides = array<i32>} : memref<80xi32, #tpu.memory_space<vmem>>, vector<16xi32>,
      %dma_start3A_273 = arith.constant 0 : i32
      %dma_start3A_274 = arith.constant 0 : i32
      %dma_start3A_275 = tpu.memref_slice %arg23[%dma_start3A_273, %dma_start3A_274] : memref<10240x128xf32, #tpu.memory_space<vmem_shared>> -> memref<10240x128xf32, #tpu.memory_space<vmem_shared>>
      tpu.enqueue_indirect_dma source(%arg21 : memref<80x128xf32, #tpu.memory_space<vmem>>) target(%dma_start3A_275 : memref<10240x128xf32, #tpu.memory_space<vmem_shared>>) offsets(%arg17 : memref<80xi32, #tpu.memory_space<vmem>>) semaphore(%arg30 : memref<!tpu.dma_semaphore, #tpu.memory_space<semaphore_mem>>) {add = true}
      %add3A_276 = arith.constant 2 : i32
      %add3A_277 = arith.addi %add3A_223, %add3A_276 : i32
      %lt3A_278 = arith.cmpi slt, %add3A_277, %select_n3A : i32
      %convert_element_type3A_279 = arith.extui %lt3A_278 : i1 to i32
      %cond3A_280 = arith.constant 0 : i32
      %cond3A_281 = arith.cmpi ne, %convert_element_type3A_279, %cond3A_280 : i32
      scf.if %cond3A_281 {
        %add3A_345 = arith.constant 2 : i32
        %add3A_346 = arith.addi %add3A_223, %add3A_345 : i32
        %mul3A_347 = arith.constant 80 : i32
        %mul3A_348 = arith.muli %add3A_346, %mul3A_347 : i32
        %add3A_349 = arith.addi %select_n3A_25, %mul3A_348 : i32
        %dma_start3A_350 = tpu.memref_slice %arg3[%add3A_349] : memref<322560xi32, #tpu.memory_space<hbm>> -> memref<80xi32, #tpu.memory_space<hbm>>
        %dma_start3A_351 = tpu.memref_slice %arg3[%add3A_349] : memref<322560xi32, #tpu.memory_space<hbm>> -> memref<80xi32, #tpu.memory_space<hbm>>
        tpu.enqueue_dma source(%dma_start3A_351 : memref<80xi32, #tpu.memory_space<hbm>>) target(%arg7 : memref<80xi32, #tpu.memory_space<vmem>>) target_semaphore(%arg32 : memref<!tpu.dma_semaphore, #tpu.memory_space<semaphore_mem>>)
        %mul3A_352 = arith.constant 80 : i32
        %mul3A_353 = arith.muli %add3A_346, %mul3A_352 : i32
        %add3A_354 = arith.addi %select_n3A_25, %mul3A_353 : i32
        %dma_start3A_355 = tpu.memref_slice %arg4[%add3A_354] : memref<322560xi32, #tpu.memory_space<hbm>> -> memref<80xi32, #tpu.memory_space<hbm>>
        %dma_start3A_356 = tpu.memref_slice %arg4[%add3A_354] : memref<322560xi32, #tpu.memory_space<hbm>> -> memref<80xi32, #tpu.memory_space<hbm>>
        tpu.enqueue_dma source(%dma_start3A_356 : memref<80xi32, #tpu.memory_space<hbm>>) target(%arg11 : memref<80xi32, #tpu.memory_space<vmem>>) target_semaphore(%arg36 : memref<!tpu.dma_semaphore, #tpu.memory_space<semaphore_mem>>)
      } else {
      }
      %mul3A_282 = arith.constant 4 : i32
      %mul3A_283 = arith.muli %mul3A_282, %while3A_98 : i32
      %add3A_284 = arith.constant 3 : i32
      %add3A_285 = arith.addi %mul3A_283, %add3A_284 : i32
      %ge3A_286 = arith.constant 3 : i32
      %ge3A_287 = arith.cmpi sge, %add3A_285, %ge3A_286 : i32
      %convert_element_type3A_288 = arith.extui %ge3A_287 : i1 to i32
      %cond3A_289 = arith.constant 0 : i32
      %cond3A_290 = arith.cmpi ne, %convert_element_type3A_288, %cond3A_289 : i32
      scf.if %cond3A_290 {
        %dma_wait3A_345 = arith.constant 0 : i32
        %dma_wait3A_346 = arith.constant 0 : i32
        %dma_wait3A_347 = tpu.memref_slice %arg23[%dma_wait3A_345, %dma_wait3A_346] : memref<10240x128xf32, #tpu.memory_space<vmem_shared>> -> memref<10240x128xf32, #tpu.memory_space<vmem_shared>>
        tpu.wait_indirect_dma semaphore(%arg28 : memref<!tpu.dma_semaphore, #tpu.memory_space<semaphore_mem>>) src(%arg19 : memref<80x128xf32, #tpu.memory_space<vmem>>) dst(%dma_wait3A_347 : memref<10240x128xf32, #tpu.memory_space<vmem_shared>>)
      } else {
      }
      %add3A_291 = arith.constant 1 : i32
      %add3A_292 = arith.addi %add3A_285, %add3A_291 : i32
      %lt3A_293 = arith.cmpi slt, %add3A_292, %select_n3A : i32
      %convert_element_type3A_294 = arith.extui %lt3A_293 : i1 to i32
      %cond3A_295 = arith.constant 0 : i32
      %cond3A_296 = arith.cmpi ne, %convert_element_type3A_294, %cond3A_295 : i32
      scf.if %cond3A_296 {
        %add3A_345 = arith.constant 1 : i32
        %add3A_346 = arith.addi %add3A_285, %add3A_345 : i32
        %mul3A_347 = arith.constant 80 : i32
        %mul3A_348 = arith.muli %add3A_346, %mul3A_347 : i32
        %add3A_349 = arith.addi %select_n3A_25, %mul3A_348 : i32
        %dma_wait3A_350 = tpu.memref_slice %arg3[%add3A_349] : memref<322560xi32, #tpu.memory_space<hbm>> -> memref<80xi32, #tpu.memory_space<hbm>>
        %dma_wait3A_351 = tpu.memref_slice %arg3[%add3A_349] : memref<322560xi32, #tpu.memory_space<hbm>> -> memref<80xi32, #tpu.memory_space<hbm>>
        tpu.wait_dma2 semaphore(%arg32 : memref<!tpu.dma_semaphore, #tpu.memory_space<semaphore_mem>>) src(%dma_wait3A_351 : memref<80xi32, #tpu.memory_space<hbm>>) dst(%arg7 : memref<80xi32, #tpu.memory_space<vmem>>)
        %mul3A_352 = arith.constant 80 : i32
        %mul3A_353 = arith.muli %add3A_346, %mul3A_352 : i32
        %add3A_354 = arith.addi %select_n3A_25, %mul3A_353 : i32
        %dma_wait3A_355 = tpu.memref_slice %arg4[%add3A_354] : memref<322560xi32, #tpu.memory_space<hbm>> -> memref<80xi32, #tpu.memory_space<hbm>>
        %dma_wait3A_356 = tpu.memref_slice %arg4[%add3A_354] : memref<322560xi32, #tpu.memory_space<hbm>> -> memref<80xi32, #tpu.memory_space<hbm>>
        tpu.wait_dma2 semaphore(%arg36 : memref<!tpu.dma_semaphore, #tpu.memory_space<semaphore_mem>>) src(%dma_wait3A_356 : memref<80xi32, #tpu.memory_space<hbm>>) dst(%arg11 : memref<80xi32, #tpu.memory_space<vmem>>)
        %dma_start3A_357 = arith.constant 0 : i32
        %dma_start3A_358 = arith.constant 0 : i32
        %dma_start3A_359 = tpu.memref_slice %arg2[%dma_start3A_357, %dma_start3A_358] : memref<10000x128xf32, #tpu.memory_space<hbm>> -> memref<10000x128xf32, #tpu.memory_space<hbm>>
        tpu.enqueue_indirect_dma source(%dma_start3A_359 : memref<10000x128xf32, #tpu.memory_space<hbm>>) target(%arg19 : memref<80x128xf32, #tpu.memory_space<vmem>>) offsets(%arg7 : memref<80xi32, #tpu.memory_space<vmem>>) semaphore(%arg24 : memref<!tpu.dma_semaphore, #tpu.memory_space<semaphore_mem>>)
      } else {
      }
      %dma_wait3A_297 = arith.constant 0 : i32
      %dma_wait3A_298 = arith.constant 0 : i32
      %dma_wait3A_299 = tpu.memref_slice %arg2[%dma_wait3A_297, %dma_wait3A_298] : memref<10000x128xf32, #tpu.memory_space<hbm>> -> memref<10000x128xf32, #tpu.memory_space<hbm>>
      tpu.wait_indirect_dma semaphore(%arg27 : memref<!tpu.dma_semaphore, #tpu.memory_space<semaphore_mem>>) src(%dma_wait3A_299 : memref<10000x128xf32, #tpu.memory_space<hbm>>) dst(%arg22 : memref<80x128xf32, #tpu.memory_space<vmem>>)
      %get3A_300 = arith.constant 0 : index
      %get3A_301 = tpu.vector_load %arg14[%get3A_300] {strides = array<i32>} : memref<80xi32, #tpu.memory_space<vmem>>, vector<16xi32>,
      %get3A_302 = vector.shape_cast %get3A_301 : vector<16xi32> to vector<16xi32>
      %swap3A_303 = arith.constant 0 : index
      %swap3A_304 = tpu.vector_load %arg18[%swap3A_303] {strides = array<i32>} : memref<80xi32, #tpu.memory_space<vmem>>, vector<16xi32>,
      %swap3A_305 = vector.shape_cast %swap3A_304 : vector<16xi32> to vector<16xi32>
      %swap3A_306 = vector.shape_cast %get3A_302 : vector<16xi32> to vector<16xi32>
      tpu.vector_store %arg18[%swap3A_303], %swap3A_306 {strides = array<i32>} : memref<80xi32, #tpu.memory_space<vmem>>, vector<16xi32>,
      %get3A_307 = arith.constant 16 : index
      %get3A_308 = tpu.vector_load %arg14[%get3A_307] {strides = array<i32>} : memref<80xi32, #tpu.memory_space<vmem>>, vector<16xi32>,
      %get3A_309 = vector.shape_cast %get3A_308 : vector<16xi32> to vector<16xi32>
      %swap3A_310 = arith.constant 16 : index
      %swap3A_311 = tpu.vector_load %arg18[%swap3A_310] {strides = array<i32>} : memref<80xi32, #tpu.memory_space<vmem>>, vector<16xi32>,
      %swap3A_312 = vector.shape_cast %swap3A_311 : vector<16xi32> to vector<16xi32>
      %swap3A_313 = vector.shape_cast %get3A_309 : vector<16xi32> to vector<16xi32>
      tpu.vector_store %arg18[%swap3A_310], %swap3A_313 {strides = array<i32>} : memref<80xi32, #tpu.memory_space<vmem>>, vector<16xi32>,
      %get3A_314 = arith.constant 32 : index
      %get3A_315 = tpu.vector_load %arg14[%get3A_314] {strides = array<i32>} : memref<80xi32, #tpu.memory_space<vmem>>, vector<16xi32>,
      %get3A_316 = vector.shape_cast %get3A_315 : vector<16xi32> to vector<16xi32>
      %swap3A_317 = arith.constant 32 : index
      %swap3A_318 = tpu.vector_load %arg18[%swap3A_317] {strides = array<i32>} : memref<80xi32, #tpu.memory_space<vmem>>, vector<16xi32>,
      %swap3A_319 = vector.shape_cast %swap3A_318 : vector<16xi32> to vector<16xi32>
      %swap3A_320 = vector.shape_cast %get3A_316 : vector<16xi32> to vector<16xi32>
      tpu.vector_store %arg18[%swap3A_317], %swap3A_320 {strides = array<i32>} : memref<80xi32, #tpu.memory_space<vmem>>, vector<16xi32>,
      %get3A_321 = arith.constant 48 : index
      %get3A_322 = tpu.vector_load %arg14[%get3A_321] {strides = array<i32>} : memref<80xi32, #tpu.memory_space<vmem>>, vector<16xi32>,
      %get3A_323 = vector.shape_cast %get3A_322 : vector<16xi32> to vector<16xi32>
      %swap3A_324 = arith.constant 48 : index
      %swap3A_325 = tpu.vector_load %arg18[%swap3A_324] {strides = array<i32>} : memref<80xi32, #tpu.memory_space<vmem>>, vector<16xi32>,
      %swap3A_326 = vector.shape_cast %swap3A_325 : vector<16xi32> to vector<16xi32>
      %swap3A_327 = vector.shape_cast %get3A_323 : vector<16xi32> to vector<16xi32>
      tpu.vector_store %arg18[%swap3A_324], %swap3A_327 {strides = array<i32>} : memref<80xi32, #tpu.memory_space<vmem>>, vector<16xi32>,
      %get3A_328 = arith.constant 64 : index
      %get3A_329 = tpu.vector_load %arg14[%get3A_328] {strides = array<i32>} : memref<80xi32, #tpu.memory_space<vmem>>, vector<16xi32>,
      %get3A_330 = vector.shape_cast %get3A_329 : vector<16xi32> to vector<16xi32>
      %swap3A_331 = arith.constant 64 : index
      %swap3A_332 = tpu.vector_load %arg18[%swap3A_331] {strides = array<i32>} : memref<80xi32, #tpu.memory_space<vmem>>, vector<16xi32>,
      %swap3A_333 = vector.shape_cast %swap3A_332 : vector<16xi32> to vector<16xi32>
      %swap3A_334 = vector.shape_cast %get3A_330 : vector<16xi32> to vector<16xi32>
      tpu.vector_store %arg18[%swap3A_331], %swap3A_334 {strides = array<i32>} : memref<80xi32, #tpu.memory_space<vmem>>, vector<16xi32>,
      %dma_start3A_335 = arith.constant 0 : i32
      %dma_start3A_336 = arith.constant 0 : i32
      %dma_start3A_337 = tpu.memref_slice %arg23[%dma_start3A_335, %dma_start3A_336] : memref<10240x128xf32, #tpu.memory_space<vmem_shared>> -> memref<10240x128xf32, #tpu.memory_space<vmem_shared>>
      tpu.enqueue_indirect_dma source(%arg22 : memref<80x128xf32, #tpu.memory_space<vmem>>) target(%dma_start3A_337 : memref<10240x128xf32, #tpu.memory_space<vmem_shared>>) offsets(%arg18 : memref<80xi32, #tpu.memory_space<vmem>>) semaphore(%arg31 : memref<!tpu.dma_semaphore, #tpu.memory_space<semaphore_mem>>) {add = true}
      %add3A_338 = arith.constant 2 : i32
      %add3A_339 = arith.addi %add3A_285, %add3A_338 : i32
      %lt3A_340 = arith.cmpi slt, %add3A_339, %select_n3A : i32
      %convert_element_type3A_341 = arith.extui %lt3A_340 : i1 to i32
      %cond3A_342 = arith.constant 0 : i32
      %cond3A_343 = arith.cmpi ne, %convert_element_type3A_341, %cond3A_342 : i32
      scf.if %cond3A_343 {
        %add3A_345 = arith.constant 2 : i32
        %add3A_346 = arith.addi %add3A_285, %add3A_345 : i32
        %mul3A_347 = arith.constant 80 : i32
        %mul3A_348 = arith.muli %add3A_346, %mul3A_347 : i32
        %add3A_349 = arith.addi %select_n3A_25, %mul3A_348 : i32
        %dma_start3A_350 = tpu.memref_slice %arg3[%add3A_349] : memref<322560xi32, #tpu.memory_space<hbm>> -> memref<80xi32, #tpu.memory_space<hbm>>
        %dma_start3A_351 = tpu.memref_slice %arg3[%add3A_349] : memref<322560xi32, #tpu.memory_space<hbm>> -> memref<80xi32, #tpu.memory_space<hbm>>
        tpu.enqueue_dma source(%dma_start3A_351 : memref<80xi32, #tpu.memory_space<hbm>>) target(%arg8 : memref<80xi32, #tpu.memory_space<vmem>>) target_semaphore(%arg33 : memref<!tpu.dma_semaphore, #tpu.memory_space<semaphore_mem>>)
        %mul3A_352 = arith.constant 80 : i32
        %mul3A_353 = arith.muli %add3A_346, %mul3A_352 : i32
        %add3A_354 = arith.addi %select_n3A_25, %mul3A_353 : i32
        %dma_start3A_355 = tpu.memref_slice %arg4[%add3A_354] : memref<322560xi32, #tpu.memory_space<hbm>> -> memref<80xi32, #tpu.memory_space<hbm>>
        %dma_start3A_356 = tpu.memref_slice %arg4[%add3A_354] : memref<322560xi32, #tpu.memory_space<hbm>> -> memref<80xi32, #tpu.memory_space<hbm>>
        tpu.enqueue_dma source(%dma_start3A_356 : memref<80xi32, #tpu.memory_space<hbm>>) target(%arg12 : memref<80xi32, #tpu.memory_space<vmem>>) target_semaphore(%arg37 : memref<!tpu.dma_semaphore, #tpu.memory_space<semaphore_mem>>)
      } else {
      }
      %while3A_344 = arith.constant 0 : i32
      scf.yield %while3A_344 : i32
    }
    %while3A_78 = arith.constant 1 : i32
    %while3A_79 = scf.for %while3A_98 = %while3A_75 to %while3A_71 step %while3A_78 iter_args(%while3A_99 = %while3A_77) -> (i32)  : i32 {
      %mul3A_100 = arith.constant 4 : i32
      %mul3A_101 = arith.muli %mul3A_100, %while3A_98 : i32
      %add3A_102 = arith.constant 0 : i32
      %add3A_103 = arith.addi %mul3A_101, %add3A_102 : i32
      %ge3A = arith.constant 3 : i32
      %ge3A_104 = arith.cmpi sge, %add3A_103, %ge3A : i32
      %convert_element_type3A_105 = arith.extui %ge3A_104 : i1 to i32
      %cond3A_106 = arith.constant 0 : i32
      %cond3A_107 = arith.cmpi ne, %convert_element_type3A_105, %cond3A_106 : i32
      scf.if %cond3A_107 {
        %dma_wait3A_345 = arith.constant 0 : i32
        %dma_wait3A_346 = arith.constant 0 : i32
        %dma_wait3A_347 = tpu.memref_slice %arg23[%dma_wait3A_345, %dma_wait3A_346] : memref<10240x128xf32, #tpu.memory_space<vmem_shared>> -> memref<10240x128xf32, #tpu.memory_space<vmem_shared>>
        tpu.wait_indirect_dma semaphore(%arg29 : memref<!tpu.dma_semaphore, #tpu.memory_space<semaphore_mem>>) src(%arg20 : memref<80x128xf32, #tpu.memory_space<vmem>>) dst(%dma_wait3A_347 : memref<10240x128xf32, #tpu.memory_space<vmem_shared>>)
      } else {
      }
      %add3A_108 = arith.constant 1 : i32
      %add3A_109 = arith.addi %add3A_103, %add3A_108 : i32
      %lt3A = arith.cmpi slt, %add3A_109, %select_n3A : i32
      %convert_element_type3A_110 = arith.extui %lt3A : i1 to i32
      %cond3A_111 = arith.constant 0 : i32
      %cond3A_112 = arith.cmpi ne, %convert_element_type3A_110, %cond3A_111 : i32
      scf.if %cond3A_112 {
        %add3A_345 = arith.constant 1 : i32
        %add3A_346 = arith.addi %add3A_103, %add3A_345 : i32
        %mul3A_347 = arith.constant 80 : i32
        %mul3A_348 = arith.muli %add3A_346, %mul3A_347 : i32
        %add3A_349 = arith.addi %select_n3A_25, %mul3A_348 : i32
        %dma_wait3A_350 = tpu.memref_slice %arg3[%add3A_349] : memref<322560xi32, #tpu.memory_space<hbm>> -> memref<80xi32, #tpu.memory_space<hbm>>
        %dma_wait3A_351 = tpu.memref_slice %arg3[%add3A_349] : memref<322560xi32, #tpu.memory_space<hbm>> -> memref<80xi32, #tpu.memory_space<hbm>>
        tpu.wait_dma2 semaphore(%arg33 : memref<!tpu.dma_semaphore, #tpu.memory_space<semaphore_mem>>) src(%dma_wait3A_351 : memref<80xi32, #tpu.memory_space<hbm>>) dst(%arg8 : memref<80xi32, #tpu.memory_space<vmem>>)
        %mul3A_352 = arith.constant 80 : i32
        %mul3A_353 = arith.muli %add3A_346, %mul3A_352 : i32
        %add3A_354 = arith.addi %select_n3A_25, %mul3A_353 : i32
        %dma_wait3A_355 = tpu.memref_slice %arg4[%add3A_354] : memref<322560xi32, #tpu.memory_space<hbm>> -> memref<80xi32, #tpu.memory_space<hbm>>
        %dma_wait3A_356 = tpu.memref_slice %arg4[%add3A_354] : memref<322560xi32, #tpu.memory_space<hbm>> -> memref<80xi32, #tpu.memory_space<hbm>>
        tpu.wait_dma2 semaphore(%arg37 : memref<!tpu.dma_semaphore, #tpu.memory_space<semaphore_mem>>) src(%dma_wait3A_356 : memref<80xi32, #tpu.memory_space<hbm>>) dst(%arg12 : memref<80xi32, #tpu.memory_space<vmem>>)
        %dma_start3A_357 = arith.constant 0 : i32
        %dma_start3A_358 = arith.constant 0 : i32
        %dma_start3A_359 = tpu.memref_slice %arg2[%dma_start3A_357, %dma_start3A_358] : memref<10000x128xf32, #tpu.memory_space<hbm>> -> memref<10000x128xf32, #tpu.memory_space<hbm>>
        tpu.enqueue_indirect_dma source(%dma_start3A_359 : memref<10000x128xf32, #tpu.memory_space<hbm>>) target(%arg20 : memref<80x128xf32, #tpu.memory_space<vmem>>) offsets(%arg8 : memref<80xi32, #tpu.memory_space<vmem>>) semaphore(%arg25 : memref<!tpu.dma_semaphore, #tpu.memory_space<semaphore_mem>>)
      } else {
      }
      %dma_wait3A_113 = arith.constant 0 : i32
      %dma_wait3A_114 = arith.constant 0 : i32
      %dma_wait3A_115 = tpu.memref_slice %arg2[%dma_wait3A_113, %dma_wait3A_114] : memref<10000x128xf32, #tpu.memory_space<hbm>> -> memref<10000x128xf32, #tpu.memory_space<hbm>>
      tpu.wait_indirect_dma semaphore(%arg24 : memref<!tpu.dma_semaphore, #tpu.memory_space<semaphore_mem>>) src(%dma_wait3A_115 : memref<10000x128xf32, #tpu.memory_space<hbm>>) dst(%arg19 : memref<80x128xf32, #tpu.memory_space<vmem>>)
      %get3A = arith.constant 0 : index
      %get3A_116 = tpu.vector_load %arg11[%get3A] {strides = array<i32>} : memref<80xi32, #tpu.memory_space<vmem>>, vector<16xi32>,
      %get3A_117 = vector.shape_cast %get3A_116 : vector<16xi32> to vector<16xi32>
      %swap3A = arith.constant 0 : index
      %swap3A_118 = tpu.vector_load %arg15[%swap3A] {strides = array<i32>} : memref<80xi32, #tpu.memory_space<vmem>>, vector<16xi32>,
      %swap3A_119 = vector.shape_cast %swap3A_118 : vector<16xi32> to vector<16xi32>
      %swap3A_120 = vector.shape_cast %get3A_117 : vector<16xi32> to vector<16xi32>
      tpu.vector_store %arg15[%swap3A], %swap3A_120 {strides = array<i32>} : memref<80xi32, #tpu.memory_space<vmem>>, vector<16xi32>,
      %get3A_121 = arith.constant 16 : index
      %get3A_122 = tpu.vector_load %arg11[%get3A_121] {strides = array<i32>} : memref<80xi32, #tpu.memory_space<vmem>>, vector<16xi32>,
      %get3A_123 = vector.shape_cast %get3A_122 : vector<16xi32> to vector<16xi32>
      %swap3A_124 = arith.constant 16 : index
      %swap3A_125 = tpu.vector_load %arg15[%swap3A_124] {strides = array<i32>} : memref<80xi32, #tpu.memory_space<vmem>>, vector<16xi32>,
      %swap3A_126 = vector.shape_cast %swap3A_125 : vector<16xi32> to vector<16xi32>
      %swap3A_127 = vector.shape_cast %get3A_123 : vector<16xi32> to vector<16xi32>
      tpu.vector_store %arg15[%swap3A_124], %swap3A_127 {strides = array<i32>} : memref<80xi32, #tpu.memory_space<vmem>>, vector<16xi32>,
      %get3A_128 = arith.constant 32 : index
      %get3A_129 = tpu.vector_load %arg11[%get3A_128] {strides = array<i32>} : memref<80xi32, #tpu.memory_space<vmem>>, vector<16xi32>,
      %get3A_130 = vector.shape_cast %get3A_129 : vector<16xi32> to vector<16xi32>
      %swap3A_131 = arith.constant 32 : index
      %swap3A_132 = tpu.vector_load %arg15[%swap3A_131] {strides = array<i32>} : memref<80xi32, #tpu.memory_space<vmem>>, vector<16xi32>,
      %swap3A_133 = vector.shape_cast %swap3A_132 : vector<16xi32> to vector<16xi32>
      %swap3A_134 = vector.shape_cast %get3A_130 : vector<16xi32> to vector<16xi32>
      tpu.vector_store %arg15[%swap3A_131], %swap3A_134 {strides = array<i32>} : memref<80xi32, #tpu.memory_space<vmem>>, vector<16xi32>,
      %get3A_135 = arith.constant 48 : index
      %get3A_136 = tpu.vector_load %arg11[%get3A_135] {strides = array<i32>} : memref<80xi32, #tpu.memory_space<vmem>>, vector<16xi32>,
      %get3A_137 = vector.shape_cast %get3A_136 : vector<16xi32> to vector<16xi32>
      %swap3A_138 = arith.constant 48 : index
      %swap3A_139 = tpu.vector_load %arg15[%swap3A_138] {strides = array<i32>} : memref<80xi32, #tpu.memory_space<vmem>>, vector<16xi32>,
      %swap3A_140 = vector.shape_cast %swap3A_139 : vector<16xi32> to vector<16xi32>
      %swap3A_141 = vector.shape_cast %get3A_137 : vector<16xi32> to vector<16xi32>
      tpu.vector_store %arg15[%swap3A_138], %swap3A_141 {strides = array<i32>} : memref<80xi32, #tpu.memory_space<vmem>>, vector<16xi32>,
      %get3A_142 = arith.constant 64 : index
      %get3A_143 = tpu.vector_load %arg11[%get3A_142] {strides = array<i32>} : memref<80xi32, #tpu.memory_space<vmem>>, vector<16xi32>,
      %get3A_144 = vector.shape_cast %get3A_143 : vector<16xi32> to vector<16xi32>
      %swap3A_145 = arith.constant 64 : index
      %swap3A_146 = tpu.vector_load %arg15[%swap3A_145] {strides = array<i32>} : memref<80xi32, #tpu.memory_space<vmem>>, vector<16xi32>,
      %swap3A_147 = vector.shape_cast %swap3A_146 : vector<16xi32> to vector<16xi32>
      %swap3A_148 = vector.shape_cast %get3A_144 : vector<16xi32> to vector<16xi32>
      tpu.vector_store %arg15[%swap3A_145], %swap3A_148 {strides = array<i32>} : memref<80xi32, #tpu.memory_space<vmem>>, vector<16xi32>,
      %dma_start3A_149 = arith.constant 0 : i32
      %dma_start3A_150 = arith.constant 0 : i32
      %dma_start3A_151 = tpu.memref_slice %arg23[%dma_start3A_149, %dma_start3A_150] : memref<10240x128xf32, #tpu.memory_space<vmem_shared>> -> memref<10240x128xf32, #tpu.memory_space<vmem_shared>>
      tpu.enqueue_indirect_dma source(%arg19 : memref<80x128xf32, #tpu.memory_space<vmem>>) target(%dma_start3A_151 : memref<10240x128xf32, #tpu.memory_space<vmem_shared>>) offsets(%arg15 : memref<80xi32, #tpu.memory_space<vmem>>) semaphore(%arg28 : memref<!tpu.dma_semaphore, #tpu.memory_space<semaphore_mem>>) {add = true}
      %add3A_152 = arith.constant 2 : i32
      %add3A_153 = arith.addi %add3A_103, %add3A_152 : i32
      %lt3A_154 = arith.cmpi slt, %add3A_153, %select_n3A : i32
      %convert_element_type3A_155 = arith.extui %lt3A_154 : i1 to i32
      %cond3A_156 = arith.constant 0 : i32
      %cond3A_157 = arith.cmpi ne, %convert_element_type3A_155, %cond3A_156 : i32
      scf.if %cond3A_157 {
        %add3A_345 = arith.constant 2 : i32
        %add3A_346 = arith.addi %add3A_103, %add3A_345 : i32
        %mul3A_347 = arith.constant 80 : i32
        %mul3A_348 = arith.muli %add3A_346, %mul3A_347 : i32
        %add3A_349 = arith.addi %select_n3A_25, %mul3A_348 : i32
        %dma_start3A_350 = tpu.memref_slice %arg3[%add3A_349] : memref<322560xi32, #tpu.memory_space<hbm>> -> memref<80xi32, #tpu.memory_space<hbm>>
        %dma_start3A_351 = tpu.memref_slice %arg3[%add3A_349] : memref<322560xi32, #tpu.memory_space<hbm>> -> memref<80xi32, #tpu.memory_space<hbm>>
        tpu.enqueue_dma source(%dma_start3A_351 : memref<80xi32, #tpu.memory_space<hbm>>) target(%arg9 : memref<80xi32, #tpu.memory_space<vmem>>) target_semaphore(%arg34 : memref<!tpu.dma_semaphore, #tpu.memory_space<semaphore_mem>>)
        %mul3A_352 = arith.constant 80 : i32
        %mul3A_353 = arith.muli %add3A_346, %mul3A_352 : i32
        %add3A_354 = arith.addi %select_n3A_25, %mul3A_353 : i32
        %dma_start3A_355 = tpu.memref_slice %arg4[%add3A_354] : memref<322560xi32, #tpu.memory_space<hbm>> -> memref<80xi32, #tpu.memory_space<hbm>>
        %dma_start3A_356 = tpu.memref_slice %arg4[%add3A_354] : memref<322560xi32, #tpu.memory_space<hbm>> -> memref<80xi32, #tpu.memory_space<hbm>>
        tpu.enqueue_dma source(%dma_start3A_356 : memref<80xi32, #tpu.memory_space<hbm>>) target(%arg13 : memref<80xi32, #tpu.memory_space<vmem>>) target_semaphore(%arg38 : memref<!tpu.dma_semaphore, #tpu.memory_space<semaphore_mem>>)
      } else {
      }
      %mul3A_158 = arith.constant 4 : i32
      %mul3A_159 = arith.muli %mul3A_158, %while3A_98 : i32
      %add3A_160 = arith.constant 1 : i32
      %add3A_161 = arith.addi %mul3A_159, %add3A_160 : i32
      %ge3A_162 = arith.constant 3 : i32
      %ge3A_163 = arith.cmpi sge, %add3A_161, %ge3A_162 : i32
      %convert_element_type3A_164 = arith.extui %ge3A_163 : i1 to i32
      %cond3A_165 = arith.constant 0 : i32
      %cond3A_166 = arith.cmpi ne, %convert_element_type3A_164, %cond3A_165 : i32
      scf.if %cond3A_166 {
        %dma_wait3A_345 = arith.constant 0 : i32
        %dma_wait3A_346 = arith.constant 0 : i32
        %dma_wait3A_347 = tpu.memref_slice %arg23[%dma_wait3A_345, %dma_wait3A_346] : memref<10240x128xf32, #tpu.memory_space<vmem_shared>> -> memref<10240x128xf32, #tpu.memory_space<vmem_shared>>
        tpu.wait_indirect_dma semaphore(%arg30 : memref<!tpu.dma_semaphore, #tpu.memory_space<semaphore_mem>>) src(%arg21 : memref<80x128xf32, #tpu.memory_space<vmem>>) dst(%dma_wait3A_347 : memref<10240x128xf32, #tpu.memory_space<vmem_shared>>)
      } else {
      }
      %add3A_167 = arith.constant 1 : i32
      %add3A_168 = arith.addi %add3A_161, %add3A_167 : i32
      %lt3A_169 = arith.cmpi slt, %add3A_168, %select_n3A : i32
      %convert_element_type3A_170 = arith.extui %lt3A_169 : i1 to i32
      %cond3A_171 = arith.constant 0 : i32
      %cond3A_172 = arith.cmpi ne, %convert_element_type3A_170, %cond3A_171 : i32
      scf.if %cond3A_172 {
        %add3A_345 = arith.constant 1 : i32
        %add3A_346 = arith.addi %add3A_161, %add3A_345 : i32
        %mul3A_347 = arith.constant 80 : i32
        %mul3A_348 = arith.muli %add3A_346, %mul3A_347 : i32
        %add3A_349 = arith.addi %select_n3A_25, %mul3A_348 : i32
        %dma_wait3A_350 = tpu.memref_slice %arg3[%add3A_349] : memref<322560xi32, #tpu.memory_space<hbm>> -> memref<80xi32, #tpu.memory_space<hbm>>
        %dma_wait3A_351 = tpu.memref_slice %arg3[%add3A_349] : memref<322560xi32, #tpu.memory_space<hbm>> -> memref<80xi32, #tpu.memory_space<hbm>>
        tpu.wait_dma2 semaphore(%arg34 : memref<!tpu.dma_semaphore, #tpu.memory_space<semaphore_mem>>) src(%dma_wait3A_351 : memref<80xi32, #tpu.memory_space<hbm>>) dst(%arg9 : memref<80xi32, #tpu.memory_space<vmem>>)
        %mul3A_352 = arith.constant 80 : i32
        %mul3A_353 = arith.muli %add3A_346, %mul3A_352 : i32
        %add3A_354 = arith.addi %select_n3A_25, %mul3A_353 : i32
        %dma_wait3A_355 = tpu.memref_slice %arg4[%add3A_354] : memref<322560xi32, #tpu.memory_space<hbm>> -> memref<80xi32, #tpu.memory_space<hbm>>
        %dma_wait3A_356 = tpu.memref_slice %arg4[%add3A_354] : memref<322560xi32, #tpu.memory_space<hbm>> -> memref<80xi32, #tpu.memory_space<hbm>>
        tpu.wait_dma2 semaphore(%arg38 : memref<!tpu.dma_semaphore, #tpu.memory_space<semaphore_mem>>) src(%dma_wait3A_356 : memref<80xi32, #tpu.memory_space<hbm>>) dst(%arg13 : memref<80xi32, #tpu.memory_space<vmem>>)
        %dma_start3A_357 = arith.constant 0 : i32
        %dma_start3A_358 = arith.constant 0 : i32
        %dma_start3A_359 = tpu.memref_slice %arg2[%dma_start3A_357, %dma_start3A_358] : memref<10000x128xf32, #tpu.memory_space<hbm>> -> memref<10000x128xf32, #tpu.memory_space<hbm>>
        tpu.enqueue_indirect_dma source(%dma_start3A_359 : memref<10000x128xf32, #tpu.memory_space<hbm>>) target(%arg21 : memref<80x128xf32, #tpu.memory_space<vmem>>) offsets(%arg9 : memref<80xi32, #tpu.memory_space<vmem>>) semaphore(%arg26 : memref<!tpu.dma_semaphore, #tpu.memory_space<semaphore_mem>>)
      } else {
      }
      %dma_wait3A_173 = arith.constant 0 : i32
      %dma_wait3A_174 = arith.constant 0 : i32
      %dma_wait3A_175 = tpu.memref_slice %arg2[%dma_wait3A_173, %dma_wait3A_174] : memref<10000x128xf32, #tpu.memory_space<hbm>> -> memref<10000x128xf32, #tpu.memory_space<hbm>>
      tpu.wait_indirect_dma semaphore(%arg25 : memref<!tpu.dma_semaphore, #tpu.memory_space<semaphore_mem>>) src(%dma_wait3A_175 : memref<10000x128xf32, #tpu.memory_space<hbm>>) dst(%arg20 : memref<80x128xf32, #tpu.memory_space<vmem>>)
      %get3A_176 = arith.constant 0 : index
      %get3A_177 = tpu.vector_load %arg12[%get3A_176] {strides = array<i32>} : memref<80xi32, #tpu.memory_space<vmem>>, vector<16xi32>,
      %get3A_178 = vector.shape_cast %get3A_177 : vector<16xi32> to vector<16xi32>
      %swap3A_179 = arith.constant 0 : index
      %swap3A_180 = tpu.vector_load %arg16[%swap3A_179] {strides = array<i32>} : memref<80xi32, #tpu.memory_space<vmem>>, vector<16xi32>,
      %swap3A_181 = vector.shape_cast %swap3A_180 : vector<16xi32> to vector<16xi32>
      %swap3A_182 = vector.shape_cast %get3A_178 : vector<16xi32> to vector<16xi32>
      tpu.vector_store %arg16[%swap3A_179], %swap3A_182 {strides = array<i32>} : memref<80xi32, #tpu.memory_space<vmem>>, vector<16xi32>,
      %get3A_183 = arith.constant 16 : index
      %get3A_184 = tpu.vector_load %arg12[%get3A_183] {strides = array<i32>} : memref<80xi32, #tpu.memory_space<vmem>>, vector<16xi32>,
      %get3A_185 = vector.shape_cast %get3A_184 : vector<16xi32> to vector<16xi32>
      %swap3A_186 = arith.constant 16 : index
      %swap3A_187 = tpu.vector_load %arg16[%swap3A_186] {strides = array<i32>} : memref<80xi32, #tpu.memory_space<vmem>>, vector<16xi32>,
      %swap3A_188 = vector.shape_cast %swap3A_187 : vector<16xi32> to vector<16xi32>
      %swap3A_189 = vector.shape_cast %get3A_185 : vector<16xi32> to vector<16xi32>
      tpu.vector_store %arg16[%swap3A_186], %swap3A_189 {strides = array<i32>} : memref<80xi32, #tpu.memory_space<vmem>>, vector<16xi32>,
      %get3A_190 = arith.constant 32 : index
      %get3A_191 = tpu.vector_load %arg12[%get3A_190] {strides = array<i32>} : memref<80xi32, #tpu.memory_space<vmem>>, vector<16xi32>,
      %get3A_192 = vector.shape_cast %get3A_191 : vector<16xi32> to vector<16xi32>
      %swap3A_193 = arith.constant 32 : index
      %swap3A_194 = tpu.vector_load %arg16[%swap3A_193] {strides = array<i32>} : memref<80xi32, #tpu.memory_space<vmem>>, vector<16xi32>,
      %swap3A_195 = vector.shape_cast %swap3A_194 : vector<16xi32> to vector<16xi32>
      %swap3A_196 = vector.shape_cast %get3A_192 : vector<16xi32> to vector<16xi32>
      tpu.vector_store %arg16[%swap3A_193], %swap3A_196 {strides = array<i32>} : memref<80xi32, #tpu.memory_space<vmem>>, vector<16xi32>,
      %get3A_197 = arith.constant 48 : index
      %get3A_198 = tpu.vector_load %arg12[%get3A_197] {strides = array<i32>} : memref<80xi32, #tpu.memory_space<vmem>>, vector<16xi32>,
      %get3A_199 = vector.shape_cast %get3A_198 : vector<16xi32> to vector<16xi32>
      %swap3A_200 = arith.constant 48 : index
      %swap3A_201 = tpu.vector_load %arg16[%swap3A_200] {strides = array<i32>} : memref<80xi32, #tpu.memory_space<vmem>>, vector<16xi32>,
      %swap3A_202 = vector.shape_cast %swap3A_201 : vector<16xi32> to vector<16xi32>
      %swap3A_203 = vector.shape_cast %get3A_199 : vector<16xi32> to vector<16xi32>
      tpu.vector_store %arg16[%swap3A_200], %swap3A_203 {strides = array<i32>} : memref<80xi32, #tpu.memory_space<vmem>>, vector<16xi32>,
      %get3A_204 = arith.constant 64 : index
      %get3A_205 = tpu.vector_load %arg12[%get3A_204] {strides = array<i32>} : memref<80xi32, #tpu.memory_space<vmem>>, vector<16xi32>,
      %get3A_206 = vector.shape_cast %get3A_205 : vector<16xi32> to vector<16xi32>
      %swap3A_207 = arith.constant 64 : index
      %swap3A_208 = tpu.vector_load %arg16[%swap3A_207] {strides = array<i32>} : memref<80xi32, #tpu.memory_space<vmem>>, vector<16xi32>,
      %swap3A_209 = vector.shape_cast %swap3A_208 : vector<16xi32> to vector<16xi32>
      %swap3A_210 = vector.shape_cast %get3A_206 : vector<16xi32> to vector<16xi32>
      tpu.vector_store %arg16[%swap3A_207], %swap3A_210 {strides = array<i32>} : memref<80xi32, #tpu.memory_space<vmem>>, vector<16xi32>,
      %dma_start3A_211 = arith.constant 0 : i32
      %dma_start3A_212 = arith.constant 0 : i32
      %dma_start3A_213 = tpu.memref_slice %arg23[%dma_start3A_211, %dma_start3A_212] : memref<10240x128xf32, #tpu.memory_space<vmem_shared>> -> memref<10240x128xf32, #tpu.memory_space<vmem_shared>>
      tpu.enqueue_indirect_dma source(%arg20 : memref<80x128xf32, #tpu.memory_space<vmem>>) target(%dma_start3A_213 : memref<10240x128xf32, #tpu.memory_space<vmem_shared>>) offsets(%arg16 : memref<80xi32, #tpu.memory_space<vmem>>) semaphore(%arg29 : memref<!tpu.dma_semaphore, #tpu.memory_space<semaphore_mem>>) {add = true}
      %add3A_214 = arith.constant 2 : i32
      %add3A_215 = arith.addi %add3A_161, %add3A_214 : i32
      %lt3A_216 = arith.cmpi slt, %add3A_215, %select_n3A : i32
      %convert_element_type3A_217 = arith.extui %lt3A_216 : i1 to i32
      %cond3A_218 = arith.constant 0 : i32
      %cond3A_219 = arith.cmpi ne, %convert_element_type3A_217, %cond3A_218 : i32
      scf.if %cond3A_219 {
        %add3A_345 = arith.constant 2 : i32
        %add3A_346 = arith.addi %add3A_161, %add3A_345 : i32
        %mul3A_347 = arith.constant 80 : i32
        %mul3A_348 = arith.muli %add3A_346, %mul3A_347 : i32
        %add3A_349 = arith.addi %select_n3A_25, %mul3A_348 : i32
        %dma_start3A_350 = tpu.memref_slice %arg3[%add3A_349] : memref<322560xi32, #tpu.memory_space<hbm>> -> memref<80xi32, #tpu.memory_space<hbm>>
        %dma_start3A_351 = tpu.memref_slice %arg3[%add3A_349] : memref<322560xi32, #tpu.memory_space<hbm>> -> memref<80xi32, #tpu.memory_space<hbm>>
        tpu.enqueue_dma source(%dma_start3A_351 : memref<80xi32, #tpu.memory_space<hbm>>) target(%arg10 : memref<80xi32, #tpu.memory_space<vmem>>) target_semaphore(%arg35 : memref<!tpu.dma_semaphore, #tpu.memory_space<semaphore_mem>>)
        %mul3A_352 = arith.constant 80 : i32
        %mul3A_353 = arith.muli %add3A_346, %mul3A_352 : i32
        %add3A_354 = arith.addi %select_n3A_25, %mul3A_353 : i32
        %dma_start3A_355 = tpu.memref_slice %arg4[%add3A_354] : memref<322560xi32, #tpu.memory_space<hbm>> -> memref<80xi32, #tpu.memory_space<hbm>>
        %dma_start3A_356 = tpu.memref_slice %arg4[%add3A_354] : memref<322560xi32, #tpu.memory_space<hbm>> -> memref<80xi32, #tpu.memory_space<hbm>>
        tpu.enqueue_dma source(%dma_start3A_356 : memref<80xi32, #tpu.memory_space<hbm>>) target(%arg14 : memref<80xi32, #tpu.memory_space<vmem>>) target_semaphore(%arg39 : memref<!tpu.dma_semaphore, #tpu.memory_space<semaphore_mem>>)
      } else {
      }
      %mul3A_220 = arith.constant 4 : i32
      %mul3A_221 = arith.muli %mul3A_220, %while3A_98 : i32
      %add3A_222 = arith.constant 2 : i32
      %add3A_223 = arith.addi %mul3A_221, %add3A_222 : i32
      %ge3A_224 = arith.constant 3 : i32
      %ge3A_225 = arith.cmpi sge, %add3A_223, %ge3A_224 : i32
      %convert_element_type3A_226 = arith.extui %ge3A_225 : i1 to i32
      %cond3A_227 = arith.constant 0 : i32
      %cond3A_228 = arith.cmpi ne, %convert_element_type3A_226, %cond3A_227 : i32
      scf.if %cond3A_228 {
        %dma_wait3A_345 = arith.constant 0 : i32
        %dma_wait3A_346 = arith.constant 0 : i32
        %dma_wait3A_347 = tpu.memref_slice %arg23[%dma_wait3A_345, %dma_wait3A_346] : memref<10240x128xf32, #tpu.memory_space<vmem_shared>> -> memref<10240x128xf32, #tpu.memory_space<vmem_shared>>
        tpu.wait_indirect_dma semaphore(%arg31 : memref<!tpu.dma_semaphore, #tpu.memory_space<semaphore_mem>>) src(%arg22 : memref<80x128xf32, #tpu.memory_space<vmem>>) dst(%dma_wait3A_347 : memref<10240x128xf32, #tpu.memory_space<vmem_shared>>)
      } else {
      }
      %add3A_229 = arith.constant 1 : i32
      %add3A_230 = arith.addi %add3A_223, %add3A_229 : i32
      %lt3A_231 = arith.cmpi slt, %add3A_230, %select_n3A : i32
      %convert_element_type3A_232 = arith.extui %lt3A_231 : i1 to i32
      %cond3A_233 = arith.constant 0 : i32
      %cond3A_234 = arith.cmpi ne, %convert_element_type3A_232, %cond3A_233 : i32
      scf.if %cond3A_234 {
        %add3A_345 = arith.constant 1 : i32
        %add3A_346 = arith.addi %add3A_223, %add3A_345 : i32
        %mul3A_347 = arith.constant 80 : i32
        %mul3A_348 = arith.muli %add3A_346, %mul3A_347 : i32
        %add3A_349 = arith.addi %select_n3A_25, %mul3A_348 : i32
        %dma_wait3A_350 = tpu.memref_slice %arg3[%add3A_349] : memref<322560xi32, #tpu.memory_space<hbm>> -> memref<80xi32, #tpu.memory_space<hbm>>
        %dma_wait3A_351 = tpu.memref_slice %arg3[%add3A_349] : memref<322560xi32, #tpu.memory_space<hbm>> -> memref<80xi32, #tpu.memory_space<hbm>>
        tpu.wait_dma2 semaphore(%arg35 : memref<!tpu.dma_semaphore, #tpu.memory_space<semaphore_mem>>) src(%dma_wait3A_351 : memref<80xi32, #tpu.memory_space<hbm>>) dst(%arg10 : memref<80xi32, #tpu.memory_space<vmem>>)
        %mul3A_352 = arith.constant 80 : i32
        %mul3A_353 = arith.muli %add3A_346, %mul3A_352 : i32
        %add3A_354 = arith.addi %select_n3A_25, %mul3A_353 : i32
        %dma_wait3A_355 = tpu.memref_slice %arg4[%add3A_354] : memref<322560xi32, #tpu.memory_space<hbm>> -> memref<80xi32, #tpu.memory_space<hbm>>
        %dma_wait3A_356 = tpu.memref_slice %arg4[%add3A_354] : memref<322560xi32, #tpu.memory_space<hbm>> -> memref<80xi32, #tpu.memory_space<hbm>>
        tpu.wait_dma2 semaphore(%arg39 : memref<!tpu.dma_semaphore, #tpu.memory_space<semaphore_mem>>) src(%dma_wait3A_356 : memref<80xi32, #tpu.memory_space<hbm>>) dst(%arg14 : memref<80xi32, #tpu.memory_space<vmem>>)
        %dma_start3A_357 = arith.constant 0 : i32
        %dma_start3A_358 = arith.constant 0 : i32
        %dma_start3A_359 = tpu.memref_slice %arg2[%dma_start3A_357, %dma_start3A_358] : memref<10000x128xf32, #tpu.memory_space<hbm>> -> memref<10000x128xf32, #tpu.memory_space<hbm>>
        tpu.enqueue_indirect_dma source(%dma_start3A_359 : memref<10000x128xf32, #tpu.memory_space<hbm>>) target(%arg22 : memref<80x128xf32, #tpu.memory_space<vmem>>) offsets(%arg10 : memref<80xi32, #tpu.memory_space<vmem>>) semaphore(%arg27 : memref<!tpu.dma_semaphore, #tpu.memory_space<semaphore_mem>>)
      } else {
      }
      %dma_wait3A_235 = arith.constant 0 : i32
      %dma_wait3A_236 = arith.constant 0 : i32
      %dma_wait3A_237 = tpu.memref_slice %arg2[%dma_wait3A_235, %dma_wait3A_236] : memref<10000x128xf32, #tpu.memory_space<hbm>> -> memref<10000x128xf32, #tpu.memory_space<hbm>>
      tpu.wait_indirect_dma semaphore(%arg26 : memref<!tpu.dma_semaphore, #tpu.memory_space<semaphore_mem>>) src(%dma_wait3A_237 : memref<10000x128xf32, #tpu.memory_space<hbm>>) dst(%arg21 : memref<80x128xf32, #tpu.memory_space<vmem>>)
      %get3A_238 = arith.constant 0 : index
      %get3A_239 = tpu.vector_load %arg13[%get3A_238] {strides = array<i32>} : memref<80xi32, #tpu.memory_space<vmem>>, vector<16xi32>,
      %get3A_240 = vector.shape_cast %get3A_239 : vector<16xi32> to vector<16xi32>
      %swap3A_241 = arith.constant 0 : index
      %swap3A_242 = tpu.vector_load %arg17[%swap3A_241] {strides = array<i32>} : memref<80xi32, #tpu.memory_space<vmem>>, vector<16xi32>,
      %swap3A_243 = vector.shape_cast %swap3A_242 : vector<16xi32> to vector<16xi32>
      %swap3A_244 = vector.shape_cast %get3A_240 : vector<16xi32> to vector<16xi32>
      tpu.vector_store %arg17[%swap3A_241], %swap3A_244 {strides = array<i32>} : memref<80xi32, #tpu.memory_space<vmem>>, vector<16xi32>,
      %get3A_245 = arith.constant 16 : index
      %get3A_246 = tpu.vector_load %arg13[%get3A_245] {strides = array<i32>} : memref<80xi32, #tpu.memory_space<vmem>>, vector<16xi32>,
      %get3A_247 = vector.shape_cast %get3A_246 : vector<16xi32> to vector<16xi32>
      %swap3A_248 = arith.constant 16 : index
      %swap3A_249 = tpu.vector_load %arg17[%swap3A_248] {strides = array<i32>} : memref<80xi32, #tpu.memory_space<vmem>>, vector<16xi32>,
      %swap3A_250 = vector.shape_cast %swap3A_249 : vector<16xi32> to vector<16xi32>
      %swap3A_251 = vector.shape_cast %get3A_247 : vector<16xi32> to vector<16xi32>
      tpu.vector_store %arg17[%swap3A_248], %swap3A_251 {strides = array<i32>} : memref<80xi32, #tpu.memory_space<vmem>>, vector<16xi32>,
      %get3A_252 = arith.constant 32 : index
      %get3A_253 = tpu.vector_load %arg13[%get3A_252] {strides = array<i32>} : memref<80xi32, #tpu.memory_space<vmem>>, vector<16xi32>,
      %get3A_254 = vector.shape_cast %get3A_253 : vector<16xi32> to vector<16xi32>
      %swap3A_255 = arith.constant 32 : index
      %swap3A_256 = tpu.vector_load %arg17[%swap3A_255] {strides = array<i32>} : memref<80xi32, #tpu.memory_space<vmem>>, vector<16xi32>,
      %swap3A_257 = vector.shape_cast %swap3A_256 : vector<16xi32> to vector<16xi32>
      %swap3A_258 = vector.shape_cast %get3A_254 : vector<16xi32> to vector<16xi32>
      tpu.vector_store %arg17[%swap3A_255], %swap3A_258 {strides = array<i32>} : memref<80xi32, #tpu.memory_space<vmem>>, vector<16xi32>,
      %get3A_259 = arith.constant 48 : index
      %get3A_260 = tpu.vector_load %arg13[%get3A_259] {strides = array<i32>} : memref<80xi32, #tpu.memory_space<vmem>>, vector<16xi32>,
      %get3A_261 = vector.shape_cast %get3A_260 : vector<16xi32> to vector<16xi32>
      %swap3A_262 = arith.constant 48 : index
      %swap3A_263 = tpu.vector_load %arg17[%swap3A_262] {strides = array<i32>} : memref<80xi32, #tpu.memory_space<vmem>>, vector<16xi32>,
      %swap3A_264 = vector.shape_cast %swap3A_263 : vector<16xi32> to vector<16xi32>
      %swap3A_265 = vector.shape_cast %get3A_261 : vector<16xi32> to vector<16xi32>
      tpu.vector_store %arg17[%swap3A_262], %swap3A_265 {strides = array<i32>} : memref<80xi32, #tpu.memory_space<vmem>>, vector<16xi32>,
      %get3A_266 = arith.constant 64 : index
      %get3A_267 = tpu.vector_load %arg13[%get3A_266] {strides = array<i32>} : memref<80xi32, #tpu.memory_space<vmem>>, vector<16xi32>,
      %get3A_268 = vector.shape_cast %get3A_267 : vector<16xi32> to vector<16xi32>
      %swap3A_269 = arith.constant 64 : index
      %swap3A_270 = tpu.vector_load %arg17[%swap3A_269] {strides = array<i32>} : memref<80xi32, #tpu.memory_space<vmem>>, vector<16xi32>,
      %swap3A_271 = vector.shape_cast %swap3A_270 : vector<16xi32> to vector<16xi32>
      %swap3A_272 = vector.shape_cast %get3A_268 : vector<16xi32> to vector<16xi32>
      tpu.vector_store %arg17[%swap3A_269], %swap3A_272 {strides = array<i32>} : memref<80xi32, #tpu.memory_space<vmem>>, vector<16xi32>,
      %dma_start3A_273 = arith.constant 0 : i32
      %dma_start3A_274 = arith.constant 0 : i32
      %dma_start3A_275 = tpu.memref_slice %arg23[%dma_start3A_273, %dma_start3A_274] : memref<10240x128xf32, #tpu.memory_space<vmem_shared>> -> memref<10240x128xf32, #tpu.memory_space<vmem_shared>>
      tpu.enqueue_indirect_dma source(%arg21 : memref<80x128xf32, #tpu.memory_space<vmem>>) target(%dma_start3A_275 : memref<10240x128xf32, #tpu.memory_space<vmem_shared>>) offsets(%arg17 : memref<80xi32, #tpu.memory_space<vmem>>) semaphore(%arg30 : memref<!tpu.dma_semaphore, #tpu.memory_space<semaphore_mem>>) {add = true}
      %add3A_276 = arith.constant 2 : i32
      %add3A_277 = arith.addi %add3A_223, %add3A_276 : i32
      %lt3A_278 = arith.cmpi slt, %add3A_277, %select_n3A : i32
      %convert_element_type3A_279 = arith.extui %lt3A_278 : i1 to i32
      %cond3A_280 = arith.constant 0 : i32
      %cond3A_281 = arith.cmpi ne, %convert_element_type3A_279, %cond3A_280 : i32
      scf.if %cond3A_281 {
        %add3A_345 = arith.constant 2 : i32
        %add3A_346 = arith.addi %add3A_223, %add3A_345 : i32
        %mul3A_347 = arith.constant 80 : i32
        %mul3A_348 = arith.muli %add3A_346, %mul3A_347 : i32
        %add3A_349 = arith.addi %select_n3A_25, %mul3A_348 : i32
        %dma_start3A_350 = tpu.memref_slice %arg3[%add3A_349] : memref<322560xi32, #tpu.memory_space<hbm>> -> memref<80xi32, #tpu.memory_space<hbm>>
        %dma_start3A_351 = tpu.memref_slice %arg3[%add3A_349] : memref<322560xi32, #tpu.memory_space<hbm>> -> memref<80xi32, #tpu.memory_space<hbm>>
        tpu.enqueue_dma source(%dma_start3A_351 : memref<80xi32, #tpu.memory_space<hbm>>) target(%arg7 : memref<80xi32, #tpu.memory_space<vmem>>) target_semaphore(%arg32 : memref<!tpu.dma_semaphore, #tpu.memory_space<semaphore_mem>>)
        %mul3A_352 = arith.constant 80 : i32
        %mul3A_353 = arith.muli %add3A_346, %mul3A_352 : i32
        %add3A_354 = arith.addi %select_n3A_25, %mul3A_353 : i32
        %dma_start3A_355 = tpu.memref_slice %arg4[%add3A_354] : memref<322560xi32, #tpu.memory_space<hbm>> -> memref<80xi32, #tpu.memory_space<hbm>>
        %dma_start3A_356 = tpu.memref_slice %arg4[%add3A_354] : memref<322560xi32, #tpu.memory_space<hbm>> -> memref<80xi32, #tpu.memory_space<hbm>>
        tpu.enqueue_dma source(%dma_start3A_356 : memref<80xi32, #tpu.memory_space<hbm>>) target(%arg11 : memref<80xi32, #tpu.memory_space<vmem>>) target_semaphore(%arg36 : memref<!tpu.dma_semaphore, #tpu.memory_space<semaphore_mem>>)
      } else {
      }
      %mul3A_282 = arith.constant 4 : i32
      %mul3A_283 = arith.muli %mul3A_282, %while3A_98 : i32
      %add3A_284 = arith.constant 3 : i32
      %add3A_285 = arith.addi %mul3A_283, %add3A_284 : i32
      %ge3A_286 = arith.constant 3 : i32
      %ge3A_287 = arith.cmpi sge, %add3A_285, %ge3A_286 : i32
      %convert_element_type3A_288 = arith.extui %ge3A_287 : i1 to i32
      %cond3A_289 = arith.constant 0 : i32
      %cond3A_290 = arith.cmpi ne, %convert_element_type3A_288, %cond3A_289 : i32
      scf.if %cond3A_290 {
        %dma_wait3A_345 = arith.constant 0 : i32
        %dma_wait3A_346 = arith.constant 0 : i32
        %dma_wait3A_347 = tpu.memref_slice %arg23[%dma_wait3A_345, %dma_wait3A_346] : memref<10240x128xf32, #tpu.memory_space<vmem_shared>> -> memref<10240x128xf32, #tpu.memory_space<vmem_shared>>
        tpu.wait_indirect_dma semaphore(%arg28 : memref<!tpu.dma_semaphore, #tpu.memory_space<semaphore_mem>>) src(%arg19 : memref<80x128xf32, #tpu.memory_space<vmem>>) dst(%dma_wait3A_347 : memref<10240x128xf32, #tpu.memory_space<vmem_shared>>)
      } else {
      }
      %add3A_291 = arith.constant 1 : i32
      %add3A_292 = arith.addi %add3A_285, %add3A_291 : i32
      %lt3A_293 = arith.cmpi slt, %add3A_292, %select_n3A : i32
      %convert_element_type3A_294 = arith.extui %lt3A_293 : i1 to i32
      %cond3A_295 = arith.constant 0 : i32
      %cond3A_296 = arith.cmpi ne, %convert_element_type3A_294, %cond3A_295 : i32
      scf.if %cond3A_296 {
        %add3A_345 = arith.constant 1 : i32
        %add3A_346 = arith.addi %add3A_285, %add3A_345 : i32
        %mul3A_347 = arith.constant 80 : i32
        %mul3A_348 = arith.muli %add3A_346, %mul3A_347 : i32
        %add3A_349 = arith.addi %select_n3A_25, %mul3A_348 : i32
        %dma_wait3A_350 = tpu.memref_slice %arg3[%add3A_349] : memref<322560xi32, #tpu.memory_space<hbm>> -> memref<80xi32, #tpu.memory_space<hbm>>
        %dma_wait3A_351 = tpu.memref_slice %arg3[%add3A_349] : memref<322560xi32, #tpu.memory_space<hbm>> -> memref<80xi32, #tpu.memory_space<hbm>>
        tpu.wait_dma2 semaphore(%arg32 : memref<!tpu.dma_semaphore, #tpu.memory_space<semaphore_mem>>) src(%dma_wait3A_351 : memref<80xi32, #tpu.memory_space<hbm>>) dst(%arg7 : memref<80xi32, #tpu.memory_space<vmem>>)
        %mul3A_352 = arith.constant 80 : i32
        %mul3A_353 = arith.muli %add3A_346, %mul3A_352 : i32
        %add3A_354 = arith.addi %select_n3A_25, %mul3A_353 : i32
        %dma_wait3A_355 = tpu.memref_slice %arg4[%add3A_354] : memref<322560xi32, #tpu.memory_space<hbm>> -> memref<80xi32, #tpu.memory_space<hbm>>
        %dma_wait3A_356 = tpu.memref_slice %arg4[%add3A_354] : memref<322560xi32, #tpu.memory_space<hbm>> -> memref<80xi32, #tpu.memory_space<hbm>>
        tpu.wait_dma2 semaphore(%arg36 : memref<!tpu.dma_semaphore, #tpu.memory_space<semaphore_mem>>) src(%dma_wait3A_356 : memref<80xi32, #tpu.memory_space<hbm>>) dst(%arg11 : memref<80xi32, #tpu.memory_space<vmem>>)
        %dma_start3A_357 = arith.constant 0 : i32
        %dma_start3A_358 = arith.constant 0 : i32
        %dma_start3A_359 = tpu.memref_slice %arg2[%dma_start3A_357, %dma_start3A_358] : memref<10000x128xf32, #tpu.memory_space<hbm>> -> memref<10000x128xf32, #tpu.memory_space<hbm>>
        tpu.enqueue_indirect_dma source(%dma_start3A_359 : memref<10000x128xf32, #tpu.memory_space<hbm>>) target(%arg19 : memref<80x128xf32, #tpu.memory_space<vmem>>) offsets(%arg7 : memref<80xi32, #tpu.memory_space<vmem>>) semaphore(%arg24 : memref<!tpu.dma_semaphore, #tpu.memory_space<semaphore_mem>>)
      } else {
      }
      %dma_wait3A_297 = arith.constant 0 : i32
      %dma_wait3A_298 = arith.constant 0 : i32
      %dma_wait3A_299 = tpu.memref_slice %arg2[%dma_wait3A_297, %dma_wait3A_298] : memref<10000x128xf32, #tpu.memory_space<hbm>> -> memref<10000x128xf32, #tpu.memory_space<hbm>>
      tpu.wait_indirect_dma semaphore(%arg27 : memref<!tpu.dma_semaphore, #tpu.memory_space<semaphore_mem>>) src(%dma_wait3A_299 : memref<10000x128xf32, #tpu.memory_space<hbm>>) dst(%arg22 : memref<80x128xf32, #tpu.memory_space<vmem>>)
      %get3A_300 = arith.constant 0 : index
      %get3A_301 = tpu.vector_load %arg14[%get3A_300] {strides = array<i32>} : memref<80xi32, #tpu.memory_space<vmem>>, vector<16xi32>,
      %get3A_302 = vector.shape_cast %get3A_301 : vector<16xi32> to vector<16xi32>
      %swap3A_303 = arith.constant 0 : index
      %swap3A_304 = tpu.vector_load %arg18[%swap3A_303] {strides = array<i32>} : memref<80xi32, #tpu.memory_space<vmem>>, vector<16xi32>,
      %swap3A_305 = vector.shape_cast %swap3A_304 : vector<16xi32> to vector<16xi32>
      %swap3A_306 = vector.shape_cast %get3A_302 : vector<16xi32> to vector<16xi32>
      tpu.vector_store %arg18[%swap3A_303], %swap3A_306 {strides = array<i32>} : memref<80xi32, #tpu.memory_space<vmem>>, vector<16xi32>,
      %get3A_307 = arith.constant 16 : index
      %get3A_308 = tpu.vector_load %arg14[%get3A_307] {strides = array<i32>} : memref<80xi32, #tpu.memory_space<vmem>>, vector<16xi32>,
      %get3A_309 = vector.shape_cast %get3A_308 : vector<16xi32> to vector<16xi32>
      %swap3A_310 = arith.constant 16 : index
      %swap3A_311 = tpu.vector_load %arg18[%swap3A_310] {strides = array<i32>} : memref<80xi32, #tpu.memory_space<vmem>>, vector<16xi32>,
      %swap3A_312 = vector.shape_cast %swap3A_311 : vector<16xi32> to vector<16xi32>
      %swap3A_313 = vector.shape_cast %get3A_309 : vector<16xi32> to vector<16xi32>
      tpu.vector_store %arg18[%swap3A_310], %swap3A_313 {strides = array<i32>} : memref<80xi32, #tpu.memory_space<vmem>>, vector<16xi32>,
      %get3A_314 = arith.constant 32 : index
      %get3A_315 = tpu.vector_load %arg14[%get3A_314] {strides = array<i32>} : memref<80xi32, #tpu.memory_space<vmem>>, vector<16xi32>,
      %get3A_316 = vector.shape_cast %get3A_315 : vector<16xi32> to vector<16xi32>
      %swap3A_317 = arith.constant 32 : index
      %swap3A_318 = tpu.vector_load %arg18[%swap3A_317] {strides = array<i32>} : memref<80xi32, #tpu.memory_space<vmem>>, vector<16xi32>,
      %swap3A_319 = vector.shape_cast %swap3A_318 : vector<16xi32> to vector<16xi32>
      %swap3A_320 = vector.shape_cast %get3A_316 : vector<16xi32> to vector<16xi32>
      tpu.vector_store %arg18[%swap3A_317], %swap3A_320 {strides = array<i32>} : memref<80xi32, #tpu.memory_space<vmem>>, vector<16xi32>,
      %get3A_321 = arith.constant 48 : index
      %get3A_322 = tpu.vector_load %arg14[%get3A_321] {strides = array<i32>} : memref<80xi32, #tpu.memory_space<vmem>>, vector<16xi32>,
      %get3A_323 = vector.shape_cast %get3A_322 : vector<16xi32> to vector<16xi32>
      %swap3A_324 = arith.constant 48 : index
      %swap3A_325 = tpu.vector_load %arg18[%swap3A_324] {strides = array<i32>} : memref<80xi32, #tpu.memory_space<vmem>>, vector<16xi32>,
      %swap3A_326 = vector.shape_cast %swap3A_325 : vector<16xi32> to vector<16xi32>
      %swap3A_327 = vector.shape_cast %get3A_323 : vector<16xi32> to vector<16xi32>
      tpu.vector_store %arg18[%swap3A_324], %swap3A_327 {strides = array<i32>} : memref<80xi32, #tpu.memory_space<vmem>>, vector<16xi32>,
      %get3A_328 = arith.constant 64 : index
      %get3A_329 = tpu.vector_load %arg14[%get3A_328] {strides = array<i32>} : memref<80xi32, #tpu.memory_space<vmem>>, vector<16xi32>,
      %get3A_330 = vector.shape_cast %get3A_329 : vector<16xi32> to vector<16xi32>
      %swap3A_331 = arith.constant 64 : index
      %swap3A_332 = tpu.vector_load %arg18[%swap3A_331] {strides = array<i32>} : memref<80xi32, #tpu.memory_space<vmem>>, vector<16xi32>,
      %swap3A_333 = vector.shape_cast %swap3A_332 : vector<16xi32> to vector<16xi32>
      %swap3A_334 = vector.shape_cast %get3A_330 : vector<16xi32> to vector<16xi32>
      tpu.vector_store %arg18[%swap3A_331], %swap3A_334 {strides = array<i32>} : memref<80xi32, #tpu.memory_space<vmem>>, vector<16xi32>,
      %dma_start3A_335 = arith.constant 0 : i32
      %dma_start3A_336 = arith.constant 0 : i32
      %dma_start3A_337 = tpu.memref_slice %arg23[%dma_start3A_335, %dma_start3A_336] : memref<10240x128xf32, #tpu.memory_space<vmem_shared>> -> memref<10240x128xf32, #tpu.memory_space<vmem_shared>>
      tpu.enqueue_indirect_dma source(%arg22 : memref<80x128xf32, #tpu.memory_space<vmem>>) target(%dma_start3A_337 : memref<10240x128xf32, #tpu.memory_space<vmem_shared>>) offsets(%arg18 : memref<80xi32, #tpu.memory_space<vmem>>) semaphore(%arg31 : memref<!tpu.dma_semaphore, #tpu.memory_space<semaphore_mem>>) {add = true}
      %add3A_338 = arith.constant 2 : i32
      %add3A_339 = arith.addi %add3A_285, %add3A_338 : i32
      %lt3A_340 = arith.cmpi slt, %add3A_339, %select_n3A : i32
      %convert_element_type3A_341 = arith.extui %lt3A_340 : i1 to i32
      %cond3A_342 = arith.constant 0 : i32
      %cond3A_343 = arith.cmpi ne, %convert_element_type3A_341, %cond3A_342 : i32
      scf.if %cond3A_343 {
        %add3A_345 = arith.constant 2 : i32
        %add3A_346 = arith.addi %add3A_285, %add3A_345 : i32
        %mul3A_347 = arith.constant 80 : i32
        %mul3A_348 = arith.muli %add3A_346, %mul3A_347 : i32
        %add3A_349 = arith.addi %select_n3A_25, %mul3A_348 : i32
        %dma_start3A_350 = tpu.memref_slice %arg3[%add3A_349] : memref<322560xi32, #tpu.memory_space<hbm>> -> memref<80xi32, #tpu.memory_space<hbm>>
        %dma_start3A_351 = tpu.memref_slice %arg3[%add3A_349] : memref<322560xi32, #tpu.memory_space<hbm>> -> memref<80xi32, #tpu.memory_space<hbm>>
        tpu.enqueue_dma source(%dma_start3A_351 : memref<80xi32, #tpu.memory_space<hbm>>) target(%arg8 : memref<80xi32, #tpu.memory_space<vmem>>) target_semaphore(%arg33 : memref<!tpu.dma_semaphore, #tpu.memory_space<semaphore_mem>>)
        %mul3A_352 = arith.constant 80 : i32
        %mul3A_353 = arith.muli %add3A_346, %mul3A_352 : i32
        %add3A_354 = arith.addi %select_n3A_25, %mul3A_353 : i32
        %dma_start3A_355 = tpu.memref_slice %arg4[%add3A_354] : memref<322560xi32, #tpu.memory_space<hbm>> -> memref<80xi32, #tpu.memory_space<hbm>>
        %dma_start3A_356 = tpu.memref_slice %arg4[%add3A_354] : memref<322560xi32, #tpu.memory_space<hbm>> -> memref<80xi32, #tpu.memory_space<hbm>>
        tpu.enqueue_dma source(%dma_start3A_356 : memref<80xi32, #tpu.memory_space<hbm>>) target(%arg12 : memref<80xi32, #tpu.memory_space<vmem>>) target_semaphore(%arg37 : memref<!tpu.dma_semaphore, #tpu.memory_space<semaphore_mem>>)
      } else {
      }
      %while3A_344 = arith.constant 0 : i32
      scf.yield %while3A_344 : i32
    }
    %dma_wait3A_80 = arith.constant 0 : i32
    %dma_wait3A_81 = arith.constant 0 : i32
    %dma_wait3A_82 = tpu.memref_slice %arg23[%dma_wait3A_80, %dma_wait3A_81] : memref<10240x128xf32, #tpu.memory_space<vmem_shared>> -> memref<10240x128xf32, #tpu.memory_space<vmem_shared>>
    tpu.wait_indirect_dma semaphore(%arg29 : memref<!tpu.dma_semaphore, #tpu.memory_space<semaphore_mem>>) src(%arg20 : memref<80x128xf32, #tpu.memory_space<vmem>>) dst(%dma_wait3A_82 : memref<10240x128xf32, #tpu.memory_space<vmem_shared>>)
    %dma_wait3A_83 = arith.constant 0 : i32
    %dma_wait3A_84 = arith.constant 0 : i32
    %dma_wait3A_85 = tpu.memref_slice %arg23[%dma_wait3A_83, %dma_wait3A_84] : memref<10240x128xf32, #tpu.memory_space<vmem_shared>> -> memref<10240x128xf32, #tpu.memory_space<vmem_shared>>
    tpu.wait_indirect_dma semaphore(%arg30 : memref<!tpu.dma_semaphore, #tpu.memory_space<semaphore_mem>>) src(%arg21 : memref<80x128xf32, #tpu.memory_space<vmem>>) dst(%dma_wait3A_85 : memref<10240x128xf32, #tpu.memory_space<vmem_shared>>)
    %dma_wait3A_86 = arith.constant 0 : i32
    %dma_wait3A_87 = arith.constant 0 : i32
    %dma_wait3A_88 = tpu.memref_slice %arg23[%dma_wait3A_86, %dma_wait3A_87] : memref<10240x128xf32, #tpu.memory_space<vmem_shared>> -> memref<10240x128xf32, #tpu.memory_space<vmem_shared>>
    tpu.wait_indirect_dma semaphore(%arg31 : memref<!tpu.dma_semaphore, #tpu.memory_space<semaphore_mem>>) src(%arg22 : memref<80x128xf32, #tpu.memory_space<vmem>>) dst(%dma_wait3A_88 : memref<10240x128xf32, #tpu.memory_space<vmem_shared>>)
    %barrier3A_89 = arith.constant 0 : index
    tpu.barrier barrier_id(%barrier3A_89)
    %eq3A_90 = arith.constant 0 : i32
    %eq3A_91 = arith.cmpi eq, %arg0, %eq3A_90 : i32
    %convert_element_type3A = arith.extui %eq3A_91 : i1 to i32
    %cond3A = arith.constant 0 : i32
    %cond3A_92 = arith.cmpi ne, %convert_element_type3A, %cond3A : i32
    scf.if %cond3A_92 {
      %mul3A_98 = arith.constant 640 : i32
      %mul3A_99 = arith.muli %arg1, %mul3A_98 : i32
      %mul3A_100 = arith.constant 640 : i32
      %mul3A_101 = arith.muli %arg1, %mul3A_100 : i32
      "tpu.region"() ({
        %run_scoped3A = tpu.sem_alloc : memref<!tpu.dma_semaphore, #tpu.memory_space<semaphore_mem>>
        %dma_start3A_102 = arith.constant 0 : i32
        %dma_start3A_103 = tpu.memref_slice %arg5[%mul3A_101, %dma_start3A_102] : memref<10240x128xf32, #tpu.memory_space<hbm>> -> memref<640x128xf32, #tpu.memory_space<hbm>>
        %dma_start3A_104 = arith.constant 0 : i32
        %dma_start3A_105 = tpu.memref_slice %arg23[%mul3A_99, %dma_start3A_104] : memref<10240x128xf32, #tpu.memory_space<vmem_shared>> -> memref<640x128xf32, #tpu.memory_space<vmem_shared>>
        tpu.enqueue_dma source(%dma_start3A_105 : memref<640x128xf32, #tpu.memory_space<vmem_shared>>) target(%dma_start3A_103 : memref<640x128xf32, #tpu.memory_space<hbm>>) target_semaphore(%run_scoped3A : memref<!tpu.dma_semaphore, #tpu.memory_space<semaphore_mem>>)
        %dma_wait3A_106 = arith.constant 0 : i32
        %dma_wait3A_107 = tpu.memref_slice %arg5[%mul3A_101, %dma_wait3A_106] : memref<10240x128xf32, #tpu.memory_space<hbm>> -> memref<640x128xf32, #tpu.memory_space<hbm>>
        %dma_wait3A_108 = arith.constant 0 : i32
        %dma_wait3A_109 = tpu.memref_slice %arg23[%mul3A_99, %dma_wait3A_108] : memref<10240x128xf32, #tpu.memory_space<vmem_shared>> -> memref<640x128xf32, #tpu.memory_space<vmem_shared>>
        tpu.wait_dma2 semaphore(%run_scoped3A : memref<!tpu.dma_semaphore, #tpu.memory_space<semaphore_mem>>) src(%dma_wait3A_109 : memref<640x128xf32, #tpu.memory_space<vmem_shared>>) dst(%dma_wait3A_107 : memref<640x128xf32, #tpu.memory_space<hbm>>)
        tpu.yield
      }) : () -> ()
    } else {
    }
    %eq3A_93 = arith.constant 1 : i32
    %eq3A_94 = arith.cmpi eq, %arg0, %eq3A_93 : i32
    %convert_element_type3A_95 = arith.extui %eq3A_94 : i1 to i32
    %cond3A_96 = arith.constant 0 : i32
    %cond3A_97 = arith.cmpi ne, %convert_element_type3A_95, %cond3A_96 : i32
    scf.if %cond3A_97 {
      %mul3A_98 = arith.constant 640 : i32
      %mul3A_99 = arith.muli %arg1, %mul3A_98 : i32
      %mul3A_100 = arith.constant 640 : i32
      %mul3A_101 = arith.muli %arg1, %mul3A_100 : i32
      "tpu.region"() ({
        %run_scoped3A = tpu.sem_alloc : memref<!tpu.dma_semaphore, #tpu.memory_space<semaphore_mem>>
        %dma_start3A_102 = arith.constant 0 : i32
        %dma_start3A_103 = tpu.memref_slice %arg6[%mul3A_101, %dma_start3A_102] : memref<10240x128xf32, #tpu.memory_space<hbm>> -> memref<640x128xf32, #tpu.memory_space<hbm>>
        %dma_start3A_104 = arith.constant 0 : i32
        %dma_start3A_105 = tpu.memref_slice %arg23[%mul3A_99, %dma_start3A_104] : memref<10240x128xf32, #tpu.memory_space<vmem_shared>> -> memref<640x128xf32, #tpu.memory_space<vmem_shared>>
        tpu.enqueue_dma source(%dma_start3A_105 : memref<640x128xf32, #tpu.memory_space<vmem_shared>>) target(%dma_start3A_103 : memref<640x128xf32, #tpu.memory_space<hbm>>) target_semaphore(%run_scoped3A : memref<!tpu.dma_semaphore, #tpu.memory_space<semaphore_mem>>)
        %dma_wait3A_106 = arith.constant 0 : i32
        %dma_wait3A_107 = tpu.memref_slice %arg6[%mul3A_101, %dma_wait3A_106] : memref<10240x128xf32, #tpu.memory_space<hbm>> -> memref<640x128xf32, #tpu.memory_space<hbm>>
        %dma_wait3A_108 = arith.constant 0 : i32
        %dma_wait3A_109 = tpu.memref_slice %arg23[%mul3A_99, %dma_wait3A_108] : memref<10240x128xf32, #tpu.memory_space<vmem_shared>> -> memref<640x128xf32, #tpu.memory_space<vmem_shared>>
        tpu.wait_dma2 semaphore(%run_scoped3A : memref<!tpu.dma_semaphore, #tpu.memory_space<semaphore_mem>>) src(%dma_wait3A_109 : memref<640x128xf32, #tpu.memory_space<vmem_shared>>) dst(%dma_wait3A_107 : memref<640x128xf32, #tpu.memory_space<hbm>>)
        tpu.yield
      }) : () -> ()
    } else {
    }
    return
  }
}

#map = affine_map<(d0, d1) -> (0, 0)>
#map1 = affine_map<(d0, d1) -> (0)>
module attributes {stable_mosaic.version = 14 : i64} {
  func.func @agg_kernel(%arg0: i32, %arg1: i32, %arg2: memref<10000x128xf32, #tpu.memory_space<hbm>>, %arg3: memref<322560xi32, #tpu.memory_space<hbm>>, %arg4: memref<322560xi32, #tpu.memory_space<hbm>>, %arg5: memref<10240x128xf32, #tpu.memory_space<hbm>>, %arg6: memref<10240x128xf32, #tpu.memory_space<hbm>>, %arg7: memref<80xi32, #tpu.memory_space<vmem>>, %arg8: memref<80xi32, #tpu.memory_space<vmem>>, %arg9: memref<80xi32, #tpu.memory_space<vmem>>, %arg10: memref<80xi32, #tpu.memory_space<vmem>>, %arg11: memref<80xi32, #tpu.memory_space<vmem>>, %arg12: memref<80xi32, #tpu.memory_space<vmem>>, %arg13: memref<80xi32, #tpu.memory_space<vmem>>, %arg14: memref<80xi32, #tpu.memory_space<vmem>>, %arg15: memref<80xi32, #tpu.memory_space<vmem>>, %arg16: memref<80xi32, #tpu.memory_space<vmem>>, %arg17: memref<80xi32, #tpu.memory_space<vmem>>, %arg18: memref<80xi32, #tpu.memory_space<vmem>>, %arg19: memref<80x128xf32, #tpu.memory_space<vmem>>, %arg20: memref<80x128xf32, #tpu.memory_space<vmem>>, %arg21: memref<80x128xf32, #tpu.memory_space<vmem>>, %arg22: memref<80x128xf32, #tpu.memory_space<vmem>>, %arg23: memref<10240x128xf32, #tpu.memory_space<vmem_shared>>, %arg24: memref<!tpu.dma_semaphore, #tpu.memory_space<semaphore_mem>>, %arg25: memref<!tpu.dma_semaphore, #tpu.memory_space<semaphore_mem>>, %arg26: memref<!tpu.dma_semaphore, #tpu.memory_space<semaphore_mem>>, %arg27: memref<!tpu.dma_semaphore, #tpu.memory_space<semaphore_mem>>, %arg28: memref<!tpu.dma_semaphore, #tpu.memory_space<semaphore_mem>>, %arg29: memref<!tpu.dma_semaphore, #tpu.memory_space<semaphore_mem>>, %arg30: memref<!tpu.dma_semaphore, #tpu.memory_space<semaphore_mem>>, %arg31: memref<!tpu.dma_semaphore, #tpu.memory_space<semaphore_mem>>, %arg32: memref<!tpu.dma_semaphore, #tpu.memory_space<semaphore_mem>>, %arg33: memref<!tpu.dma_semaphore, #tpu.memory_space<semaphore_mem>>, %arg34: memref<!tpu.dma_semaphore, #tpu.memory_space<semaphore_mem>>, %arg35: memref<!tpu.dma_semaphore, #tpu.memory_space<semaphore_mem>>, %arg36: memref<!tpu.dma_semaphore, #tpu.memory_space<semaphore_mem>>, %arg37: memref<!tpu.dma_semaphore, #tpu.memory_space<semaphore_mem>>, %arg38: memref<!tpu.dma_semaphore, #tpu.memory_space<semaphore_mem>>, %arg39: memref<!tpu.dma_semaphore, #tpu.memory_space<semaphore_mem>>) attributes {dimension_semantics = [#tpu.dimension_semantics<core_parallel>, #tpu.dimension_semantics<subcore_parallel>], iteration_bounds = array<i64: 2, 16>, scalar_prefetch = 0 : i64, scratch_operands = 33 : i64, tpu.core_type = #tpu.core_type<sc_vector_subcore>, window_params = [{transform_indices = #map}, {transform_indices = #map1}, {transform_indices = #map1}, {transform_indices = #map}, {transform_indices = #map}]} {
    %mul3A = arith.constant 16 : i32
    %mul3A_0 = arith.muli %arg0, %mul3A : i32
    %add3A = arith.addi %mul3A_0, %arg1 : i32
    %broadcast_in_dim3A = arith.constant 0.000000e+00 : f32
    %broadcast_in_dim3A_1 = vector.broadcast %broadcast_in_dim3A : f32 to vector<16xf32>
    %scan3A = arith.constant 0 : i32
    %scan3A_2 = arith.constant 0 : i32
    %scan3A_3 = arith.constant 640 : i32
    %scan3A_4 = arith.addi %scan3A_2, %scan3A_3 : i32
    %scan3A_5 = arith.constant 1 : i32
    %scan3A_6 = scf.for %scan3A_98 = %scan3A_2 to %scan3A_4 step %scan3A_5 iter_args(%scan3A_99 = %scan3A) -> (i32)  : i32 {
      %jit3A_100 = arith.constant 8 : i32
      %div3A_101 = arith.divsi %scan3A_98, %jit3A_100 : i32
      %sign3A_102 = arith.constant 0 : i32
      %sign3A_103 = arith.cmpi sgt, %scan3A_98, %sign3A_102 : i32
      %sign3A_104 = arith.extui %sign3A_103 : i1 to i32
      %sign3A_105 = arith.constant 0 : i32
      %sign3A_106 = arith.cmpi slt, %scan3A_98, %sign3A_105 : i32
      %sign3A_107 = arith.extui %sign3A_106 : i1 to i32
      %sign3A_108 = arith.subi %sign3A_104, %sign3A_107 : i32
      %sign3A_109 = arith.constant 0 : i32
      %sign3A_110 = arith.cmpi sgt, %jit3A_100, %sign3A_109 : i32
      %sign3A_111 = arith.extui %sign3A_110 : i1 to i32
      %sign3A_112 = arith.constant 0 : i32
      %sign3A_113 = arith.cmpi slt, %jit3A_100, %sign3A_112 : i32
      %sign3A_114 = arith.extui %sign3A_113 : i1 to i32
      %sign3A_115 = arith.subi %sign3A_111, %sign3A_114 : i32
      %ne3A_116 = arith.cmpi ne, %sign3A_108, %sign3A_115 : i32
      %rem3A_117 = arith.remsi %scan3A_98, %jit3A_100 : i32
      %ne3A_118 = arith.constant 0 : i32
      %ne3A_119 = arith.cmpi ne, %rem3A_117, %ne3A_118 : i32
      %and3A_120 = arith.andi %ne3A_116, %ne3A_119 : i1
      %sub3A_121 = arith.constant 1 : i32
      %sub3A_122 = arith.subi %div3A_101, %sub3A_121 : i32
      %select_n3A_123 = arith.select %and3A_120, %sub3A_122, %div3A_101 : i32
      %jit3A_124 = arith.constant 8 : i32
      %eq3A_125 = arith.constant 0 : i32
      %eq3A_126 = arith.cmpi eq, %jit3A_124, %eq3A_125 : i32
      %jit3A_127 = arith.constant 1 : i32
      %select_n3A_128 = arith.select %eq3A_126, %jit3A_127, %jit3A_124 : i32
      %rem3A_129 = arith.remsi %scan3A_98, %select_n3A_128 : i32
      %ne3A_130 = arith.constant 0 : i32
      %ne3A_131 = arith.cmpi ne, %rem3A_129, %ne3A_130 : i32
      %lt3A = arith.constant 0 : i32
      %lt3A_132 = arith.cmpi slt, %rem3A_129, %lt3A : i32
      %lt3A_133 = arith.constant 0 : i32
      %lt3A_134 = arith.cmpi slt, %select_n3A_128, %lt3A_133 : i32
      %ne3A_135 = arith.xori %lt3A_132, %lt3A_134 : i1
      %and3A_136 = arith.andi %ne3A_135, %ne3A_131 : i1
      %add3A_137 = arith.addi %rem3A_129, %select_n3A_128 : i32
      %select_n3A_138 = arith.select %and3A_136, %add3A_137, %rem3A_129 : i32
      %mul3A_139 = arith.constant 16 : i32
      %mul3A_140 = arith.muli %select_n3A_138, %mul3A_139 : i32
      %swap3A = arith.index_cast %select_n3A_123 : i32 to index
      %swap3A_141 = arith.index_cast %mul3A_140 : i32 to index
      %swap3A_142 = tpu.vector_load %arg19[%swap3A, %swap3A_141] {strides = array<i32>} : memref<80x128xf32, #tpu.memory_space<vmem>>, vector<1x16xf32>,
      %swap3A_143 = vector.shape_cast %swap3A_142 : vector<1x16xf32> to vector<16xf32>
      %swap3A_144 = vector.shape_cast %broadcast_in_dim3A_1 : vector<16xf32> to vector<1x16xf32>
      tpu.vector_store %arg19[%swap3A, %swap3A_141], %swap3A_144 {strides = array<i32>} : memref<80x128xf32, #tpu.memory_space<vmem>>, vector<1x16xf32>,
      %scan3A_145 = arith.constant 0 : i32
      scf.yield %scan3A_145 : i32
    }
    %scan3A_7 = arith.constant 640 : i32
    %scan3A_8 = arith.constant 0 : i32
    %scan3A_9 = arith.constant 0 : i32
    %scan3A_10 = arith.constant 8 : i32
    %scan3A_11 = arith.addi %scan3A_9, %scan3A_10 : i32
    %scan3A_12 = arith.constant 1 : i32
    %scan3A_13 = scf.for %scan3A_98 = %scan3A_9 to %scan3A_11 step %scan3A_12 iter_args(%scan3A_99 = %scan3A_8) -> (i32)  : i32 {
      %mul3A_100 = arith.constant 640 : i32
      %mul3A_101 = arith.muli %arg1, %mul3A_100 : i32
      %mul3A_102 = arith.constant 80 : i32
      %mul3A_103 = arith.muli %scan3A_98, %mul3A_102 : i32
      %add3A_104 = arith.addi %mul3A_101, %mul3A_103 : i32
      "tpu.region"() ({
        %run_scoped3A = tpu.sem_alloc : memref<!tpu.dma_semaphore, #tpu.memory_space<semaphore_mem>>
        %dma_start3A_106 = arith.constant 0 : i32
        %dma_start3A_107 = tpu.memref_slice %arg23[%add3A_104, %dma_start3A_106] : memref<10240x128xf32, #tpu.memory_space<vmem_shared>> -> memref<80x128xf32, #tpu.memory_space<vmem_shared>>
        %dma_start3A_108 = arith.constant 0 : i32
        %dma_start3A_109 = tpu.memref_slice %arg23[%add3A_104, %dma_start3A_108] : memref<10240x128xf32, #tpu.memory_space<vmem_shared>> -> memref<80x128xf32, #tpu.memory_space<vmem_shared>>
        tpu.enqueue_dma source(%arg19 : memref<80x128xf32, #tpu.memory_space<vmem>>) target(%dma_start3A_109 : memref<80x128xf32, #tpu.memory_space<vmem_shared>>) target_semaphore(%run_scoped3A : memref<!tpu.dma_semaphore, #tpu.memory_space<semaphore_mem>>)
        %dma_wait3A_110 = arith.constant 0 : i32
        %dma_wait3A_111 = tpu.memref_slice %arg23[%add3A_104, %dma_wait3A_110] : memref<10240x128xf32, #tpu.memory_space<vmem_shared>> -> memref<80x128xf32, #tpu.memory_space<vmem_shared>>
        %dma_wait3A_112 = arith.constant 0 : i32
        %dma_wait3A_113 = tpu.memref_slice %arg23[%add3A_104, %dma_wait3A_112] : memref<10240x128xf32, #tpu.memory_space<vmem_shared>> -> memref<80x128xf32, #tpu.memory_space<vmem_shared>>
        tpu.wait_dma2 semaphore(%run_scoped3A : memref<!tpu.dma_semaphore, #tpu.memory_space<semaphore_mem>>) src(%arg19 : memref<80x128xf32, #tpu.memory_space<vmem>>) dst(%dma_wait3A_113 : memref<80x128xf32, #tpu.memory_space<vmem_shared>>)
        tpu.yield
      }) : () -> ()
      %scan3A_105 = arith.constant 0 : i32
      scf.yield %scan3A_105 : i32
    }
    %scan3A_14 = arith.constant 8 : i32
    %barrier3A = arith.constant 0 : index
    tpu.barrier barrier_id(%barrier3A)
    %eq3A = arith.constant 0 : i32
    %eq3A_15 = arith.cmpi eq, %arg0, %eq3A : i32
    %jit3A = arith.constant 180 : i32
    %jit3A_16 = arith.constant 72 : i32
    %select_n3A = arith.select %eq3A_15, %jit3A, %jit3A_16 : i32
    %eq3A_17 = arith.constant 0 : i32
    %eq3A_18 = arith.cmpi eq, %arg0, %eq3A_17 : i32
    %mul3A_19 = arith.constant 14400 : i32
    %mul3A_20 = arith.muli %arg1, %mul3A_19 : i32
    %mul3A_21 = arith.constant 5760 : i32
    %mul3A_22 = arith.muli %arg1, %mul3A_21 : i32
    %add3A_23 = arith.constant 230400 : i32
    %add3A_24 = arith.addi %add3A_23, %mul3A_22 : i32
    %select_n3A_25 = arith.select %eq3A_18, %mul3A_20, %add3A_24 : i32
    %add3A_26 = arith.constant 0 : i32
    %add3A_27 = arith.addi %select_n3A_25, %add3A_26 : i32
    %dma_start3A = tpu.memref_slice %arg3[%add3A_27] : memref<322560xi32, #tpu.memory_space<hbm>> -> memref<80xi32, #tpu.memory_space<hbm>>
    %dma_start3A_28 = tpu.memref_slice %arg3[%add3A_27] : memref<322560xi32, #tpu.memory_space<hbm>> -> memref<80xi32, #tpu.memory_space<hbm>>
    tpu.enqueue_dma source(%dma_start3A_28 : memref<80xi32, #tpu.memory_space<hbm>>) target(%arg7 : memref<80xi32, #tpu.memory_space<vmem>>) target_semaphore(%arg32 : memref<!tpu.dma_semaphore, #tpu.memory_space<semaphore_mem>>)
    %add3A_29 = arith.constant 0 : i32
    %add3A_30 = arith.addi %select_n3A_25, %add3A_29 : i32
    %dma_start3A_31 = tpu.memref_slice %arg4[%add3A_30] : memref<322560xi32, #tpu.memory_space<hbm>> -> memref<80xi32, #tpu.memory_space<hbm>>
    %dma_start3A_32 = tpu.memref_slice %arg4[%add3A_30] : memref<322560xi32, #tpu.memory_space<hbm>> -> memref<80xi32, #tpu.memory_space<hbm>>
    tpu.enqueue_dma source(%dma_start3A_32 : memref<80xi32, #tpu.memory_space<hbm>>) target(%arg11 : memref<80xi32, #tpu.memory_space<vmem>>) target_semaphore(%arg36 : memref<!tpu.dma_semaphore, #tpu.memory_space<semaphore_mem>>)
    %add3A_33 = arith.constant 0 : i32
    %add3A_34 = arith.addi %select_n3A_25, %add3A_33 : i32
    %dma_wait3A = tpu.memref_slice %arg3[%add3A_34] : memref<322560xi32, #tpu.memory_space<hbm>> -> memref<80xi32, #tpu.memory_space<hbm>>
    %dma_wait3A_35 = tpu.memref_slice %arg3[%add3A_34] : memref<322560xi32, #tpu.memory_space<hbm>> -> memref<80xi32, #tpu.memory_space<hbm>>
    tpu.wait_dma2 semaphore(%arg32 : memref<!tpu.dma_semaphore, #tpu.memory_space<semaphore_mem>>) src(%dma_wait3A_35 : memref<80xi32, #tpu.memory_space<hbm>>) dst(%arg7 : memref<80xi32, #tpu.memory_space<vmem>>)
    %add3A_36 = arith.constant 0 : i32
    %add3A_37 = arith.addi %select_n3A_25, %add3A_36 : i32
    %dma_wait3A_38 = tpu.memref_slice %arg4[%add3A_37] : memref<322560xi32, #tpu.memory_space<hbm>> -> memref<80xi32, #tpu.memory_space<hbm>>
    %dma_wait3A_39 = tpu.memref_slice %arg4[%add3A_37] : memref<322560xi32, #tpu.memory_space<hbm>> -> memref<80xi32, #tpu.memory_space<hbm>>
    tpu.wait_dma2 semaphore(%arg36 : memref<!tpu.dma_semaphore, #tpu.memory_space<semaphore_mem>>) src(%dma_wait3A_39 : memref<80xi32, #tpu.memory_space<hbm>>) dst(%arg11 : memref<80xi32, #tpu.memory_space<vmem>>)
    %dma_start3A_40 = arith.constant 0 : i32
    %dma_start3A_41 = arith.constant 0 : i32
    %dma_start3A_42 = tpu.memref_slice %arg2[%dma_start3A_40, %dma_start3A_41] : memref<10000x128xf32, #tpu.memory_space<hbm>> -> memref<10000x128xf32, #tpu.memory_space<hbm>>
    tpu.enqueue_indirect_dma source(%dma_start3A_42 : memref<10000x128xf32, #tpu.memory_space<hbm>>) target(%arg19 : memref<80x128xf32, #tpu.memory_space<vmem>>) offsets(%arg7 : memref<80xi32, #tpu.memory_space<vmem>>) semaphore(%arg24 : memref<!tpu.dma_semaphore, #tpu.memory_space<semaphore_mem>>)
    %add3A_43 = arith.constant 80 : i32
    %add3A_44 = arith.addi %select_n3A_25, %add3A_43 : i32
    %dma_start3A_45 = tpu.memref_slice %arg3[%add3A_44] : memref<322560xi32, #tpu.memory_space<hbm>> -> memref<80xi32, #tpu.memory_space<hbm>>
    %dma_start3A_46 = tpu.memref_slice %arg3[%add3A_44] : memref<322560xi32, #tpu.memory_space<hbm>> -> memref<80xi32, #tpu.memory_space<hbm>>
    tpu.enqueue_dma source(%dma_start3A_46 : memref<80xi32, #tpu.memory_space<hbm>>) target(%arg8 : memref<80xi32, #tpu.memory_space<vmem>>) target_semaphore(%arg33 : memref<!tpu.dma_semaphore, #tpu.memory_space<semaphore_mem>>)
    %add3A_47 = arith.constant 80 : i32
    %add3A_48 = arith.addi %select_n3A_25, %add3A_47 : i32
    %dma_start3A_49 = tpu.memref_slice %arg4[%add3A_48] : memref<322560xi32, #tpu.memory_space<hbm>> -> memref<80xi32, #tpu.memory_space<hbm>>
    %dma_start3A_50 = tpu.memref_slice %arg4[%add3A_48] : memref<322560xi32, #tpu.memory_space<hbm>> -> memref<80xi32, #tpu.memory_space<hbm>>
    tpu.enqueue_dma source(%dma_start3A_50 : memref<80xi32, #tpu.memory_space<hbm>>) target(%arg12 : memref<80xi32, #tpu.memory_space<vmem>>) target_semaphore(%arg37 : memref<!tpu.dma_semaphore, #tpu.memory_space<semaphore_mem>>)
    %jit3A_51 = arith.constant 4 : i32
    %div3A = arith.divsi %select_n3A, %jit3A_51 : i32
    %sign3A = arith.constant 0 : i32
    %sign3A_52 = arith.cmpi sgt, %select_n3A, %sign3A : i32
    %sign3A_53 = arith.extui %sign3A_52 : i1 to i32
    %sign3A_54 = arith.constant 0 : i32
    %sign3A_55 = arith.cmpi slt, %select_n3A, %sign3A_54 : i32
    %sign3A_56 = arith.extui %sign3A_55 : i1 to i32
    %sign3A_57 = arith.subi %sign3A_53, %sign3A_56 : i32
    %sign3A_58 = arith.constant 0 : i32
    %sign3A_59 = arith.cmpi sgt, %jit3A_51, %sign3A_58 : i32
    %sign3A_60 = arith.extui %sign3A_59 : i1 to i32
    %sign3A_61 = arith.constant 0 : i32
    %sign3A_62 = arith.cmpi slt, %jit3A_51, %sign3A_61 : i32
    %sign3A_63 = arith.extui %sign3A_62 : i1 to i32
    %sign3A_64 = arith.subi %sign3A_60, %sign3A_63 : i32
    %ne3A = arith.cmpi ne, %sign3A_57, %sign3A_64 : i32
    %rem3A = arith.remsi %select_n3A, %jit3A_51 : i32
    %ne3A_65 = arith.constant 0 : i32
    %ne3A_66 = arith.cmpi ne, %rem3A, %ne3A_65 : i32
    %and3A = arith.andi %ne3A, %ne3A_66 : i1
    %sub3A = arith.constant 1 : i32
    %sub3A_67 = arith.subi %div3A, %sub3A : i32
    %select_n3A_68 = arith.select %and3A, %sub3A_67, %div3A : i32
    %while3A = arith.constant 0 : i32
    %while3A_69 = arith.constant 0 : i32
    %while3A_70 = arith.subi %select_n3A_68, %while3A : i32
    %while3A_71 = arith.addi %while3A, %while3A_70 : i32
    %while3A_72 = arith.constant 1 : i32
    %while3A_73 = arith.divsi %while3A_70, %while3A_72 : i32
    %while3A_74 = arith.muli %while3A_73, %while3A_72 : i32
    %while3A_75 = arith.addi %while3A, %while3A_74 : i32
    %while3A_76 = arith.constant 1 : i32
    %while3A_77 = scf.for %while3A_98 = %while3A to %while3A_75 step %while3A_76 iter_args(%while3A_99 = %while3A_69) -> (i32)  : i32 {
      %mul3A_100 = arith.constant 4 : i32
      %mul3A_101 = arith.muli %mul3A_100, %while3A_98 : i32
      %add3A_102 = arith.constant 0 : i32
      %add3A_103 = arith.addi %mul3A_101, %add3A_102 : i32
      %ge3A = arith.constant 3 : i32
      %ge3A_104 = arith.cmpi sge, %add3A_103, %ge3A : i32
      %convert_element_type3A_105 = arith.extui %ge3A_104 : i1 to i32
      %cond3A_106 = arith.constant 0 : i32
      %cond3A_107 = arith.cmpi ne, %convert_element_type3A_105, %cond3A_106 : i32
      scf.if %cond3A_107 {
        %dma_wait3A_345 = arith.constant 0 : i32
        %dma_wait3A_346 = arith.constant 0 : i32
        %dma_wait3A_347 = tpu.memref_slice %arg23[%dma_wait3A_345, %dma_wait3A_346] : memref<10240x128xf32, #tpu.memory_space<vmem_shared>> -> memref<10240x128xf32, #tpu.memory_space<vmem_shared>>
        tpu.wait_indirect_dma semaphore(%arg29 : memref<!tpu.dma_semaphore, #tpu.memory_space<semaphore_mem>>) src(%arg20 : memref<80x128xf32, #tpu.memory_space<vmem>>) dst(%dma_wait3A_347 : memref<10240x128xf32, #tpu.memory_space<vmem_shared>>)
      } else {
      }
      %add3A_108 = arith.constant 1 : i32
      %add3A_109 = arith.addi %add3A_103, %add3A_108 : i32
      %lt3A = arith.cmpi slt, %add3A_109, %select_n3A : i32
      %convert_element_type3A_110 = arith.extui %lt3A : i1 to i32
      %cond3A_111 = arith.constant 0 : i32
      %cond3A_112 = arith.cmpi ne, %convert_element_type3A_110, %cond3A_111 : i32
      scf.if %cond3A_112 {
        %add3A_345 = arith.constant 1 : i32
        %add3A_346 = arith.addi %add3A_103, %add3A_345 : i32
        %mul3A_347 = arith.constant 80 : i32
        %mul3A_348 = arith.muli %add3A_346, %mul3A_347 : i32
        %add3A_349 = arith.addi %select_n3A_25, %mul3A_348 : i32
        %dma_wait3A_350 = tpu.memref_slice %arg3[%add3A_349] : memref<322560xi32, #tpu.memory_space<hbm>> -> memref<80xi32, #tpu.memory_space<hbm>>
        %dma_wait3A_351 = tpu.memref_slice %arg3[%add3A_349] : memref<322560xi32, #tpu.memory_space<hbm>> -> memref<80xi32, #tpu.memory_space<hbm>>
        tpu.wait_dma2 semaphore(%arg33 : memref<!tpu.dma_semaphore, #tpu.memory_space<semaphore_mem>>) src(%dma_wait3A_351 : memref<80xi32, #tpu.memory_space<hbm>>) dst(%arg8 : memref<80xi32, #tpu.memory_space<vmem>>)
        %mul3A_352 = arith.constant 80 : i32
        %mul3A_353 = arith.muli %add3A_346, %mul3A_352 : i32
        %add3A_354 = arith.addi %select_n3A_25, %mul3A_353 : i32
        %dma_wait3A_355 = tpu.memref_slice %arg4[%add3A_354] : memref<322560xi32, #tpu.memory_space<hbm>> -> memref<80xi32, #tpu.memory_space<hbm>>
        %dma_wait3A_356 = tpu.memref_slice %arg4[%add3A_354] : memref<322560xi32, #tpu.memory_space<hbm>> -> memref<80xi32, #tpu.memory_space<hbm>>
        tpu.wait_dma2 semaphore(%arg37 : memref<!tpu.dma_semaphore, #tpu.memory_space<semaphore_mem>>) src(%dma_wait3A_356 : memref<80xi32, #tpu.memory_space<hbm>>) dst(%arg12 : memref<80xi32, #tpu.memory_space<vmem>>)
        %dma_start3A_357 = arith.constant 0 : i32
        %dma_start3A_358 = arith.constant 0 : i32
        %dma_start3A_359 = tpu.memref_slice %arg2[%dma_start3A_357, %dma_start3A_358] : memref<10000x128xf32, #tpu.memory_space<hbm>> -> memref<10000x128xf32, #tpu.memory_space<hbm>>
        tpu.enqueue_indirect_dma source(%dma_start3A_359 : memref<10000x128xf32, #tpu.memory_space<hbm>>) target(%arg20 : memref<80x128xf32, #tpu.memory_space<vmem>>) offsets(%arg8 : memref<80xi32, #tpu.memory_space<vmem>>) semaphore(%arg25 : memref<!tpu.dma_semaphore, #tpu.memory_space<semaphore_mem>>)
      } else {
      }
      %dma_wait3A_113 = arith.constant 0 : i32
      %dma_wait3A_114 = arith.constant 0 : i32
      %dma_wait3A_115 = tpu.memref_slice %arg2[%dma_wait3A_113, %dma_wait3A_114] : memref<10000x128xf32, #tpu.memory_space<hbm>> -> memref<10000x128xf32, #tpu.memory_space<hbm>>
      tpu.wait_indirect_dma semaphore(%arg24 : memref<!tpu.dma_semaphore, #tpu.memory_space<semaphore_mem>>) src(%dma_wait3A_115 : memref<10000x128xf32, #tpu.memory_space<hbm>>) dst(%arg19 : memref<80x128xf32, #tpu.memory_space<vmem>>)
      %get3A = arith.constant 0 : index
      %get3A_116 = tpu.vector_load %arg11[%get3A] {strides = array<i32>} : memref<80xi32, #tpu.memory_space<vmem>>, vector<16xi32>,
      %get3A_117 = vector.shape_cast %get3A_116 : vector<16xi32> to vector<16xi32>
      %swap3A = arith.constant 0 : index
      %swap3A_118 = tpu.vector_load %arg15[%swap3A] {strides = array<i32>} : memref<80xi32, #tpu.memory_space<vmem>>, vector<16xi32>,
      %swap3A_119 = vector.shape_cast %swap3A_118 : vector<16xi32> to vector<16xi32>
      %swap3A_120 = vector.shape_cast %get3A_117 : vector<16xi32> to vector<16xi32>
      tpu.vector_store %arg15[%swap3A], %swap3A_120 {strides = array<i32>} : memref<80xi32, #tpu.memory_space<vmem>>, vector<16xi32>,
      %get3A_121 = arith.constant 16 : index
      %get3A_122 = tpu.vector_load %arg11[%get3A_121] {strides = array<i32>} : memref<80xi32, #tpu.memory_space<vmem>>, vector<16xi32>,
      %get3A_123 = vector.shape_cast %get3A_122 : vector<16xi32> to vector<16xi32>
      %swap3A_124 = arith.constant 16 : index
      %swap3A_125 = tpu.vector_load %arg15[%swap3A_124] {strides = array<i32>} : memref<80xi32, #tpu.memory_space<vmem>>, vector<16xi32>,
      %swap3A_126 = vector.shape_cast %swap3A_125 : vector<16xi32> to vector<16xi32>
      %swap3A_127 = vector.shape_cast %get3A_123 : vector<16xi32> to vector<16xi32>
      tpu.vector_store %arg15[%swap3A_124], %swap3A_127 {strides = array<i32>} : memref<80xi32, #tpu.memory_space<vmem>>, vector<16xi32>,
      %get3A_128 = arith.constant 32 : index
      %get3A_129 = tpu.vector_load %arg11[%get3A_128] {strides = array<i32>} : memref<80xi32, #tpu.memory_space<vmem>>, vector<16xi32>,
      %get3A_130 = vector.shape_cast %get3A_129 : vector<16xi32> to vector<16xi32>
      %swap3A_131 = arith.constant 32 : index
      %swap3A_132 = tpu.vector_load %arg15[%swap3A_131] {strides = array<i32>} : memref<80xi32, #tpu.memory_space<vmem>>, vector<16xi32>,
      %swap3A_133 = vector.shape_cast %swap3A_132 : vector<16xi32> to vector<16xi32>
      %swap3A_134 = vector.shape_cast %get3A_130 : vector<16xi32> to vector<16xi32>
      tpu.vector_store %arg15[%swap3A_131], %swap3A_134 {strides = array<i32>} : memref<80xi32, #tpu.memory_space<vmem>>, vector<16xi32>,
      %get3A_135 = arith.constant 48 : index
      %get3A_136 = tpu.vector_load %arg11[%get3A_135] {strides = array<i32>} : memref<80xi32, #tpu.memory_space<vmem>>, vector<16xi32>,
      %get3A_137 = vector.shape_cast %get3A_136 : vector<16xi32> to vector<16xi32>
      %swap3A_138 = arith.constant 48 : index
      %swap3A_139 = tpu.vector_load %arg15[%swap3A_138] {strides = array<i32>} : memref<80xi32, #tpu.memory_space<vmem>>, vector<16xi32>,
      %swap3A_140 = vector.shape_cast %swap3A_139 : vector<16xi32> to vector<16xi32>
      %swap3A_141 = vector.shape_cast %get3A_137 : vector<16xi32> to vector<16xi32>
      tpu.vector_store %arg15[%swap3A_138], %swap3A_141 {strides = array<i32>} : memref<80xi32, #tpu.memory_space<vmem>>, vector<16xi32>,
      %get3A_142 = arith.constant 64 : index
      %get3A_143 = tpu.vector_load %arg11[%get3A_142] {strides = array<i32>} : memref<80xi32, #tpu.memory_space<vmem>>, vector<16xi32>,
      %get3A_144 = vector.shape_cast %get3A_143 : vector<16xi32> to vector<16xi32>
      %swap3A_145 = arith.constant 64 : index
      %swap3A_146 = tpu.vector_load %arg15[%swap3A_145] {strides = array<i32>} : memref<80xi32, #tpu.memory_space<vmem>>, vector<16xi32>,
      %swap3A_147 = vector.shape_cast %swap3A_146 : vector<16xi32> to vector<16xi32>
      %swap3A_148 = vector.shape_cast %get3A_144 : vector<16xi32> to vector<16xi32>
      tpu.vector_store %arg15[%swap3A_145], %swap3A_148 {strides = array<i32>} : memref<80xi32, #tpu.memory_space<vmem>>, vector<16xi32>,
      %dma_start3A_149 = arith.constant 0 : i32
      %dma_start3A_150 = arith.constant 0 : i32
      %dma_start3A_151 = tpu.memref_slice %arg23[%dma_start3A_149, %dma_start3A_150] : memref<10240x128xf32, #tpu.memory_space<vmem_shared>> -> memref<10240x128xf32, #tpu.memory_space<vmem_shared>>
      tpu.enqueue_indirect_dma source(%arg19 : memref<80x128xf32, #tpu.memory_space<vmem>>) target(%dma_start3A_151 : memref<10240x128xf32, #tpu.memory_space<vmem_shared>>) offsets(%arg15 : memref<80xi32, #tpu.memory_space<vmem>>) semaphore(%arg28 : memref<!tpu.dma_semaphore, #tpu.memory_space<semaphore_mem>>) {add = true}
      %add3A_152 = arith.constant 2 : i32
      %add3A_153 = arith.addi %add3A_103, %add3A_152 : i32
      %lt3A_154 = arith.cmpi slt, %add3A_153, %select_n3A : i32
      %convert_element_type3A_155 = arith.extui %lt3A_154 : i1 to i32
      %cond3A_156 = arith.constant 0 : i32
      %cond3A_157 = arith.cmpi ne, %convert_element_type3A_155, %cond3A_156 : i32
      scf.if %cond3A_157 {
        %add3A_345 = arith.constant 2 : i32
        %add3A_346 = arith.addi %add3A_103, %add3A_345 : i32
        %mul3A_347 = arith.constant 80 : i32
        %mul3A_348 = arith.muli %add3A_346, %mul3A_347 : i32
        %add3A_349 = arith.addi %select_n3A_25, %mul3A_348 : i32
        %dma_start3A_350 = tpu.memref_slice %arg3[%add3A_349] : memref<322560xi32, #tpu.memory_space<hbm>> -> memref<80xi32, #tpu.memory_space<hbm>>
        %dma_start3A_351 = tpu.memref_slice %arg3[%add3A_349] : memref<322560xi32, #tpu.memory_space<hbm>> -> memref<80xi32, #tpu.memory_space<hbm>>
        tpu.enqueue_dma source(%dma_start3A_351 : memref<80xi32, #tpu.memory_space<hbm>>) target(%arg9 : memref<80xi32, #tpu.memory_space<vmem>>) target_semaphore(%arg34 : memref<!tpu.dma_semaphore, #tpu.memory_space<semaphore_mem>>)
        %mul3A_352 = arith.constant 80 : i32
        %mul3A_353 = arith.muli %add3A_346, %mul3A_352 : i32
        %add3A_354 = arith.addi %select_n3A_25, %mul3A_353 : i32
        %dma_start3A_355 = tpu.memref_slice %arg4[%add3A_354] : memref<322560xi32, #tpu.memory_space<hbm>> -> memref<80xi32, #tpu.memory_space<hbm>>
        %dma_start3A_356 = tpu.memref_slice %arg4[%add3A_354] : memref<322560xi32, #tpu.memory_space<hbm>> -> memref<80xi32, #tpu.memory_space<hbm>>
        tpu.enqueue_dma source(%dma_start3A_356 : memref<80xi32, #tpu.memory_space<hbm>>) target(%arg13 : memref<80xi32, #tpu.memory_space<vmem>>) target_semaphore(%arg38 : memref<!tpu.dma_semaphore, #tpu.memory_space<semaphore_mem>>)
      } else {
      }
      %mul3A_158 = arith.constant 4 : i32
      %mul3A_159 = arith.muli %mul3A_158, %while3A_98 : i32
      %add3A_160 = arith.constant 1 : i32
      %add3A_161 = arith.addi %mul3A_159, %add3A_160 : i32
      %ge3A_162 = arith.constant 3 : i32
      %ge3A_163 = arith.cmpi sge, %add3A_161, %ge3A_162 : i32
      %convert_element_type3A_164 = arith.extui %ge3A_163 : i1 to i32
      %cond3A_165 = arith.constant 0 : i32
      %cond3A_166 = arith.cmpi ne, %convert_element_type3A_164, %cond3A_165 : i32
      scf.if %cond3A_166 {
        %dma_wait3A_345 = arith.constant 0 : i32
        %dma_wait3A_346 = arith.constant 0 : i32
        %dma_wait3A_347 = tpu.memref_slice %arg23[%dma_wait3A_345, %dma_wait3A_346] : memref<10240x128xf32, #tpu.memory_space<vmem_shared>> -> memref<10240x128xf32, #tpu.memory_space<vmem_shared>>
        tpu.wait_indirect_dma semaphore(%arg30 : memref<!tpu.dma_semaphore, #tpu.memory_space<semaphore_mem>>) src(%arg21 : memref<80x128xf32, #tpu.memory_space<vmem>>) dst(%dma_wait3A_347 : memref<10240x128xf32, #tpu.memory_space<vmem_shared>>)
      } else {
      }
      %add3A_167 = arith.constant 1 : i32
      %add3A_168 = arith.addi %add3A_161, %add3A_167 : i32
      %lt3A_169 = arith.cmpi slt, %add3A_168, %select_n3A : i32
      %convert_element_type3A_170 = arith.extui %lt3A_169 : i1 to i32
      %cond3A_171 = arith.constant 0 : i32
      %cond3A_172 = arith.cmpi ne, %convert_element_type3A_170, %cond3A_171 : i32
      scf.if %cond3A_172 {
        %add3A_345 = arith.constant 1 : i32
        %add3A_346 = arith.addi %add3A_161, %add3A_345 : i32
        %mul3A_347 = arith.constant 80 : i32
        %mul3A_348 = arith.muli %add3A_346, %mul3A_347 : i32
        %add3A_349 = arith.addi %select_n3A_25, %mul3A_348 : i32
        %dma_wait3A_350 = tpu.memref_slice %arg3[%add3A_349] : memref<322560xi32, #tpu.memory_space<hbm>> -> memref<80xi32, #tpu.memory_space<hbm>>
        %dma_wait3A_351 = tpu.memref_slice %arg3[%add3A_349] : memref<322560xi32, #tpu.memory_space<hbm>> -> memref<80xi32, #tpu.memory_space<hbm>>
        tpu.wait_dma2 semaphore(%arg34 : memref<!tpu.dma_semaphore, #tpu.memory_space<semaphore_mem>>) src(%dma_wait3A_351 : memref<80xi32, #tpu.memory_space<hbm>>) dst(%arg9 : memref<80xi32, #tpu.memory_space<vmem>>)
        %mul3A_352 = arith.constant 80 : i32
        %mul3A_353 = arith.muli %add3A_346, %mul3A_352 : i32
        %add3A_354 = arith.addi %select_n3A_25, %mul3A_353 : i32
        %dma_wait3A_355 = tpu.memref_slice %arg4[%add3A_354] : memref<322560xi32, #tpu.memory_space<hbm>> -> memref<80xi32, #tpu.memory_space<hbm>>
        %dma_wait3A_356 = tpu.memref_slice %arg4[%add3A_354] : memref<322560xi32, #tpu.memory_space<hbm>> -> memref<80xi32, #tpu.memory_space<hbm>>
        tpu.wait_dma2 semaphore(%arg38 : memref<!tpu.dma_semaphore, #tpu.memory_space<semaphore_mem>>) src(%dma_wait3A_356 : memref<80xi32, #tpu.memory_space<hbm>>) dst(%arg13 : memref<80xi32, #tpu.memory_space<vmem>>)
        %dma_start3A_357 = arith.constant 0 : i32
        %dma_start3A_358 = arith.constant 0 : i32
        %dma_start3A_359 = tpu.memref_slice %arg2[%dma_start3A_357, %dma_start3A_358] : memref<10000x128xf32, #tpu.memory_space<hbm>> -> memref<10000x128xf32, #tpu.memory_space<hbm>>
        tpu.enqueue_indirect_dma source(%dma_start3A_359 : memref<10000x128xf32, #tpu.memory_space<hbm>>) target(%arg21 : memref<80x128xf32, #tpu.memory_space<vmem>>) offsets(%arg9 : memref<80xi32, #tpu.memory_space<vmem>>) semaphore(%arg26 : memref<!tpu.dma_semaphore, #tpu.memory_space<semaphore_mem>>)
      } else {
      }
      %dma_wait3A_173 = arith.constant 0 : i32
      %dma_wait3A_174 = arith.constant 0 : i32
      %dma_wait3A_175 = tpu.memref_slice %arg2[%dma_wait3A_173, %dma_wait3A_174] : memref<10000x128xf32, #tpu.memory_space<hbm>> -> memref<10000x128xf32, #tpu.memory_space<hbm>>
      tpu.wait_indirect_dma semaphore(%arg25 : memref<!tpu.dma_semaphore, #tpu.memory_space<semaphore_mem>>) src(%dma_wait3A_175 : memref<10000x128xf32, #tpu.memory_space<hbm>>) dst(%arg20 : memref<80x128xf32, #tpu.memory_space<vmem>>)
      %get3A_176 = arith.constant 0 : index
      %get3A_177 = tpu.vector_load %arg12[%get3A_176] {strides = array<i32>} : memref<80xi32, #tpu.memory_space<vmem>>, vector<16xi32>,
      %get3A_178 = vector.shape_cast %get3A_177 : vector<16xi32> to vector<16xi32>
      %swap3A_179 = arith.constant 0 : index
      %swap3A_180 = tpu.vector_load %arg16[%swap3A_179] {strides = array<i32>} : memref<80xi32, #tpu.memory_space<vmem>>, vector<16xi32>,
      %swap3A_181 = vector.shape_cast %swap3A_180 : vector<16xi32> to vector<16xi32>
      %swap3A_182 = vector.shape_cast %get3A_178 : vector<16xi32> to vector<16xi32>
      tpu.vector_store %arg16[%swap3A_179], %swap3A_182 {strides = array<i32>} : memref<80xi32, #tpu.memory_space<vmem>>, vector<16xi32>,
      %get3A_183 = arith.constant 16 : index
      %get3A_184 = tpu.vector_load %arg12[%get3A_183] {strides = array<i32>} : memref<80xi32, #tpu.memory_space<vmem>>, vector<16xi32>,
      %get3A_185 = vector.shape_cast %get3A_184 : vector<16xi32> to vector<16xi32>
      %swap3A_186 = arith.constant 16 : index
      %swap3A_187 = tpu.vector_load %arg16[%swap3A_186] {strides = array<i32>} : memref<80xi32, #tpu.memory_space<vmem>>, vector<16xi32>,
      %swap3A_188 = vector.shape_cast %swap3A_187 : vector<16xi32> to vector<16xi32>
      %swap3A_189 = vector.shape_cast %get3A_185 : vector<16xi32> to vector<16xi32>
      tpu.vector_store %arg16[%swap3A_186], %swap3A_189 {strides = array<i32>} : memref<80xi32, #tpu.memory_space<vmem>>, vector<16xi32>,
      %get3A_190 = arith.constant 32 : index
      %get3A_191 = tpu.vector_load %arg12[%get3A_190] {strides = array<i32>} : memref<80xi32, #tpu.memory_space<vmem>>, vector<16xi32>,
      %get3A_192 = vector.shape_cast %get3A_191 : vector<16xi32> to vector<16xi32>
      %swap3A_193 = arith.constant 32 : index
      %swap3A_194 = tpu.vector_load %arg16[%swap3A_193] {strides = array<i32>} : memref<80xi32, #tpu.memory_space<vmem>>, vector<16xi32>,
      %swap3A_195 = vector.shape_cast %swap3A_194 : vector<16xi32> to vector<16xi32>
      %swap3A_196 = vector.shape_cast %get3A_192 : vector<16xi32> to vector<16xi32>
      tpu.vector_store %arg16[%swap3A_193], %swap3A_196 {strides = array<i32>} : memref<80xi32, #tpu.memory_space<vmem>>, vector<16xi32>,
      %get3A_197 = arith.constant 48 : index
      %get3A_198 = tpu.vector_load %arg12[%get3A_197] {strides = array<i32>} : memref<80xi32, #tpu.memory_space<vmem>>, vector<16xi32>,
      %get3A_199 = vector.shape_cast %get3A_198 : vector<16xi32> to vector<16xi32>
      %swap3A_200 = arith.constant 48 : index
      %swap3A_201 = tpu.vector_load %arg16[%swap3A_200] {strides = array<i32>} : memref<80xi32, #tpu.memory_space<vmem>>, vector<16xi32>,
      %swap3A_202 = vector.shape_cast %swap3A_201 : vector<16xi32> to vector<16xi32>
      %swap3A_203 = vector.shape_cast %get3A_199 : vector<16xi32> to vector<16xi32>
      tpu.vector_store %arg16[%swap3A_200], %swap3A_203 {strides = array<i32>} : memref<80xi32, #tpu.memory_space<vmem>>, vector<16xi32>,
      %get3A_204 = arith.constant 64 : index
      %get3A_205 = tpu.vector_load %arg12[%get3A_204] {strides = array<i32>} : memref<80xi32, #tpu.memory_space<vmem>>, vector<16xi32>,
      %get3A_206 = vector.shape_cast %get3A_205 : vector<16xi32> to vector<16xi32>
      %swap3A_207 = arith.constant 64 : index
      %swap3A_208 = tpu.vector_load %arg16[%swap3A_207] {strides = array<i32>} : memref<80xi32, #tpu.memory_space<vmem>>, vector<16xi32>,
      %swap3A_209 = vector.shape_cast %swap3A_208 : vector<16xi32> to vector<16xi32>
      %swap3A_210 = vector.shape_cast %get3A_206 : vector<16xi32> to vector<16xi32>
      tpu.vector_store %arg16[%swap3A_207], %swap3A_210 {strides = array<i32>} : memref<80xi32, #tpu.memory_space<vmem>>, vector<16xi32>,
      %dma_start3A_211 = arith.constant 0 : i32
      %dma_start3A_212 = arith.constant 0 : i32
      %dma_start3A_213 = tpu.memref_slice %arg23[%dma_start3A_211, %dma_start3A_212] : memref<10240x128xf32, #tpu.memory_space<vmem_shared>> -> memref<10240x128xf32, #tpu.memory_space<vmem_shared>>
      tpu.enqueue_indirect_dma source(%arg20 : memref<80x128xf32, #tpu.memory_space<vmem>>) target(%dma_start3A_213 : memref<10240x128xf32, #tpu.memory_space<vmem_shared>>) offsets(%arg16 : memref<80xi32, #tpu.memory_space<vmem>>) semaphore(%arg29 : memref<!tpu.dma_semaphore, #tpu.memory_space<semaphore_mem>>) {add = true}
      %add3A_214 = arith.constant 2 : i32
      %add3A_215 = arith.addi %add3A_161, %add3A_214 : i32
      %lt3A_216 = arith.cmpi slt, %add3A_215, %select_n3A : i32
      %convert_element_type3A_217 = arith.extui %lt3A_216 : i1 to i32
      %cond3A_218 = arith.constant 0 : i32
      %cond3A_219 = arith.cmpi ne, %convert_element_type3A_217, %cond3A_218 : i32
      scf.if %cond3A_219 {
        %add3A_345 = arith.constant 2 : i32
        %add3A_346 = arith.addi %add3A_161, %add3A_345 : i32
        %mul3A_347 = arith.constant 80 : i32
        %mul3A_348 = arith.muli %add3A_346, %mul3A_347 : i32
        %add3A_349 = arith.addi %select_n3A_25, %mul3A_348 : i32
        %dma_start3A_350 = tpu.memref_slice %arg3[%add3A_349] : memref<322560xi32, #tpu.memory_space<hbm>> -> memref<80xi32, #tpu.memory_space<hbm>>
        %dma_start3A_351 = tpu.memref_slice %arg3[%add3A_349] : memref<322560xi32, #tpu.memory_space<hbm>> -> memref<80xi32, #tpu.memory_space<hbm>>
        tpu.enqueue_dma source(%dma_start3A_351 : memref<80xi32, #tpu.memory_space<hbm>>) target(%arg10 : memref<80xi32, #tpu.memory_space<vmem>>) target_semaphore(%arg35 : memref<!tpu.dma_semaphore, #tpu.memory_space<semaphore_mem>>)
        %mul3A_352 = arith.constant 80 : i32
        %mul3A_353 = arith.muli %add3A_346, %mul3A_352 : i32
        %add3A_354 = arith.addi %select_n3A_25, %mul3A_353 : i32
        %dma_start3A_355 = tpu.memref_slice %arg4[%add3A_354] : memref<322560xi32, #tpu.memory_space<hbm>> -> memref<80xi32, #tpu.memory_space<hbm>>
        %dma_start3A_356 = tpu.memref_slice %arg4[%add3A_354] : memref<322560xi32, #tpu.memory_space<hbm>> -> memref<80xi32, #tpu.memory_space<hbm>>
        tpu.enqueue_dma source(%dma_start3A_356 : memref<80xi32, #tpu.memory_space<hbm>>) target(%arg14 : memref<80xi32, #tpu.memory_space<vmem>>) target_semaphore(%arg39 : memref<!tpu.dma_semaphore, #tpu.memory_space<semaphore_mem>>)
      } else {
      }
      %mul3A_220 = arith.constant 4 : i32
      %mul3A_221 = arith.muli %mul3A_220, %while3A_98 : i32
      %add3A_222 = arith.constant 2 : i32
      %add3A_223 = arith.addi %mul3A_221, %add3A_222 : i32
      %ge3A_224 = arith.constant 3 : i32
      %ge3A_225 = arith.cmpi sge, %add3A_223, %ge3A_224 : i32
      %convert_element_type3A_226 = arith.extui %ge3A_225 : i1 to i32
      %cond3A_227 = arith.constant 0 : i32
      %cond3A_228 = arith.cmpi ne, %convert_element_type3A_226, %cond3A_227 : i32
      scf.if %cond3A_228 {
        %dma_wait3A_345 = arith.constant 0 : i32
        %dma_wait3A_346 = arith.constant 0 : i32
        %dma_wait3A_347 = tpu.memref_slice %arg23[%dma_wait3A_345, %dma_wait3A_346] : memref<10240x128xf32, #tpu.memory_space<vmem_shared>> -> memref<10240x128xf32, #tpu.memory_space<vmem_shared>>
        tpu.wait_indirect_dma semaphore(%arg31 : memref<!tpu.dma_semaphore, #tpu.memory_space<semaphore_mem>>) src(%arg22 : memref<80x128xf32, #tpu.memory_space<vmem>>) dst(%dma_wait3A_347 : memref<10240x128xf32, #tpu.memory_space<vmem_shared>>)
      } else {
      }
      %add3A_229 = arith.constant 1 : i32
      %add3A_230 = arith.addi %add3A_223, %add3A_229 : i32
      %lt3A_231 = arith.cmpi slt, %add3A_230, %select_n3A : i32
      %convert_element_type3A_232 = arith.extui %lt3A_231 : i1 to i32
      %cond3A_233 = arith.constant 0 : i32
      %cond3A_234 = arith.cmpi ne, %convert_element_type3A_232, %cond3A_233 : i32
      scf.if %cond3A_234 {
        %add3A_345 = arith.constant 1 : i32
        %add3A_346 = arith.addi %add3A_223, %add3A_345 : i32
        %mul3A_347 = arith.constant 80 : i32
        %mul3A_348 = arith.muli %add3A_346, %mul3A_347 : i32
        %add3A_349 = arith.addi %select_n3A_25, %mul3A_348 : i32
        %dma_wait3A_350 = tpu.memref_slice %arg3[%add3A_349] : memref<322560xi32, #tpu.memory_space<hbm>> -> memref<80xi32, #tpu.memory_space<hbm>>
        %dma_wait3A_351 = tpu.memref_slice %arg3[%add3A_349] : memref<322560xi32, #tpu.memory_space<hbm>> -> memref<80xi32, #tpu.memory_space<hbm>>
        tpu.wait_dma2 semaphore(%arg35 : memref<!tpu.dma_semaphore, #tpu.memory_space<semaphore_mem>>) src(%dma_wait3A_351 : memref<80xi32, #tpu.memory_space<hbm>>) dst(%arg10 : memref<80xi32, #tpu.memory_space<vmem>>)
        %mul3A_352 = arith.constant 80 : i32
        %mul3A_353 = arith.muli %add3A_346, %mul3A_352 : i32
        %add3A_354 = arith.addi %select_n3A_25, %mul3A_353 : i32
        %dma_wait3A_355 = tpu.memref_slice %arg4[%add3A_354] : memref<322560xi32, #tpu.memory_space<hbm>> -> memref<80xi32, #tpu.memory_space<hbm>>
        %dma_wait3A_356 = tpu.memref_slice %arg4[%add3A_354] : memref<322560xi32, #tpu.memory_space<hbm>> -> memref<80xi32, #tpu.memory_space<hbm>>
        tpu.wait_dma2 semaphore(%arg39 : memref<!tpu.dma_semaphore, #tpu.memory_space<semaphore_mem>>) src(%dma_wait3A_356 : memref<80xi32, #tpu.memory_space<hbm>>) dst(%arg14 : memref<80xi32, #tpu.memory_space<vmem>>)
        %dma_start3A_357 = arith.constant 0 : i32
        %dma_start3A_358 = arith.constant 0 : i32
        %dma_start3A_359 = tpu.memref_slice %arg2[%dma_start3A_357, %dma_start3A_358] : memref<10000x128xf32, #tpu.memory_space<hbm>> -> memref<10000x128xf32, #tpu.memory_space<hbm>>
        tpu.enqueue_indirect_dma source(%dma_start3A_359 : memref<10000x128xf32, #tpu.memory_space<hbm>>) target(%arg22 : memref<80x128xf32, #tpu.memory_space<vmem>>) offsets(%arg10 : memref<80xi32, #tpu.memory_space<vmem>>) semaphore(%arg27 : memref<!tpu.dma_semaphore, #tpu.memory_space<semaphore_mem>>)
      } else {
      }
      %dma_wait3A_235 = arith.constant 0 : i32
      %dma_wait3A_236 = arith.constant 0 : i32
      %dma_wait3A_237 = tpu.memref_slice %arg2[%dma_wait3A_235, %dma_wait3A_236] : memref<10000x128xf32, #tpu.memory_space<hbm>> -> memref<10000x128xf32, #tpu.memory_space<hbm>>
      tpu.wait_indirect_dma semaphore(%arg26 : memref<!tpu.dma_semaphore, #tpu.memory_space<semaphore_mem>>) src(%dma_wait3A_237 : memref<10000x128xf32, #tpu.memory_space<hbm>>) dst(%arg21 : memref<80x128xf32, #tpu.memory_space<vmem>>)
      %get3A_238 = arith.constant 0 : index
      %get3A_239 = tpu.vector_load %arg13[%get3A_238] {strides = array<i32>} : memref<80xi32, #tpu.memory_space<vmem>>, vector<16xi32>,
      %get3A_240 = vector.shape_cast %get3A_239 : vector<16xi32> to vector<16xi32>
      %swap3A_241 = arith.constant 0 : index
      %swap3A_242 = tpu.vector_load %arg17[%swap3A_241] {strides = array<i32>} : memref<80xi32, #tpu.memory_space<vmem>>, vector<16xi32>,
      %swap3A_243 = vector.shape_cast %swap3A_242 : vector<16xi32> to vector<16xi32>
      %swap3A_244 = vector.shape_cast %get3A_240 : vector<16xi32> to vector<16xi32>
      tpu.vector_store %arg17[%swap3A_241], %swap3A_244 {strides = array<i32>} : memref<80xi32, #tpu.memory_space<vmem>>, vector<16xi32>,
      %get3A_245 = arith.constant 16 : index
      %get3A_246 = tpu.vector_load %arg13[%get3A_245] {strides = array<i32>} : memref<80xi32, #tpu.memory_space<vmem>>, vector<16xi32>,
      %get3A_247 = vector.shape_cast %get3A_246 : vector<16xi32> to vector<16xi32>
      %swap3A_248 = arith.constant 16 : index
      %swap3A_249 = tpu.vector_load %arg17[%swap3A_248] {strides = array<i32>} : memref<80xi32, #tpu.memory_space<vmem>>, vector<16xi32>,
      %swap3A_250 = vector.shape_cast %swap3A_249 : vector<16xi32> to vector<16xi32>
      %swap3A_251 = vector.shape_cast %get3A_247 : vector<16xi32> to vector<16xi32>
      tpu.vector_store %arg17[%swap3A_248], %swap3A_251 {strides = array<i32>} : memref<80xi32, #tpu.memory_space<vmem>>, vector<16xi32>,
      %get3A_252 = arith.constant 32 : index
      %get3A_253 = tpu.vector_load %arg13[%get3A_252] {strides = array<i32>} : memref<80xi32, #tpu.memory_space<vmem>>, vector<16xi32>,
      %get3A_254 = vector.shape_cast %get3A_253 : vector<16xi32> to vector<16xi32>
      %swap3A_255 = arith.constant 32 : index
      %swap3A_256 = tpu.vector_load %arg17[%swap3A_255] {strides = array<i32>} : memref<80xi32, #tpu.memory_space<vmem>>, vector<16xi32>,
      %swap3A_257 = vector.shape_cast %swap3A_256 : vector<16xi32> to vector<16xi32>
      %swap3A_258 = vector.shape_cast %get3A_254 : vector<16xi32> to vector<16xi32>
      tpu.vector_store %arg17[%swap3A_255], %swap3A_258 {strides = array<i32>} : memref<80xi32, #tpu.memory_space<vmem>>, vector<16xi32>,
      %get3A_259 = arith.constant 48 : index
      %get3A_260 = tpu.vector_load %arg13[%get3A_259] {strides = array<i32>} : memref<80xi32, #tpu.memory_space<vmem>>, vector<16xi32>,
      %get3A_261 = vector.shape_cast %get3A_260 : vector<16xi32> to vector<16xi32>
      %swap3A_262 = arith.constant 48 : index
      %swap3A_263 = tpu.vector_load %arg17[%swap3A_262] {strides = array<i32>} : memref<80xi32, #tpu.memory_space<vmem>>, vector<16xi32>,
      %swap3A_264 = vector.shape_cast %swap3A_263 : vector<16xi32> to vector<16xi32>
      %swap3A_265 = vector.shape_cast %get3A_261 : vector<16xi32> to vector<16xi32>
      tpu.vector_store %arg17[%swap3A_262], %swap3A_265 {strides = array<i32>} : memref<80xi32, #tpu.memory_space<vmem>>, vector<16xi32>,
      %get3A_266 = arith.constant 64 : index
      %get3A_267 = tpu.vector_load %arg13[%get3A_266] {strides = array<i32>} : memref<80xi32, #tpu.memory_space<vmem>>, vector<16xi32>,
      %get3A_268 = vector.shape_cast %get3A_267 : vector<16xi32> to vector<16xi32>
      %swap3A_269 = arith.constant 64 : index
      %swap3A_270 = tpu.vector_load %arg17[%swap3A_269] {strides = array<i32>} : memref<80xi32, #tpu.memory_space<vmem>>, vector<16xi32>,
      %swap3A_271 = vector.shape_cast %swap3A_270 : vector<16xi32> to vector<16xi32>
      %swap3A_272 = vector.shape_cast %get3A_268 : vector<16xi32> to vector<16xi32>
      tpu.vector_store %arg17[%swap3A_269], %swap3A_272 {strides = array<i32>} : memref<80xi32, #tpu.memory_space<vmem>>, vector<16xi32>,
      %dma_start3A_273 = arith.constant 0 : i32
      %dma_start3A_274 = arith.constant 0 : i32
      %dma_start3A_275 = tpu.memref_slice %arg23[%dma_start3A_273, %dma_start3A_274] : memref<10240x128xf32, #tpu.memory_space<vmem_shared>> -> memref<10240x128xf32, #tpu.memory_space<vmem_shared>>
      tpu.enqueue_indirect_dma source(%arg21 : memref<80x128xf32, #tpu.memory_space<vmem>>) target(%dma_start3A_275 : memref<10240x128xf32, #tpu.memory_space<vmem_shared>>) offsets(%arg17 : memref<80xi32, #tpu.memory_space<vmem>>) semaphore(%arg30 : memref<!tpu.dma_semaphore, #tpu.memory_space<semaphore_mem>>) {add = true}
      %add3A_276 = arith.constant 2 : i32
      %add3A_277 = arith.addi %add3A_223, %add3A_276 : i32
      %lt3A_278 = arith.cmpi slt, %add3A_277, %select_n3A : i32
      %convert_element_type3A_279 = arith.extui %lt3A_278 : i1 to i32
      %cond3A_280 = arith.constant 0 : i32
      %cond3A_281 = arith.cmpi ne, %convert_element_type3A_279, %cond3A_280 : i32
      scf.if %cond3A_281 {
        %add3A_345 = arith.constant 2 : i32
        %add3A_346 = arith.addi %add3A_223, %add3A_345 : i32
        %mul3A_347 = arith.constant 80 : i32
        %mul3A_348 = arith.muli %add3A_346, %mul3A_347 : i32
        %add3A_349 = arith.addi %select_n3A_25, %mul3A_348 : i32
        %dma_start3A_350 = tpu.memref_slice %arg3[%add3A_349] : memref<322560xi32, #tpu.memory_space<hbm>> -> memref<80xi32, #tpu.memory_space<hbm>>
        %dma_start3A_351 = tpu.memref_slice %arg3[%add3A_349] : memref<322560xi32, #tpu.memory_space<hbm>> -> memref<80xi32, #tpu.memory_space<hbm>>
        tpu.enqueue_dma source(%dma_start3A_351 : memref<80xi32, #tpu.memory_space<hbm>>) target(%arg7 : memref<80xi32, #tpu.memory_space<vmem>>) target_semaphore(%arg32 : memref<!tpu.dma_semaphore, #tpu.memory_space<semaphore_mem>>)
        %mul3A_352 = arith.constant 80 : i32
        %mul3A_353 = arith.muli %add3A_346, %mul3A_352 : i32
        %add3A_354 = arith.addi %select_n3A_25, %mul3A_353 : i32
        %dma_start3A_355 = tpu.memref_slice %arg4[%add3A_354] : memref<322560xi32, #tpu.memory_space<hbm>> -> memref<80xi32, #tpu.memory_space<hbm>>
        %dma_start3A_356 = tpu.memref_slice %arg4[%add3A_354] : memref<322560xi32, #tpu.memory_space<hbm>> -> memref<80xi32, #tpu.memory_space<hbm>>
        tpu.enqueue_dma source(%dma_start3A_356 : memref<80xi32, #tpu.memory_space<hbm>>) target(%arg11 : memref<80xi32, #tpu.memory_space<vmem>>) target_semaphore(%arg36 : memref<!tpu.dma_semaphore, #tpu.memory_space<semaphore_mem>>)
      } else {
      }
      %mul3A_282 = arith.constant 4 : i32
      %mul3A_283 = arith.muli %mul3A_282, %while3A_98 : i32
      %add3A_284 = arith.constant 3 : i32
      %add3A_285 = arith.addi %mul3A_283, %add3A_284 : i32
      %ge3A_286 = arith.constant 3 : i32
      %ge3A_287 = arith.cmpi sge, %add3A_285, %ge3A_286 : i32
      %convert_element_type3A_288 = arith.extui %ge3A_287 : i1 to i32
      %cond3A_289 = arith.constant 0 : i32
      %cond3A_290 = arith.cmpi ne, %convert_element_type3A_288, %cond3A_289 : i32
      scf.if %cond3A_290 {
        %dma_wait3A_345 = arith.constant 0 : i32
        %dma_wait3A_346 = arith.constant 0 : i32
        %dma_wait3A_347 = tpu.memref_slice %arg23[%dma_wait3A_345, %dma_wait3A_346] : memref<10240x128xf32, #tpu.memory_space<vmem_shared>> -> memref<10240x128xf32, #tpu.memory_space<vmem_shared>>
        tpu.wait_indirect_dma semaphore(%arg28 : memref<!tpu.dma_semaphore, #tpu.memory_space<semaphore_mem>>) src(%arg19 : memref<80x128xf32, #tpu.memory_space<vmem>>) dst(%dma_wait3A_347 : memref<10240x128xf32, #tpu.memory_space<vmem_shared>>)
      } else {
      }
      %add3A_291 = arith.constant 1 : i32
      %add3A_292 = arith.addi %add3A_285, %add3A_291 : i32
      %lt3A_293 = arith.cmpi slt, %add3A_292, %select_n3A : i32
      %convert_element_type3A_294 = arith.extui %lt3A_293 : i1 to i32
      %cond3A_295 = arith.constant 0 : i32
      %cond3A_296 = arith.cmpi ne, %convert_element_type3A_294, %cond3A_295 : i32
      scf.if %cond3A_296 {
        %add3A_345 = arith.constant 1 : i32
        %add3A_346 = arith.addi %add3A_285, %add3A_345 : i32
        %mul3A_347 = arith.constant 80 : i32
        %mul3A_348 = arith.muli %add3A_346, %mul3A_347 : i32
        %add3A_349 = arith.addi %select_n3A_25, %mul3A_348 : i32
        %dma_wait3A_350 = tpu.memref_slice %arg3[%add3A_349] : memref<322560xi32, #tpu.memory_space<hbm>> -> memref<80xi32, #tpu.memory_space<hbm>>
        %dma_wait3A_351 = tpu.memref_slice %arg3[%add3A_349] : memref<322560xi32, #tpu.memory_space<hbm>> -> memref<80xi32, #tpu.memory_space<hbm>>
        tpu.wait_dma2 semaphore(%arg32 : memref<!tpu.dma_semaphore, #tpu.memory_space<semaphore_mem>>) src(%dma_wait3A_351 : memref<80xi32, #tpu.memory_space<hbm>>) dst(%arg7 : memref<80xi32, #tpu.memory_space<vmem>>)
        %mul3A_352 = arith.constant 80 : i32
        %mul3A_353 = arith.muli %add3A_346, %mul3A_352 : i32
        %add3A_354 = arith.addi %select_n3A_25, %mul3A_353 : i32
        %dma_wait3A_355 = tpu.memref_slice %arg4[%add3A_354] : memref<322560xi32, #tpu.memory_space<hbm>> -> memref<80xi32, #tpu.memory_space<hbm>>
        %dma_wait3A_356 = tpu.memref_slice %arg4[%add3A_354] : memref<322560xi32, #tpu.memory_space<hbm>> -> memref<80xi32, #tpu.memory_space<hbm>>
        tpu.wait_dma2 semaphore(%arg36 : memref<!tpu.dma_semaphore, #tpu.memory_space<semaphore_mem>>) src(%dma_wait3A_356 : memref<80xi32, #tpu.memory_space<hbm>>) dst(%arg11 : memref<80xi32, #tpu.memory_space<vmem>>)
        %dma_start3A_357 = arith.constant 0 : i32
        %dma_start3A_358 = arith.constant 0 : i32
        %dma_start3A_359 = tpu.memref_slice %arg2[%dma_start3A_357, %dma_start3A_358] : memref<10000x128xf32, #tpu.memory_space<hbm>> -> memref<10000x128xf32, #tpu.memory_space<hbm>>
        tpu.enqueue_indirect_dma source(%dma_start3A_359 : memref<10000x128xf32, #tpu.memory_space<hbm>>) target(%arg19 : memref<80x128xf32, #tpu.memory_space<vmem>>) offsets(%arg7 : memref<80xi32, #tpu.memory_space<vmem>>) semaphore(%arg24 : memref<!tpu.dma_semaphore, #tpu.memory_space<semaphore_mem>>)
      } else {
      }
      %dma_wait3A_297 = arith.constant 0 : i32
      %dma_wait3A_298 = arith.constant 0 : i32
      %dma_wait3A_299 = tpu.memref_slice %arg2[%dma_wait3A_297, %dma_wait3A_298] : memref<10000x128xf32, #tpu.memory_space<hbm>> -> memref<10000x128xf32, #tpu.memory_space<hbm>>
      tpu.wait_indirect_dma semaphore(%arg27 : memref<!tpu.dma_semaphore, #tpu.memory_space<semaphore_mem>>) src(%dma_wait3A_299 : memref<10000x128xf32, #tpu.memory_space<hbm>>) dst(%arg22 : memref<80x128xf32, #tpu.memory_space<vmem>>)
      %get3A_300 = arith.constant 0 : index
      %get3A_301 = tpu.vector_load %arg14[%get3A_300] {strides = array<i32>} : memref<80xi32, #tpu.memory_space<vmem>>, vector<16xi32>,
      %get3A_302 = vector.shape_cast %get3A_301 : vector<16xi32> to vector<16xi32>
      %swap3A_303 = arith.constant 0 : index
      %swap3A_304 = tpu.vector_load %arg18[%swap3A_303] {strides = array<i32>} : memref<80xi32, #tpu.memory_space<vmem>>, vector<16xi32>,
      %swap3A_305 = vector.shape_cast %swap3A_304 : vector<16xi32> to vector<16xi32>
      %swap3A_306 = vector.shape_cast %get3A_302 : vector<16xi32> to vector<16xi32>
      tpu.vector_store %arg18[%swap3A_303], %swap3A_306 {strides = array<i32>} : memref<80xi32, #tpu.memory_space<vmem>>, vector<16xi32>,
      %get3A_307 = arith.constant 16 : index
      %get3A_308 = tpu.vector_load %arg14[%get3A_307] {strides = array<i32>} : memref<80xi32, #tpu.memory_space<vmem>>, vector<16xi32>,
      %get3A_309 = vector.shape_cast %get3A_308 : vector<16xi32> to vector<16xi32>
      %swap3A_310 = arith.constant 16 : index
      %swap3A_311 = tpu.vector_load %arg18[%swap3A_310] {strides = array<i32>} : memref<80xi32, #tpu.memory_space<vmem>>, vector<16xi32>,
      %swap3A_312 = vector.shape_cast %swap3A_311 : vector<16xi32> to vector<16xi32>
      %swap3A_313 = vector.shape_cast %get3A_309 : vector<16xi32> to vector<16xi32>
      tpu.vector_store %arg18[%swap3A_310], %swap3A_313 {strides = array<i32>} : memref<80xi32, #tpu.memory_space<vmem>>, vector<16xi32>,
      %get3A_314 = arith.constant 32 : index
      %get3A_315 = tpu.vector_load %arg14[%get3A_314] {strides = array<i32>} : memref<80xi32, #tpu.memory_space<vmem>>, vector<16xi32>,
      %get3A_316 = vector.shape_cast %get3A_315 : vector<16xi32> to vector<16xi32>
      %swap3A_317 = arith.constant 32 : index
      %swap3A_318 = tpu.vector_load %arg18[%swap3A_317] {strides = array<i32>} : memref<80xi32, #tpu.memory_space<vmem>>, vector<16xi32>,
      %swap3A_319 = vector.shape_cast %swap3A_318 : vector<16xi32> to vector<16xi32>
      %swap3A_320 = vector.shape_cast %get3A_316 : vector<16xi32> to vector<16xi32>
      tpu.vector_store %arg18[%swap3A_317], %swap3A_320 {strides = array<i32>} : memref<80xi32, #tpu.memory_space<vmem>>, vector<16xi32>,
      %get3A_321 = arith.constant 48 : index
      %get3A_322 = tpu.vector_load %arg14[%get3A_321] {strides = array<i32>} : memref<80xi32, #tpu.memory_space<vmem>>, vector<16xi32>,
      %get3A_323 = vector.shape_cast %get3A_322 : vector<16xi32> to vector<16xi32>
      %swap3A_324 = arith.constant 48 : index
      %swap3A_325 = tpu.vector_load %arg18[%swap3A_324] {strides = array<i32>} : memref<80xi32, #tpu.memory_space<vmem>>, vector<16xi32>,
      %swap3A_326 = vector.shape_cast %swap3A_325 : vector<16xi32> to vector<16xi32>
      %swap3A_327 = vector.shape_cast %get3A_323 : vector<16xi32> to vector<16xi32>
      tpu.vector_store %arg18[%swap3A_324], %swap3A_327 {strides = array<i32>} : memref<80xi32, #tpu.memory_space<vmem>>, vector<16xi32>,
      %get3A_328 = arith.constant 64 : index
      %get3A_329 = tpu.vector_load %arg14[%get3A_328] {strides = array<i32>} : memref<80xi32, #tpu.memory_space<vmem>>, vector<16xi32>,
      %get3A_330 = vector.shape_cast %get3A_329 : vector<16xi32> to vector<16xi32>
      %swap3A_331 = arith.constant 64 : index
      %swap3A_332 = tpu.vector_load %arg18[%swap3A_331] {strides = array<i32>} : memref<80xi32, #tpu.memory_space<vmem>>, vector<16xi32>,
      %swap3A_333 = vector.shape_cast %swap3A_332 : vector<16xi32> to vector<16xi32>
      %swap3A_334 = vector.shape_cast %get3A_330 : vector<16xi32> to vector<16xi32>
      tpu.vector_store %arg18[%swap3A_331], %swap3A_334 {strides = array<i32>} : memref<80xi32, #tpu.memory_space<vmem>>, vector<16xi32>,
      %dma_start3A_335 = arith.constant 0 : i32
      %dma_start3A_336 = arith.constant 0 : i32
      %dma_start3A_337 = tpu.memref_slice %arg23[%dma_start3A_335, %dma_start3A_336] : memref<10240x128xf32, #tpu.memory_space<vmem_shared>> -> memref<10240x128xf32, #tpu.memory_space<vmem_shared>>
      tpu.enqueue_indirect_dma source(%arg22 : memref<80x128xf32, #tpu.memory_space<vmem>>) target(%dma_start3A_337 : memref<10240x128xf32, #tpu.memory_space<vmem_shared>>) offsets(%arg18 : memref<80xi32, #tpu.memory_space<vmem>>) semaphore(%arg31 : memref<!tpu.dma_semaphore, #tpu.memory_space<semaphore_mem>>) {add = true}
      %add3A_338 = arith.constant 2 : i32
      %add3A_339 = arith.addi %add3A_285, %add3A_338 : i32
      %lt3A_340 = arith.cmpi slt, %add3A_339, %select_n3A : i32
      %convert_element_type3A_341 = arith.extui %lt3A_340 : i1 to i32
      %cond3A_342 = arith.constant 0 : i32
      %cond3A_343 = arith.cmpi ne, %convert_element_type3A_341, %cond3A_342 : i32
      scf.if %cond3A_343 {
        %add3A_345 = arith.constant 2 : i32
        %add3A_346 = arith.addi %add3A_285, %add3A_345 : i32
        %mul3A_347 = arith.constant 80 : i32
        %mul3A_348 = arith.muli %add3A_346, %mul3A_347 : i32
        %add3A_349 = arith.addi %select_n3A_25, %mul3A_348 : i32
        %dma_start3A_350 = tpu.memref_slice %arg3[%add3A_349] : memref<322560xi32, #tpu.memory_space<hbm>> -> memref<80xi32, #tpu.memory_space<hbm>>
        %dma_start3A_351 = tpu.memref_slice %arg3[%add3A_349] : memref<322560xi32, #tpu.memory_space<hbm>> -> memref<80xi32, #tpu.memory_space<hbm>>
        tpu.enqueue_dma source(%dma_start3A_351 : memref<80xi32, #tpu.memory_space<hbm>>) target(%arg8 : memref<80xi32, #tpu.memory_space<vmem>>) target_semaphore(%arg33 : memref<!tpu.dma_semaphore, #tpu.memory_space<semaphore_mem>>)
        %mul3A_352 = arith.constant 80 : i32
        %mul3A_353 = arith.muli %add3A_346, %mul3A_352 : i32
        %add3A_354 = arith.addi %select_n3A_25, %mul3A_353 : i32
        %dma_start3A_355 = tpu.memref_slice %arg4[%add3A_354] : memref<322560xi32, #tpu.memory_space<hbm>> -> memref<80xi32, #tpu.memory_space<hbm>>
        %dma_start3A_356 = tpu.memref_slice %arg4[%add3A_354] : memref<322560xi32, #tpu.memory_space<hbm>> -> memref<80xi32, #tpu.memory_space<hbm>>
        tpu.enqueue_dma source(%dma_start3A_356 : memref<80xi32, #tpu.memory_space<hbm>>) target(%arg12 : memref<80xi32, #tpu.memory_space<vmem>>) target_semaphore(%arg37 : memref<!tpu.dma_semaphore, #tpu.memory_space<semaphore_mem>>)
      } else {
      }
      %while3A_344 = arith.constant 0 : i32
      scf.yield %while3A_344 : i32
    }
    %while3A_78 = arith.constant 1 : i32
    %while3A_79 = scf.for %while3A_98 = %while3A_75 to %while3A_71 step %while3A_78 iter_args(%while3A_99 = %while3A_77) -> (i32)  : i32 {
      %mul3A_100 = arith.constant 4 : i32
      %mul3A_101 = arith.muli %mul3A_100, %while3A_98 : i32
      %add3A_102 = arith.constant 0 : i32
      %add3A_103 = arith.addi %mul3A_101, %add3A_102 : i32
      %ge3A = arith.constant 3 : i32
      %ge3A_104 = arith.cmpi sge, %add3A_103, %ge3A : i32
      %convert_element_type3A_105 = arith.extui %ge3A_104 : i1 to i32
      %cond3A_106 = arith.constant 0 : i32
      %cond3A_107 = arith.cmpi ne, %convert_element_type3A_105, %cond3A_106 : i32
      scf.if %cond3A_107 {
        %dma_wait3A_345 = arith.constant 0 : i32
        %dma_wait3A_346 = arith.constant 0 : i32
        %dma_wait3A_347 = tpu.memref_slice %arg23[%dma_wait3A_345, %dma_wait3A_346] : memref<10240x128xf32, #tpu.memory_space<vmem_shared>> -> memref<10240x128xf32, #tpu.memory_space<vmem_shared>>
        tpu.wait_indirect_dma semaphore(%arg29 : memref<!tpu.dma_semaphore, #tpu.memory_space<semaphore_mem>>) src(%arg20 : memref<80x128xf32, #tpu.memory_space<vmem>>) dst(%dma_wait3A_347 : memref<10240x128xf32, #tpu.memory_space<vmem_shared>>)
      } else {
      }
      %add3A_108 = arith.constant 1 : i32
      %add3A_109 = arith.addi %add3A_103, %add3A_108 : i32
      %lt3A = arith.cmpi slt, %add3A_109, %select_n3A : i32
      %convert_element_type3A_110 = arith.extui %lt3A : i1 to i32
      %cond3A_111 = arith.constant 0 : i32
      %cond3A_112 = arith.cmpi ne, %convert_element_type3A_110, %cond3A_111 : i32
      scf.if %cond3A_112 {
        %add3A_345 = arith.constant 1 : i32
        %add3A_346 = arith.addi %add3A_103, %add3A_345 : i32
        %mul3A_347 = arith.constant 80 : i32
        %mul3A_348 = arith.muli %add3A_346, %mul3A_347 : i32
        %add3A_349 = arith.addi %select_n3A_25, %mul3A_348 : i32
        %dma_wait3A_350 = tpu.memref_slice %arg3[%add3A_349] : memref<322560xi32, #tpu.memory_space<hbm>> -> memref<80xi32, #tpu.memory_space<hbm>>
        %dma_wait3A_351 = tpu.memref_slice %arg3[%add3A_349] : memref<322560xi32, #tpu.memory_space<hbm>> -> memref<80xi32, #tpu.memory_space<hbm>>
        tpu.wait_dma2 semaphore(%arg33 : memref<!tpu.dma_semaphore, #tpu.memory_space<semaphore_mem>>) src(%dma_wait3A_351 : memref<80xi32, #tpu.memory_space<hbm>>) dst(%arg8 : memref<80xi32, #tpu.memory_space<vmem>>)
        %mul3A_352 = arith.constant 80 : i32
        %mul3A_353 = arith.muli %add3A_346, %mul3A_352 : i32
        %add3A_354 = arith.addi %select_n3A_25, %mul3A_353 : i32
        %dma_wait3A_355 = tpu.memref_slice %arg4[%add3A_354] : memref<322560xi32, #tpu.memory_space<hbm>> -> memref<80xi32, #tpu.memory_space<hbm>>
        %dma_wait3A_356 = tpu.memref_slice %arg4[%add3A_354] : memref<322560xi32, #tpu.memory_space<hbm>> -> memref<80xi32, #tpu.memory_space<hbm>>
        tpu.wait_dma2 semaphore(%arg37 : memref<!tpu.dma_semaphore, #tpu.memory_space<semaphore_mem>>) src(%dma_wait3A_356 : memref<80xi32, #tpu.memory_space<hbm>>) dst(%arg12 : memref<80xi32, #tpu.memory_space<vmem>>)
        %dma_start3A_357 = arith.constant 0 : i32
        %dma_start3A_358 = arith.constant 0 : i32
        %dma_start3A_359 = tpu.memref_slice %arg2[%dma_start3A_357, %dma_start3A_358] : memref<10000x128xf32, #tpu.memory_space<hbm>> -> memref<10000x128xf32, #tpu.memory_space<hbm>>
        tpu.enqueue_indirect_dma source(%dma_start3A_359 : memref<10000x128xf32, #tpu.memory_space<hbm>>) target(%arg20 : memref<80x128xf32, #tpu.memory_space<vmem>>) offsets(%arg8 : memref<80xi32, #tpu.memory_space<vmem>>) semaphore(%arg25 : memref<!tpu.dma_semaphore, #tpu.memory_space<semaphore_mem>>)
      } else {
      }
      %dma_wait3A_113 = arith.constant 0 : i32
      %dma_wait3A_114 = arith.constant 0 : i32
      %dma_wait3A_115 = tpu.memref_slice %arg2[%dma_wait3A_113, %dma_wait3A_114] : memref<10000x128xf32, #tpu.memory_space<hbm>> -> memref<10000x128xf32, #tpu.memory_space<hbm>>
      tpu.wait_indirect_dma semaphore(%arg24 : memref<!tpu.dma_semaphore, #tpu.memory_space<semaphore_mem>>) src(%dma_wait3A_115 : memref<10000x128xf32, #tpu.memory_space<hbm>>) dst(%arg19 : memref<80x128xf32, #tpu.memory_space<vmem>>)
      %get3A = arith.constant 0 : index
      %get3A_116 = tpu.vector_load %arg11[%get3A] {strides = array<i32>} : memref<80xi32, #tpu.memory_space<vmem>>, vector<16xi32>,
      %get3A_117 = vector.shape_cast %get3A_116 : vector<16xi32> to vector<16xi32>
      %swap3A = arith.constant 0 : index
      %swap3A_118 = tpu.vector_load %arg15[%swap3A] {strides = array<i32>} : memref<80xi32, #tpu.memory_space<vmem>>, vector<16xi32>,
      %swap3A_119 = vector.shape_cast %swap3A_118 : vector<16xi32> to vector<16xi32>
      %swap3A_120 = vector.shape_cast %get3A_117 : vector<16xi32> to vector<16xi32>
      tpu.vector_store %arg15[%swap3A], %swap3A_120 {strides = array<i32>} : memref<80xi32, #tpu.memory_space<vmem>>, vector<16xi32>,
      %get3A_121 = arith.constant 16 : index
      %get3A_122 = tpu.vector_load %arg11[%get3A_121] {strides = array<i32>} : memref<80xi32, #tpu.memory_space<vmem>>, vector<16xi32>,
      %get3A_123 = vector.shape_cast %get3A_122 : vector<16xi32> to vector<16xi32>
      %swap3A_124 = arith.constant 16 : index
      %swap3A_125 = tpu.vector_load %arg15[%swap3A_124] {strides = array<i32>} : memref<80xi32, #tpu.memory_space<vmem>>, vector<16xi32>,
      %swap3A_126 = vector.shape_cast %swap3A_125 : vector<16xi32> to vector<16xi32>
      %swap3A_127 = vector.shape_cast %get3A_123 : vector<16xi32> to vector<16xi32>
      tpu.vector_store %arg15[%swap3A_124], %swap3A_127 {strides = array<i32>} : memref<80xi32, #tpu.memory_space<vmem>>, vector<16xi32>,
      %get3A_128 = arith.constant 32 : index
      %get3A_129 = tpu.vector_load %arg11[%get3A_128] {strides = array<i32>} : memref<80xi32, #tpu.memory_space<vmem>>, vector<16xi32>,
      %get3A_130 = vector.shape_cast %get3A_129 : vector<16xi32> to vector<16xi32>
      %swap3A_131 = arith.constant 32 : index
      %swap3A_132 = tpu.vector_load %arg15[%swap3A_131] {strides = array<i32>} : memref<80xi32, #tpu.memory_space<vmem>>, vector<16xi32>,
      %swap3A_133 = vector.shape_cast %swap3A_132 : vector<16xi32> to vector<16xi32>
      %swap3A_134 = vector.shape_cast %get3A_130 : vector<16xi32> to vector<16xi32>
      tpu.vector_store %arg15[%swap3A_131], %swap3A_134 {strides = array<i32>} : memref<80xi32, #tpu.memory_space<vmem>>, vector<16xi32>,
      %get3A_135 = arith.constant 48 : index
      %get3A_136 = tpu.vector_load %arg11[%get3A_135] {strides = array<i32>} : memref<80xi32, #tpu.memory_space<vmem>>, vector<16xi32>,
      %get3A_137 = vector.shape_cast %get3A_136 : vector<16xi32> to vector<16xi32>
      %swap3A_138 = arith.constant 48 : index
      %swap3A_139 = tpu.vector_load %arg15[%swap3A_138] {strides = array<i32>} : memref<80xi32, #tpu.memory_space<vmem>>, vector<16xi32>,
      %swap3A_140 = vector.shape_cast %swap3A_139 : vector<16xi32> to vector<16xi32>
      %swap3A_141 = vector.shape_cast %get3A_137 : vector<16xi32> to vector<16xi32>
      tpu.vector_store %arg15[%swap3A_138], %swap3A_141 {strides = array<i32>} : memref<80xi32, #tpu.memory_space<vmem>>, vector<16xi32>,
      %get3A_142 = arith.constant 64 : index
      %get3A_143 = tpu.vector_load %arg11[%get3A_142] {strides = array<i32>} : memref<80xi32, #tpu.memory_space<vmem>>, vector<16xi32>,
      %get3A_144 = vector.shape_cast %get3A_143 : vector<16xi32> to vector<16xi32>
      %swap3A_145 = arith.constant 64 : index
      %swap3A_146 = tpu.vector_load %arg15[%swap3A_145] {strides = array<i32>} : memref<80xi32, #tpu.memory_space<vmem>>, vector<16xi32>,
      %swap3A_147 = vector.shape_cast %swap3A_146 : vector<16xi32> to vector<16xi32>
      %swap3A_148 = vector.shape_cast %get3A_144 : vector<16xi32> to vector<16xi32>
      tpu.vector_store %arg15[%swap3A_145], %swap3A_148 {strides = array<i32>} : memref<80xi32, #tpu.memory_space<vmem>>, vector<16xi32>,
      %dma_start3A_149 = arith.constant 0 : i32
      %dma_start3A_150 = arith.constant 0 : i32
      %dma_start3A_151 = tpu.memref_slice %arg23[%dma_start3A_149, %dma_start3A_150] : memref<10240x128xf32, #tpu.memory_space<vmem_shared>> -> memref<10240x128xf32, #tpu.memory_space<vmem_shared>>
      tpu.enqueue_indirect_dma source(%arg19 : memref<80x128xf32, #tpu.memory_space<vmem>>) target(%dma_start3A_151 : memref<10240x128xf32, #tpu.memory_space<vmem_shared>>) offsets(%arg15 : memref<80xi32, #tpu.memory_space<vmem>>) semaphore(%arg28 : memref<!tpu.dma_semaphore, #tpu.memory_space<semaphore_mem>>) {add = true}
      %add3A_152 = arith.constant 2 : i32
      %add3A_153 = arith.addi %add3A_103, %add3A_152 : i32
      %lt3A_154 = arith.cmpi slt, %add3A_153, %select_n3A : i32
      %convert_element_type3A_155 = arith.extui %lt3A_154 : i1 to i32
      %cond3A_156 = arith.constant 0 : i32
      %cond3A_157 = arith.cmpi ne, %convert_element_type3A_155, %cond3A_156 : i32
      scf.if %cond3A_157 {
        %add3A_345 = arith.constant 2 : i32
        %add3A_346 = arith.addi %add3A_103, %add3A_345 : i32
        %mul3A_347 = arith.constant 80 : i32
        %mul3A_348 = arith.muli %add3A_346, %mul3A_347 : i32
        %add3A_349 = arith.addi %select_n3A_25, %mul3A_348 : i32
        %dma_start3A_350 = tpu.memref_slice %arg3[%add3A_349] : memref<322560xi32, #tpu.memory_space<hbm>> -> memref<80xi32, #tpu.memory_space<hbm>>
        %dma_start3A_351 = tpu.memref_slice %arg3[%add3A_349] : memref<322560xi32, #tpu.memory_space<hbm>> -> memref<80xi32, #tpu.memory_space<hbm>>
        tpu.enqueue_dma source(%dma_start3A_351 : memref<80xi32, #tpu.memory_space<hbm>>) target(%arg9 : memref<80xi32, #tpu.memory_space<vmem>>) target_semaphore(%arg34 : memref<!tpu.dma_semaphore, #tpu.memory_space<semaphore_mem>>)
        %mul3A_352 = arith.constant 80 : i32
        %mul3A_353 = arith.muli %add3A_346, %mul3A_352 : i32
        %add3A_354 = arith.addi %select_n3A_25, %mul3A_353 : i32
        %dma_start3A_355 = tpu.memref_slice %arg4[%add3A_354] : memref<322560xi32, #tpu.memory_space<hbm>> -> memref<80xi32, #tpu.memory_space<hbm>>
        %dma_start3A_356 = tpu.memref_slice %arg4[%add3A_354] : memref<322560xi32, #tpu.memory_space<hbm>> -> memref<80xi32, #tpu.memory_space<hbm>>
        tpu.enqueue_dma source(%dma_start3A_356 : memref<80xi32, #tpu.memory_space<hbm>>) target(%arg13 : memref<80xi32, #tpu.memory_space<vmem>>) target_semaphore(%arg38 : memref<!tpu.dma_semaphore, #tpu.memory_space<semaphore_mem>>)
      } else {
      }
      %mul3A_158 = arith.constant 4 : i32
      %mul3A_159 = arith.muli %mul3A_158, %while3A_98 : i32
      %add3A_160 = arith.constant 1 : i32
      %add3A_161 = arith.addi %mul3A_159, %add3A_160 : i32
      %ge3A_162 = arith.constant 3 : i32
      %ge3A_163 = arith.cmpi sge, %add3A_161, %ge3A_162 : i32
      %convert_element_type3A_164 = arith.extui %ge3A_163 : i1 to i32
      %cond3A_165 = arith.constant 0 : i32
      %cond3A_166 = arith.cmpi ne, %convert_element_type3A_164, %cond3A_165 : i32
      scf.if %cond3A_166 {
        %dma_wait3A_345 = arith.constant 0 : i32
        %dma_wait3A_346 = arith.constant 0 : i32
        %dma_wait3A_347 = tpu.memref_slice %arg23[%dma_wait3A_345, %dma_wait3A_346] : memref<10240x128xf32, #tpu.memory_space<vmem_shared>> -> memref<10240x128xf32, #tpu.memory_space<vmem_shared>>
        tpu.wait_indirect_dma semaphore(%arg30 : memref<!tpu.dma_semaphore, #tpu.memory_space<semaphore_mem>>) src(%arg21 : memref<80x128xf32, #tpu.memory_space<vmem>>) dst(%dma_wait3A_347 : memref<10240x128xf32, #tpu.memory_space<vmem_shared>>)
      } else {
      }
      %add3A_167 = arith.constant 1 : i32
      %add3A_168 = arith.addi %add3A_161, %add3A_167 : i32
      %lt3A_169 = arith.cmpi slt, %add3A_168, %select_n3A : i32
      %convert_element_type3A_170 = arith.extui %lt3A_169 : i1 to i32
      %cond3A_171 = arith.constant 0 : i32
      %cond3A_172 = arith.cmpi ne, %convert_element_type3A_170, %cond3A_171 : i32
      scf.if %cond3A_172 {
        %add3A_345 = arith.constant 1 : i32
        %add3A_346 = arith.addi %add3A_161, %add3A_345 : i32
        %mul3A_347 = arith.constant 80 : i32
        %mul3A_348 = arith.muli %add3A_346, %mul3A_347 : i32
        %add3A_349 = arith.addi %select_n3A_25, %mul3A_348 : i32
        %dma_wait3A_350 = tpu.memref_slice %arg3[%add3A_349] : memref<322560xi32, #tpu.memory_space<hbm>> -> memref<80xi32, #tpu.memory_space<hbm>>
        %dma_wait3A_351 = tpu.memref_slice %arg3[%add3A_349] : memref<322560xi32, #tpu.memory_space<hbm>> -> memref<80xi32, #tpu.memory_space<hbm>>
        tpu.wait_dma2 semaphore(%arg34 : memref<!tpu.dma_semaphore, #tpu.memory_space<semaphore_mem>>) src(%dma_wait3A_351 : memref<80xi32, #tpu.memory_space<hbm>>) dst(%arg9 : memref<80xi32, #tpu.memory_space<vmem>>)
        %mul3A_352 = arith.constant 80 : i32
        %mul3A_353 = arith.muli %add3A_346, %mul3A_352 : i32
        %add3A_354 = arith.addi %select_n3A_25, %mul3A_353 : i32
        %dma_wait3A_355 = tpu.memref_slice %arg4[%add3A_354] : memref<322560xi32, #tpu.memory_space<hbm>> -> memref<80xi32, #tpu.memory_space<hbm>>
        %dma_wait3A_356 = tpu.memref_slice %arg4[%add3A_354] : memref<322560xi32, #tpu.memory_space<hbm>> -> memref<80xi32, #tpu.memory_space<hbm>>
        tpu.wait_dma2 semaphore(%arg38 : memref<!tpu.dma_semaphore, #tpu.memory_space<semaphore_mem>>) src(%dma_wait3A_356 : memref<80xi32, #tpu.memory_space<hbm>>) dst(%arg13 : memref<80xi32, #tpu.memory_space<vmem>>)
        %dma_start3A_357 = arith.constant 0 : i32
        %dma_start3A_358 = arith.constant 0 : i32
        %dma_start3A_359 = tpu.memref_slice %arg2[%dma_start3A_357, %dma_start3A_358] : memref<10000x128xf32, #tpu.memory_space<hbm>> -> memref<10000x128xf32, #tpu.memory_space<hbm>>
        tpu.enqueue_indirect_dma source(%dma_start3A_359 : memref<10000x128xf32, #tpu.memory_space<hbm>>) target(%arg21 : memref<80x128xf32, #tpu.memory_space<vmem>>) offsets(%arg9 : memref<80xi32, #tpu.memory_space<vmem>>) semaphore(%arg26 : memref<!tpu.dma_semaphore, #tpu.memory_space<semaphore_mem>>)
      } else {
      }
      %dma_wait3A_173 = arith.constant 0 : i32
      %dma_wait3A_174 = arith.constant 0 : i32
      %dma_wait3A_175 = tpu.memref_slice %arg2[%dma_wait3A_173, %dma_wait3A_174] : memref<10000x128xf32, #tpu.memory_space<hbm>> -> memref<10000x128xf32, #tpu.memory_space<hbm>>
      tpu.wait_indirect_dma semaphore(%arg25 : memref<!tpu.dma_semaphore, #tpu.memory_space<semaphore_mem>>) src(%dma_wait3A_175 : memref<10000x128xf32, #tpu.memory_space<hbm>>) dst(%arg20 : memref<80x128xf32, #tpu.memory_space<vmem>>)
      %get3A_176 = arith.constant 0 : index
      %get3A_177 = tpu.vector_load %arg12[%get3A_176] {strides = array<i32>} : memref<80xi32, #tpu.memory_space<vmem>>, vector<16xi32>,
      %get3A_178 = vector.shape_cast %get3A_177 : vector<16xi32> to vector<16xi32>
      %swap3A_179 = arith.constant 0 : index
      %swap3A_180 = tpu.vector_load %arg16[%swap3A_179] {strides = array<i32>} : memref<80xi32, #tpu.memory_space<vmem>>, vector<16xi32>,
      %swap3A_181 = vector.shape_cast %swap3A_180 : vector<16xi32> to vector<16xi32>
      %swap3A_182 = vector.shape_cast %get3A_178 : vector<16xi32> to vector<16xi32>
      tpu.vector_store %arg16[%swap3A_179], %swap3A_182 {strides = array<i32>} : memref<80xi32, #tpu.memory_space<vmem>>, vector<16xi32>,
      %get3A_183 = arith.constant 16 : index
      %get3A_184 = tpu.vector_load %arg12[%get3A_183] {strides = array<i32>} : memref<80xi32, #tpu.memory_space<vmem>>, vector<16xi32>,
      %get3A_185 = vector.shape_cast %get3A_184 : vector<16xi32> to vector<16xi32>
      %swap3A_186 = arith.constant 16 : index
      %swap3A_187 = tpu.vector_load %arg16[%swap3A_186] {strides = array<i32>} : memref<80xi32, #tpu.memory_space<vmem>>, vector<16xi32>,
      %swap3A_188 = vector.shape_cast %swap3A_187 : vector<16xi32> to vector<16xi32>
      %swap3A_189 = vector.shape_cast %get3A_185 : vector<16xi32> to vector<16xi32>
      tpu.vector_store %arg16[%swap3A_186], %swap3A_189 {strides = array<i32>} : memref<80xi32, #tpu.memory_space<vmem>>, vector<16xi32>,
      %get3A_190 = arith.constant 32 : index
      %get3A_191 = tpu.vector_load %arg12[%get3A_190] {strides = array<i32>} : memref<80xi32, #tpu.memory_space<vmem>>, vector<16xi32>,
      %get3A_192 = vector.shape_cast %get3A_191 : vector<16xi32> to vector<16xi32>
      %swap3A_193 = arith.constant 32 : index
      %swap3A_194 = tpu.vector_load %arg16[%swap3A_193] {strides = array<i32>} : memref<80xi32, #tpu.memory_space<vmem>>, vector<16xi32>,
      %swap3A_195 = vector.shape_cast %swap3A_194 : vector<16xi32> to vector<16xi32>
      %swap3A_196 = vector.shape_cast %get3A_192 : vector<16xi32> to vector<16xi32>
      tpu.vector_store %arg16[%swap3A_193], %swap3A_196 {strides = array<i32>} : memref<80xi32, #tpu.memory_space<vmem>>, vector<16xi32>,
      %get3A_197 = arith.constant 48 : index
      %get3A_198 = tpu.vector_load %arg12[%get3A_197] {strides = array<i32>} : memref<80xi32, #tpu.memory_space<vmem>>, vector<16xi32>,
      %get3A_199 = vector.shape_cast %get3A_198 : vector<16xi32> to vector<16xi32>
      %swap3A_200 = arith.constant 48 : index
      %swap3A_201 = tpu.vector_load %arg16[%swap3A_200] {strides = array<i32>} : memref<80xi32, #tpu.memory_space<vmem>>, vector<16xi32>,
      %swap3A_202 = vector.shape_cast %swap3A_201 : vector<16xi32> to vector<16xi32>
      %swap3A_203 = vector.shape_cast %get3A_199 : vector<16xi32> to vector<16xi32>
      tpu.vector_store %arg16[%swap3A_200], %swap3A_203 {strides = array<i32>} : memref<80xi32, #tpu.memory_space<vmem>>, vector<16xi32>,
      %get3A_204 = arith.constant 64 : index
      %get3A_205 = tpu.vector_load %arg12[%get3A_204] {strides = array<i32>} : memref<80xi32, #tpu.memory_space<vmem>>, vector<16xi32>,
      %get3A_206 = vector.shape_cast %get3A_205 : vector<16xi32> to vector<16xi32>
      %swap3A_207 = arith.constant 64 : index
      %swap3A_208 = tpu.vector_load %arg16[%swap3A_207] {strides = array<i32>} : memref<80xi32, #tpu.memory_space<vmem>>, vector<16xi32>,
      %swap3A_209 = vector.shape_cast %swap3A_208 : vector<16xi32> to vector<16xi32>
      %swap3A_210 = vector.shape_cast %get3A_206 : vector<16xi32> to vector<16xi32>
      tpu.vector_store %arg16[%swap3A_207], %swap3A_210 {strides = array<i32>} : memref<80xi32, #tpu.memory_space<vmem>>, vector<16xi32>,
      %dma_start3A_211 = arith.constant 0 : i32
      %dma_start3A_212 = arith.constant 0 : i32
      %dma_start3A_213 = tpu.memref_slice %arg23[%dma_start3A_211, %dma_start3A_212] : memref<10240x128xf32, #tpu.memory_space<vmem_shared>> -> memref<10240x128xf32, #tpu.memory_space<vmem_shared>>
      tpu.enqueue_indirect_dma source(%arg20 : memref<80x128xf32, #tpu.memory_space<vmem>>) target(%dma_start3A_213 : memref<10240x128xf32, #tpu.memory_space<vmem_shared>>) offsets(%arg16 : memref<80xi32, #tpu.memory_space<vmem>>) semaphore(%arg29 : memref<!tpu.dma_semaphore, #tpu.memory_space<semaphore_mem>>) {add = true}
      %add3A_214 = arith.constant 2 : i32
      %add3A_215 = arith.addi %add3A_161, %add3A_214 : i32
      %lt3A_216 = arith.cmpi slt, %add3A_215, %select_n3A : i32
      %convert_element_type3A_217 = arith.extui %lt3A_216 : i1 to i32
      %cond3A_218 = arith.constant 0 : i32
      %cond3A_219 = arith.cmpi ne, %convert_element_type3A_217, %cond3A_218 : i32
      scf.if %cond3A_219 {
        %add3A_345 = arith.constant 2 : i32
        %add3A_346 = arith.addi %add3A_161, %add3A_345 : i32
        %mul3A_347 = arith.constant 80 : i32
        %mul3A_348 = arith.muli %add3A_346, %mul3A_347 : i32
        %add3A_349 = arith.addi %select_n3A_25, %mul3A_348 : i32
        %dma_start3A_350 = tpu.memref_slice %arg3[%add3A_349] : memref<322560xi32, #tpu.memory_space<hbm>> -> memref<80xi32, #tpu.memory_space<hbm>>
        %dma_start3A_351 = tpu.memref_slice %arg3[%add3A_349] : memref<322560xi32, #tpu.memory_space<hbm>> -> memref<80xi32, #tpu.memory_space<hbm>>
        tpu.enqueue_dma source(%dma_start3A_351 : memref<80xi32, #tpu.memory_space<hbm>>) target(%arg10 : memref<80xi32, #tpu.memory_space<vmem>>) target_semaphore(%arg35 : memref<!tpu.dma_semaphore, #tpu.memory_space<semaphore_mem>>)
        %mul3A_352 = arith.constant 80 : i32
        %mul3A_353 = arith.muli %add3A_346, %mul3A_352 : i32
        %add3A_354 = arith.addi %select_n3A_25, %mul3A_353 : i32
        %dma_start3A_355 = tpu.memref_slice %arg4[%add3A_354] : memref<322560xi32, #tpu.memory_space<hbm>> -> memref<80xi32, #tpu.memory_space<hbm>>
        %dma_start3A_356 = tpu.memref_slice %arg4[%add3A_354] : memref<322560xi32, #tpu.memory_space<hbm>> -> memref<80xi32, #tpu.memory_space<hbm>>
        tpu.enqueue_dma source(%dma_start3A_356 : memref<80xi32, #tpu.memory_space<hbm>>) target(%arg14 : memref<80xi32, #tpu.memory_space<vmem>>) target_semaphore(%arg39 : memref<!tpu.dma_semaphore, #tpu.memory_space<semaphore_mem>>)
      } else {
      }
      %mul3A_220 = arith.constant 4 : i32
      %mul3A_221 = arith.muli %mul3A_220, %while3A_98 : i32
      %add3A_222 = arith.constant 2 : i32
      %add3A_223 = arith.addi %mul3A_221, %add3A_222 : i32
      %ge3A_224 = arith.constant 3 : i32
      %ge3A_225 = arith.cmpi sge, %add3A_223, %ge3A_224 : i32
      %convert_element_type3A_226 = arith.extui %ge3A_225 : i1 to i32
      %cond3A_227 = arith.constant 0 : i32
      %cond3A_228 = arith.cmpi ne, %convert_element_type3A_226, %cond3A_227 : i32
      scf.if %cond3A_228 {
        %dma_wait3A_345 = arith.constant 0 : i32
        %dma_wait3A_346 = arith.constant 0 : i32
        %dma_wait3A_347 = tpu.memref_slice %arg23[%dma_wait3A_345, %dma_wait3A_346] : memref<10240x128xf32, #tpu.memory_space<vmem_shared>> -> memref<10240x128xf32, #tpu.memory_space<vmem_shared>>
        tpu.wait_indirect_dma semaphore(%arg31 : memref<!tpu.dma_semaphore, #tpu.memory_space<semaphore_mem>>) src(%arg22 : memref<80x128xf32, #tpu.memory_space<vmem>>) dst(%dma_wait3A_347 : memref<10240x128xf32, #tpu.memory_space<vmem_shared>>)
      } else {
      }
      %add3A_229 = arith.constant 1 : i32
      %add3A_230 = arith.addi %add3A_223, %add3A_229 : i32
      %lt3A_231 = arith.cmpi slt, %add3A_230, %select_n3A : i32
      %convert_element_type3A_232 = arith.extui %lt3A_231 : i1 to i32
      %cond3A_233 = arith.constant 0 : i32
      %cond3A_234 = arith.cmpi ne, %convert_element_type3A_232, %cond3A_233 : i32
      scf.if %cond3A_234 {
        %add3A_345 = arith.constant 1 : i32
        %add3A_346 = arith.addi %add3A_223, %add3A_345 : i32
        %mul3A_347 = arith.constant 80 : i32
        %mul3A_348 = arith.muli %add3A_346, %mul3A_347 : i32
        %add3A_349 = arith.addi %select_n3A_25, %mul3A_348 : i32
        %dma_wait3A_350 = tpu.memref_slice %arg3[%add3A_349] : memref<322560xi32, #tpu.memory_space<hbm>> -> memref<80xi32, #tpu.memory_space<hbm>>
        %dma_wait3A_351 = tpu.memref_slice %arg3[%add3A_349] : memref<322560xi32, #tpu.memory_space<hbm>> -> memref<80xi32, #tpu.memory_space<hbm>>
        tpu.wait_dma2 semaphore(%arg35 : memref<!tpu.dma_semaphore, #tpu.memory_space<semaphore_mem>>) src(%dma_wait3A_351 : memref<80xi32, #tpu.memory_space<hbm>>) dst(%arg10 : memref<80xi32, #tpu.memory_space<vmem>>)
        %mul3A_352 = arith.constant 80 : i32
        %mul3A_353 = arith.muli %add3A_346, %mul3A_352 : i32
        %add3A_354 = arith.addi %select_n3A_25, %mul3A_353 : i32
        %dma_wait3A_355 = tpu.memref_slice %arg4[%add3A_354] : memref<322560xi32, #tpu.memory_space<hbm>> -> memref<80xi32, #tpu.memory_space<hbm>>
        %dma_wait3A_356 = tpu.memref_slice %arg4[%add3A_354] : memref<322560xi32, #tpu.memory_space<hbm>> -> memref<80xi32, #tpu.memory_space<hbm>>
        tpu.wait_dma2 semaphore(%arg39 : memref<!tpu.dma_semaphore, #tpu.memory_space<semaphore_mem>>) src(%dma_wait3A_356 : memref<80xi32, #tpu.memory_space<hbm>>) dst(%arg14 : memref<80xi32, #tpu.memory_space<vmem>>)
        %dma_start3A_357 = arith.constant 0 : i32
        %dma_start3A_358 = arith.constant 0 : i32
        %dma_start3A_359 = tpu.memref_slice %arg2[%dma_start3A_357, %dma_start3A_358] : memref<10000x128xf32, #tpu.memory_space<hbm>> -> memref<10000x128xf32, #tpu.memory_space<hbm>>
        tpu.enqueue_indirect_dma source(%dma_start3A_359 : memref<10000x128xf32, #tpu.memory_space<hbm>>) target(%arg22 : memref<80x128xf32, #tpu.memory_space<vmem>>) offsets(%arg10 : memref<80xi32, #tpu.memory_space<vmem>>) semaphore(%arg27 : memref<!tpu.dma_semaphore, #tpu.memory_space<semaphore_mem>>)
      } else {
      }
      %dma_wait3A_235 = arith.constant 0 : i32
      %dma_wait3A_236 = arith.constant 0 : i32
      %dma_wait3A_237 = tpu.memref_slice %arg2[%dma_wait3A_235, %dma_wait3A_236] : memref<10000x128xf32, #tpu.memory_space<hbm>> -> memref<10000x128xf32, #tpu.memory_space<hbm>>
      tpu.wait_indirect_dma semaphore(%arg26 : memref<!tpu.dma_semaphore, #tpu.memory_space<semaphore_mem>>) src(%dma_wait3A_237 : memref<10000x128xf32, #tpu.memory_space<hbm>>) dst(%arg21 : memref<80x128xf32, #tpu.memory_space<vmem>>)
      %get3A_238 = arith.constant 0 : index
      %get3A_239 = tpu.vector_load %arg13[%get3A_238] {strides = array<i32>} : memref<80xi32, #tpu.memory_space<vmem>>, vector<16xi32>,
      %get3A_240 = vector.shape_cast %get3A_239 : vector<16xi32> to vector<16xi32>
      %swap3A_241 = arith.constant 0 : index
      %swap3A_242 = tpu.vector_load %arg17[%swap3A_241] {strides = array<i32>} : memref<80xi32, #tpu.memory_space<vmem>>, vector<16xi32>,
      %swap3A_243 = vector.shape_cast %swap3A_242 : vector<16xi32> to vector<16xi32>
      %swap3A_244 = vector.shape_cast %get3A_240 : vector<16xi32> to vector<16xi32>
      tpu.vector_store %arg17[%swap3A_241], %swap3A_244 {strides = array<i32>} : memref<80xi32, #tpu.memory_space<vmem>>, vector<16xi32>,
      %get3A_245 = arith.constant 16 : index
      %get3A_246 = tpu.vector_load %arg13[%get3A_245] {strides = array<i32>} : memref<80xi32, #tpu.memory_space<vmem>>, vector<16xi32>,
      %get3A_247 = vector.shape_cast %get3A_246 : vector<16xi32> to vector<16xi32>
      %swap3A_248 = arith.constant 16 : index
      %swap3A_249 = tpu.vector_load %arg17[%swap3A_248] {strides = array<i32>} : memref<80xi32, #tpu.memory_space<vmem>>, vector<16xi32>,
      %swap3A_250 = vector.shape_cast %swap3A_249 : vector<16xi32> to vector<16xi32>
      %swap3A_251 = vector.shape_cast %get3A_247 : vector<16xi32> to vector<16xi32>
      tpu.vector_store %arg17[%swap3A_248], %swap3A_251 {strides = array<i32>} : memref<80xi32, #tpu.memory_space<vmem>>, vector<16xi32>,
      %get3A_252 = arith.constant 32 : index
      %get3A_253 = tpu.vector_load %arg13[%get3A_252] {strides = array<i32>} : memref<80xi32, #tpu.memory_space<vmem>>, vector<16xi32>,
      %get3A_254 = vector.shape_cast %get3A_253 : vector<16xi32> to vector<16xi32>
      %swap3A_255 = arith.constant 32 : index
      %swap3A_256 = tpu.vector_load %arg17[%swap3A_255] {strides = array<i32>} : memref<80xi32, #tpu.memory_space<vmem>>, vector<16xi32>,
      %swap3A_257 = vector.shape_cast %swap3A_256 : vector<16xi32> to vector<16xi32>
      %swap3A_258 = vector.shape_cast %get3A_254 : vector<16xi32> to vector<16xi32>
      tpu.vector_store %arg17[%swap3A_255], %swap3A_258 {strides = array<i32>} : memref<80xi32, #tpu.memory_space<vmem>>, vector<16xi32>,
      %get3A_259 = arith.constant 48 : index
      %get3A_260 = tpu.vector_load %arg13[%get3A_259] {strides = array<i32>} : memref<80xi32, #tpu.memory_space<vmem>>, vector<16xi32>,
      %get3A_261 = vector.shape_cast %get3A_260 : vector<16xi32> to vector<16xi32>
      %swap3A_262 = arith.constant 48 : index
      %swap3A_263 = tpu.vector_load %arg17[%swap3A_262] {strides = array<i32>} : memref<80xi32, #tpu.memory_space<vmem>>, vector<16xi32>,
      %swap3A_264 = vector.shape_cast %swap3A_263 : vector<16xi32> to vector<16xi32>
      %swap3A_265 = vector.shape_cast %get3A_261 : vector<16xi32> to vector<16xi32>
      tpu.vector_store %arg17[%swap3A_262], %swap3A_265 {strides = array<i32>} : memref<80xi32, #tpu.memory_space<vmem>>, vector<16xi32>,
      %get3A_266 = arith.constant 64 : index
      %get3A_267 = tpu.vector_load %arg13[%get3A_266] {strides = array<i32>} : memref<80xi32, #tpu.memory_space<vmem>>, vector<16xi32>,
      %get3A_268 = vector.shape_cast %get3A_267 : vector<16xi32> to vector<16xi32>
      %swap3A_269 = arith.constant 64 : index
      %swap3A_270 = tpu.vector_load %arg17[%swap3A_269] {strides = array<i32>} : memref<80xi32, #tpu.memory_space<vmem>>, vector<16xi32>,
      %swap3A_271 = vector.shape_cast %swap3A_270 : vector<16xi32> to vector<16xi32>
      %swap3A_272 = vector.shape_cast %get3A_268 : vector<16xi32> to vector<16xi32>
      tpu.vector_store %arg17[%swap3A_269], %swap3A_272 {strides = array<i32>} : memref<80xi32, #tpu.memory_space<vmem>>, vector<16xi32>,
      %dma_start3A_273 = arith.constant 0 : i32
      %dma_start3A_274 = arith.constant 0 : i32
      %dma_start3A_275 = tpu.memref_slice %arg23[%dma_start3A_273, %dma_start3A_274] : memref<10240x128xf32, #tpu.memory_space<vmem_shared>> -> memref<10240x128xf32, #tpu.memory_space<vmem_shared>>
      tpu.enqueue_indirect_dma source(%arg21 : memref<80x128xf32, #tpu.memory_space<vmem>>) target(%dma_start3A_275 : memref<10240x128xf32, #tpu.memory_space<vmem_shared>>) offsets(%arg17 : memref<80xi32, #tpu.memory_space<vmem>>) semaphore(%arg30 : memref<!tpu.dma_semaphore, #tpu.memory_space<semaphore_mem>>) {add = true}
      %add3A_276 = arith.constant 2 : i32
      %add3A_277 = arith.addi %add3A_223, %add3A_276 : i32
      %lt3A_278 = arith.cmpi slt, %add3A_277, %select_n3A : i32
      %convert_element_type3A_279 = arith.extui %lt3A_278 : i1 to i32
      %cond3A_280 = arith.constant 0 : i32
      %cond3A_281 = arith.cmpi ne, %convert_element_type3A_279, %cond3A_280 : i32
      scf.if %cond3A_281 {
        %add3A_345 = arith.constant 2 : i32
        %add3A_346 = arith.addi %add3A_223, %add3A_345 : i32
        %mul3A_347 = arith.constant 80 : i32
        %mul3A_348 = arith.muli %add3A_346, %mul3A_347 : i32
        %add3A_349 = arith.addi %select_n3A_25, %mul3A_348 : i32
        %dma_start3A_350 = tpu.memref_slice %arg3[%add3A_349] : memref<322560xi32, #tpu.memory_space<hbm>> -> memref<80xi32, #tpu.memory_space<hbm>>
        %dma_start3A_351 = tpu.memref_slice %arg3[%add3A_349] : memref<322560xi32, #tpu.memory_space<hbm>> -> memref<80xi32, #tpu.memory_space<hbm>>
        tpu.enqueue_dma source(%dma_start3A_351 : memref<80xi32, #tpu.memory_space<hbm>>) target(%arg7 : memref<80xi32, #tpu.memory_space<vmem>>) target_semaphore(%arg32 : memref<!tpu.dma_semaphore, #tpu.memory_space<semaphore_mem>>)
        %mul3A_352 = arith.constant 80 : i32
        %mul3A_353 = arith.muli %add3A_346, %mul3A_352 : i32
        %add3A_354 = arith.addi %select_n3A_25, %mul3A_353 : i32
        %dma_start3A_355 = tpu.memref_slice %arg4[%add3A_354] : memref<322560xi32, #tpu.memory_space<hbm>> -> memref<80xi32, #tpu.memory_space<hbm>>
        %dma_start3A_356 = tpu.memref_slice %arg4[%add3A_354] : memref<322560xi32, #tpu.memory_space<hbm>> -> memref<80xi32, #tpu.memory_space<hbm>>
        tpu.enqueue_dma source(%dma_start3A_356 : memref<80xi32, #tpu.memory_space<hbm>>) target(%arg11 : memref<80xi32, #tpu.memory_space<vmem>>) target_semaphore(%arg36 : memref<!tpu.dma_semaphore, #tpu.memory_space<semaphore_mem>>)
      } else {
      }
      %mul3A_282 = arith.constant 4 : i32
      %mul3A_283 = arith.muli %mul3A_282, %while3A_98 : i32
      %add3A_284 = arith.constant 3 : i32
      %add3A_285 = arith.addi %mul3A_283, %add3A_284 : i32
      %ge3A_286 = arith.constant 3 : i32
      %ge3A_287 = arith.cmpi sge, %add3A_285, %ge3A_286 : i32
      %convert_element_type3A_288 = arith.extui %ge3A_287 : i1 to i32
      %cond3A_289 = arith.constant 0 : i32
      %cond3A_290 = arith.cmpi ne, %convert_element_type3A_288, %cond3A_289 : i32
      scf.if %cond3A_290 {
        %dma_wait3A_345 = arith.constant 0 : i32
        %dma_wait3A_346 = arith.constant 0 : i32
        %dma_wait3A_347 = tpu.memref_slice %arg23[%dma_wait3A_345, %dma_wait3A_346] : memref<10240x128xf32, #tpu.memory_space<vmem_shared>> -> memref<10240x128xf32, #tpu.memory_space<vmem_shared>>
        tpu.wait_indirect_dma semaphore(%arg28 : memref<!tpu.dma_semaphore, #tpu.memory_space<semaphore_mem>>) src(%arg19 : memref<80x128xf32, #tpu.memory_space<vmem>>) dst(%dma_wait3A_347 : memref<10240x128xf32, #tpu.memory_space<vmem_shared>>)
      } else {
      }
      %add3A_291 = arith.constant 1 : i32
      %add3A_292 = arith.addi %add3A_285, %add3A_291 : i32
      %lt3A_293 = arith.cmpi slt, %add3A_292, %select_n3A : i32
      %convert_element_type3A_294 = arith.extui %lt3A_293 : i1 to i32
      %cond3A_295 = arith.constant 0 : i32
      %cond3A_296 = arith.cmpi ne, %convert_element_type3A_294, %cond3A_295 : i32
      scf.if %cond3A_296 {
        %add3A_345 = arith.constant 1 : i32
        %add3A_346 = arith.addi %add3A_285, %add3A_345 : i32
        %mul3A_347 = arith.constant 80 : i32
        %mul3A_348 = arith.muli %add3A_346, %mul3A_347 : i32
        %add3A_349 = arith.addi %select_n3A_25, %mul3A_348 : i32
        %dma_wait3A_350 = tpu.memref_slice %arg3[%add3A_349] : memref<322560xi32, #tpu.memory_space<hbm>> -> memref<80xi32, #tpu.memory_space<hbm>>
        %dma_wait3A_351 = tpu.memref_slice %arg3[%add3A_349] : memref<322560xi32, #tpu.memory_space<hbm>> -> memref<80xi32, #tpu.memory_space<hbm>>
        tpu.wait_dma2 semaphore(%arg32 : memref<!tpu.dma_semaphore, #tpu.memory_space<semaphore_mem>>) src(%dma_wait3A_351 : memref<80xi32, #tpu.memory_space<hbm>>) dst(%arg7 : memref<80xi32, #tpu.memory_space<vmem>>)
        %mul3A_352 = arith.constant 80 : i32
        %mul3A_353 = arith.muli %add3A_346, %mul3A_352 : i32
        %add3A_354 = arith.addi %select_n3A_25, %mul3A_353 : i32
        %dma_wait3A_355 = tpu.memref_slice %arg4[%add3A_354] : memref<322560xi32, #tpu.memory_space<hbm>> -> memref<80xi32, #tpu.memory_space<hbm>>
        %dma_wait3A_356 = tpu.memref_slice %arg4[%add3A_354] : memref<322560xi32, #tpu.memory_space<hbm>> -> memref<80xi32, #tpu.memory_space<hbm>>
        tpu.wait_dma2 semaphore(%arg36 : memref<!tpu.dma_semaphore, #tpu.memory_space<semaphore_mem>>) src(%dma_wait3A_356 : memref<80xi32, #tpu.memory_space<hbm>>) dst(%arg11 : memref<80xi32, #tpu.memory_space<vmem>>)
        %dma_start3A_357 = arith.constant 0 : i32
        %dma_start3A_358 = arith.constant 0 : i32
        %dma_start3A_359 = tpu.memref_slice %arg2[%dma_start3A_357, %dma_start3A_358] : memref<10000x128xf32, #tpu.memory_space<hbm>> -> memref<10000x128xf32, #tpu.memory_space<hbm>>
        tpu.enqueue_indirect_dma source(%dma_start3A_359 : memref<10000x128xf32, #tpu.memory_space<hbm>>) target(%arg19 : memref<80x128xf32, #tpu.memory_space<vmem>>) offsets(%arg7 : memref<80xi32, #tpu.memory_space<vmem>>) semaphore(%arg24 : memref<!tpu.dma_semaphore, #tpu.memory_space<semaphore_mem>>)
      } else {
      }
      %dma_wait3A_297 = arith.constant 0 : i32
      %dma_wait3A_298 = arith.constant 0 : i32
      %dma_wait3A_299 = tpu.memref_slice %arg2[%dma_wait3A_297, %dma_wait3A_298] : memref<10000x128xf32, #tpu.memory_space<hbm>> -> memref<10000x128xf32, #tpu.memory_space<hbm>>
      tpu.wait_indirect_dma semaphore(%arg27 : memref<!tpu.dma_semaphore, #tpu.memory_space<semaphore_mem>>) src(%dma_wait3A_299 : memref<10000x128xf32, #tpu.memory_space<hbm>>) dst(%arg22 : memref<80x128xf32, #tpu.memory_space<vmem>>)
      %get3A_300 = arith.constant 0 : index
      %get3A_301 = tpu.vector_load %arg14[%get3A_300] {strides = array<i32>} : memref<80xi32, #tpu.memory_space<vmem>>, vector<16xi32>,
      %get3A_302 = vector.shape_cast %get3A_301 : vector<16xi32> to vector<16xi32>
      %swap3A_303 = arith.constant 0 : index
      %swap3A_304 = tpu.vector_load %arg18[%swap3A_303] {strides = array<i32>} : memref<80xi32, #tpu.memory_space<vmem>>, vector<16xi32>,
      %swap3A_305 = vector.shape_cast %swap3A_304 : vector<16xi32> to vector<16xi32>
      %swap3A_306 = vector.shape_cast %get3A_302 : vector<16xi32> to vector<16xi32>
      tpu.vector_store %arg18[%swap3A_303], %swap3A_306 {strides = array<i32>} : memref<80xi32, #tpu.memory_space<vmem>>, vector<16xi32>,
      %get3A_307 = arith.constant 16 : index
      %get3A_308 = tpu.vector_load %arg14[%get3A_307] {strides = array<i32>} : memref<80xi32, #tpu.memory_space<vmem>>, vector<16xi32>,
      %get3A_309 = vector.shape_cast %get3A_308 : vector<16xi32> to vector<16xi32>
      %swap3A_310 = arith.constant 16 : index
      %swap3A_311 = tpu.vector_load %arg18[%swap3A_310] {strides = array<i32>} : memref<80xi32, #tpu.memory_space<vmem>>, vector<16xi32>,
      %swap3A_312 = vector.shape_cast %swap3A_311 : vector<16xi32> to vector<16xi32>
      %swap3A_313 = vector.shape_cast %get3A_309 : vector<16xi32> to vector<16xi32>
      tpu.vector_store %arg18[%swap3A_310], %swap3A_313 {strides = array<i32>} : memref<80xi32, #tpu.memory_space<vmem>>, vector<16xi32>,
      %get3A_314 = arith.constant 32 : index
      %get3A_315 = tpu.vector_load %arg14[%get3A_314] {strides = array<i32>} : memref<80xi32, #tpu.memory_space<vmem>>, vector<16xi32>,
      %get3A_316 = vector.shape_cast %get3A_315 : vector<16xi32> to vector<16xi32>
      %swap3A_317 = arith.constant 32 : index
      %swap3A_318 = tpu.vector_load %arg18[%swap3A_317] {strides = array<i32>} : memref<80xi32, #tpu.memory_space<vmem>>, vector<16xi32>,
      %swap3A_319 = vector.shape_cast %swap3A_318 : vector<16xi32> to vector<16xi32>
      %swap3A_320 = vector.shape_cast %get3A_316 : vector<16xi32> to vector<16xi32>
      tpu.vector_store %arg18[%swap3A_317], %swap3A_320 {strides = array<i32>} : memref<80xi32, #tpu.memory_space<vmem>>, vector<16xi32>,
      %get3A_321 = arith.constant 48 : index
      %get3A_322 = tpu.vector_load %arg14[%get3A_321] {strides = array<i32>} : memref<80xi32, #tpu.memory_space<vmem>>, vector<16xi32>,
      %get3A_323 = vector.shape_cast %get3A_322 : vector<16xi32> to vector<16xi32>
      %swap3A_324 = arith.constant 48 : index
      %swap3A_325 = tpu.vector_load %arg18[%swap3A_324] {strides = array<i32>} : memref<80xi32, #tpu.memory_space<vmem>>, vector<16xi32>,
      %swap3A_326 = vector.shape_cast %swap3A_325 : vector<16xi32> to vector<16xi32>
      %swap3A_327 = vector.shape_cast %get3A_323 : vector<16xi32> to vector<16xi32>
      tpu.vector_store %arg18[%swap3A_324], %swap3A_327 {strides = array<i32>} : memref<80xi32, #tpu.memory_space<vmem>>, vector<16xi32>,
      %get3A_328 = arith.constant 64 : index
      %get3A_329 = tpu.vector_load %arg14[%get3A_328] {strides = array<i32>} : memref<80xi32, #tpu.memory_space<vmem>>, vector<16xi32>,
      %get3A_330 = vector.shape_cast %get3A_329 : vector<16xi32> to vector<16xi32>
      %swap3A_331 = arith.constant 64 : index
      %swap3A_332 = tpu.vector_load %arg18[%swap3A_331] {strides = array<i32>} : memref<80xi32, #tpu.memory_space<vmem>>, vector<16xi32>,
      %swap3A_333 = vector.shape_cast %swap3A_332 : vector<16xi32> to vector<16xi32>
      %swap3A_334 = vector.shape_cast %get3A_330 : vector<16xi32> to vector<16xi32>
      tpu.vector_store %arg18[%swap3A_331], %swap3A_334 {strides = array<i32>} : memref<80xi32, #tpu.memory_space<vmem>>, vector<16xi32>,
      %dma_start3A_335 = arith.constant 0 : i32
      %dma_start3A_336 = arith.constant 0 : i32
      %dma_start3A_337 = tpu.memref_slice %arg23[%dma_start3A_335, %dma_start3A_336] : memref<10240x128xf32, #tpu.memory_space<vmem_shared>> -> memref<10240x128xf32, #tpu.memory_space<vmem_shared>>
      tpu.enqueue_indirect_dma source(%arg22 : memref<80x128xf32, #tpu.memory_space<vmem>>) target(%dma_start3A_337 : memref<10240x128xf32, #tpu.memory_space<vmem_shared>>) offsets(%arg18 : memref<80xi32, #tpu.memory_space<vmem>>) semaphore(%arg31 : memref<!tpu.dma_semaphore, #tpu.memory_space<semaphore_mem>>) {add = true}
      %add3A_338 = arith.constant 2 : i32
      %add3A_339 = arith.addi %add3A_285, %add3A_338 : i32
      %lt3A_340 = arith.cmpi slt, %add3A_339, %select_n3A : i32
      %convert_element_type3A_341 = arith.extui %lt3A_340 : i1 to i32
      %cond3A_342 = arith.constant 0 : i32
      %cond3A_343 = arith.cmpi ne, %convert_element_type3A_341, %cond3A_342 : i32
      scf.if %cond3A_343 {
        %add3A_345 = arith.constant 2 : i32
        %add3A_346 = arith.addi %add3A_285, %add3A_345 : i32
        %mul3A_347 = arith.constant 80 : i32
        %mul3A_348 = arith.muli %add3A_346, %mul3A_347 : i32
        %add3A_349 = arith.addi %select_n3A_25, %mul3A_348 : i32
        %dma_start3A_350 = tpu.memref_slice %arg3[%add3A_349] : memref<322560xi32, #tpu.memory_space<hbm>> -> memref<80xi32, #tpu.memory_space<hbm>>
        %dma_start3A_351 = tpu.memref_slice %arg3[%add3A_349] : memref<322560xi32, #tpu.memory_space<hbm>> -> memref<80xi32, #tpu.memory_space<hbm>>
        tpu.enqueue_dma source(%dma_start3A_351 : memref<80xi32, #tpu.memory_space<hbm>>) target(%arg8 : memref<80xi32, #tpu.memory_space<vmem>>) target_semaphore(%arg33 : memref<!tpu.dma_semaphore, #tpu.memory_space<semaphore_mem>>)
        %mul3A_352 = arith.constant 80 : i32
        %mul3A_353 = arith.muli %add3A_346, %mul3A_352 : i32
        %add3A_354 = arith.addi %select_n3A_25, %mul3A_353 : i32
        %dma_start3A_355 = tpu.memref_slice %arg4[%add3A_354] : memref<322560xi32, #tpu.memory_space<hbm>> -> memref<80xi32, #tpu.memory_space<hbm>>
        %dma_start3A_356 = tpu.memref_slice %arg4[%add3A_354] : memref<322560xi32, #tpu.memory_space<hbm>> -> memref<80xi32, #tpu.memory_space<hbm>>
        tpu.enqueue_dma source(%dma_start3A_356 : memref<80xi32, #tpu.memory_space<hbm>>) target(%arg12 : memref<80xi32, #tpu.memory_space<vmem>>) target_semaphore(%arg37 : memref<!tpu.dma_semaphore, #tpu.memory_space<semaphore_mem>>)
      } else {
      }
      %while3A_344 = arith.constant 0 : i32
      scf.yield %while3A_344 : i32
    }
    %dma_wait3A_80 = arith.constant 0 : i32
    %dma_wait3A_81 = arith.constant 0 : i32
    %dma_wait3A_82 = tpu.memref_slice %arg23[%dma_wait3A_80, %dma_wait3A_81] : memref<10240x128xf32, #tpu.memory_space<vmem_shared>> -> memref<10240x128xf32, #tpu.memory_space<vmem_shared>>
    tpu.wait_indirect_dma semaphore(%arg29 : memref<!tpu.dma_semaphore, #tpu.memory_space<semaphore_mem>>) src(%arg20 : memref<80x128xf32, #tpu.memory_space<vmem>>) dst(%dma_wait3A_82 : memref<10240x128xf32, #tpu.memory_space<vmem_shared>>)
    %dma_wait3A_83 = arith.constant 0 : i32
    %dma_wait3A_84 = arith.constant 0 : i32
    %dma_wait3A_85 = tpu.memref_slice %arg23[%dma_wait3A_83, %dma_wait3A_84] : memref<10240x128xf32, #tpu.memory_space<vmem_shared>> -> memref<10240x128xf32, #tpu.memory_space<vmem_shared>>
    tpu.wait_indirect_dma semaphore(%arg30 : memref<!tpu.dma_semaphore, #tpu.memory_space<semaphore_mem>>) src(%arg21 : memref<80x128xf32, #tpu.memory_space<vmem>>) dst(%dma_wait3A_85 : memref<10240x128xf32, #tpu.memory_space<vmem_shared>>)
    %dma_wait3A_86 = arith.constant 0 : i32
    %dma_wait3A_87 = arith.constant 0 : i32
    %dma_wait3A_88 = tpu.memref_slice %arg23[%dma_wait3A_86, %dma_wait3A_87] : memref<10240x128xf32, #tpu.memory_space<vmem_shared>> -> memref<10240x128xf32, #tpu.memory_space<vmem_shared>>
    tpu.wait_indirect_dma semaphore(%arg31 : memref<!tpu.dma_semaphore, #tpu.memory_space<semaphore_mem>>) src(%arg22 : memref<80x128xf32, #tpu.memory_space<vmem>>) dst(%dma_wait3A_88 : memref<10240x128xf32, #tpu.memory_space<vmem_shared>>)
    %barrier3A_89 = arith.constant 0 : index
    tpu.barrier barrier_id(%barrier3A_89)
    %eq3A_90 = arith.constant 0 : i32
    %eq3A_91 = arith.cmpi eq, %arg0, %eq3A_90 : i32
    %convert_element_type3A = arith.extui %eq3A_91 : i1 to i32
    %cond3A = arith.constant 0 : i32
    %cond3A_92 = arith.cmpi ne, %convert_element_type3A, %cond3A : i32
    scf.if %cond3A_92 {
      %mul3A_98 = arith.constant 640 : i32
      %mul3A_99 = arith.muli %arg1, %mul3A_98 : i32
      %mul3A_100 = arith.constant 640 : i32
      %mul3A_101 = arith.muli %arg1, %mul3A_100 : i32
      "tpu.region"() ({
        %run_scoped3A = tpu.sem_alloc : memref<!tpu.dma_semaphore, #tpu.memory_space<semaphore_mem>>
        %dma_start3A_102 = arith.constant 0 : i32
        %dma_start3A_103 = tpu.memref_slice %arg5[%mul3A_101, %dma_start3A_102] : memref<10240x128xf32, #tpu.memory_space<hbm>> -> memref<640x128xf32, #tpu.memory_space<hbm>>
        %dma_start3A_104 = arith.constant 0 : i32
        %dma_start3A_105 = tpu.memref_slice %arg23[%mul3A_99, %dma_start3A_104] : memref<10240x128xf32, #tpu.memory_space<vmem_shared>> -> memref<640x128xf32, #tpu.memory_space<vmem_shared>>
        tpu.enqueue_dma source(%dma_start3A_105 : memref<640x128xf32, #tpu.memory_space<vmem_shared>>) target(%dma_start3A_103 : memref<640x128xf32, #tpu.memory_space<hbm>>) target_semaphore(%run_scoped3A : memref<!tpu.dma_semaphore, #tpu.memory_space<semaphore_mem>>)
        %dma_wait3A_106 = arith.constant 0 : i32
        %dma_wait3A_107 = tpu.memref_slice %arg5[%mul3A_101, %dma_wait3A_106] : memref<10240x128xf32, #tpu.memory_space<hbm>> -> memref<640x128xf32, #tpu.memory_space<hbm>>
        %dma_wait3A_108 = arith.constant 0 : i32
        %dma_wait3A_109 = tpu.memref_slice %arg23[%mul3A_99, %dma_wait3A_108] : memref<10240x128xf32, #tpu.memory_space<vmem_shared>> -> memref<640x128xf32, #tpu.memory_space<vmem_shared>>
        tpu.wait_dma2 semaphore(%run_scoped3A : memref<!tpu.dma_semaphore, #tpu.memory_space<semaphore_mem>>) src(%dma_wait3A_109 : memref<640x128xf32, #tpu.memory_space<vmem_shared>>) dst(%dma_wait3A_107 : memref<640x128xf32, #tpu.memory_space<hbm>>)
        tpu.yield
      }) : () -> ()
    } else {
    }
    %eq3A_93 = arith.constant 1 : i32
    %eq3A_94 = arith.cmpi eq, %arg0, %eq3A_93 : i32
    %convert_element_type3A_95 = arith.extui %eq3A_94 : i1 to i32
    %cond3A_96 = arith.constant 0 : i32
    %cond3A_97 = arith.cmpi ne, %convert_element_type3A_95, %cond3A_96 : i32
    scf.if %cond3A_97 {
      %mul3A_98 = arith.constant 640 : i32
      %mul3A_99 = arith.muli %arg1, %mul3A_98 : i32
      %mul3A_100 = arith.constant 640 : i32
      %mul3A_101 = arith.muli %arg1, %mul3A_100 : i32
      "tpu.region"() ({
        %run_scoped3A = tpu.sem_alloc : memref<!tpu.dma_semaphore, #tpu.memory_space<semaphore_mem>>
        %dma_start3A_102 = arith.constant 0 : i32
        %dma_start3A_103 = tpu.memref_slice %arg6[%mul3A_101, %dma_start3A_102] : memref<10240x128xf32, #tpu.memory_space<hbm>> -> memref<640x128xf32, #tpu.memory_space<hbm>>
        %dma_start3A_104 = arith.constant 0 : i32
        %dma_start3A_105 = tpu.memref_slice %arg23[%mul3A_99, %dma_start3A_104] : memref<10240x128xf32, #tpu.memory_space<vmem_shared>> -> memref<640x128xf32, #tpu.memory_space<vmem_shared>>
        tpu.enqueue_dma source(%dma_start3A_105 : memref<640x128xf32, #tpu.memory_space<vmem_shared>>) target(%dma_start3A_103 : memref<640x128xf32, #tpu.memory_space<hbm>>) target_semaphore(%run_scoped3A : memref<!tpu.dma_semaphore, #tpu.memory_space<semaphore_mem>>)
        %dma_wait3A_106 = arith.constant 0 : i32
        %dma_wait3A_107 = tpu.memref_slice %arg6[%mul3A_101, %dma_wait3A_106] : memref<10240x128xf32, #tpu.memory_space<hbm>> -> memref<640x128xf32, #tpu.memory_space<hbm>>
        %dma_wait3A_108 = arith.constant 0 : i32
        %dma_wait3A_109 = tpu.memref_slice %arg23[%mul3A_99, %dma_wait3A_108] : memref<10240x128xf32, #tpu.memory_space<vmem_shared>> -> memref<640x128xf32, #tpu.memory_space<vmem_shared>>
        tpu.wait_dma2 semaphore(%run_scoped3A : memref<!tpu.dma_semaphore, #tpu.memory_space<semaphore_mem>>) src(%dma_wait3A_109 : memref<640x128xf32, #tpu.memory_space<vmem_shared>>) dst(%dma_wait3A_107 : memref<640x128xf32, #tpu.memory_space<hbm>>)
        tpu.yield
      }) : () -> ()
    } else {
    }
    return
  }
}

module attributes {stable_mosaic.version = 14 : i64} {
  func.func @body(%arg0: i32, %arg1: memref<1000x128xf32, #tpu.memory_space<vmem>>, %arg2: memref<1000x128xf32, #tpu.memory_space<vmem>>, %arg3: memref<128x128xf32, #tpu.memory_space<vmem>>, %arg4: memref<1x128xf32, #tpu.memory_space<vmem>>, %arg5: memref<1000x128xf32, #tpu.memory_space<vmem>>) attributes {dimension_semantics = [#tpu.dimension_semantics<arbitrary>], iteration_bounds = array<i64: 10>, scalar_prefetch = 0 : i64, scratch_operands = 0 : i64, tpu.core_type = #tpu.core_type<tc>, window_params = [{transform_indices = @transform_0, window_bounds = array<i64: 1000, 128>}, {transform_indices = @transform_1, window_bounds = array<i64: 1000, 128>}, {pipeline_mode = #tpu.pipeline_mode<synchronous>, transform_indices = @transform_2, window_bounds = array<i64: 128, 128>}, {pipeline_mode = #tpu.pipeline_mode<synchronous>, transform_indices = @transform_3, window_bounds = array<i64: 1, 128>}, {transform_indices = @transform_4, window_bounds = array<i64: 1000, 128>}]} {
    %get3A = arith.constant 0 : index
    %get3A_0 = arith.constant 0 : index
    %get3A_1 = vector.load %arg1[%get3A, %get3A_0] : memref<1000x128xf32, #tpu.memory_space<vmem>>, vector<1000x128xf32>
    %get3A_2 = arith.constant 0 : index
    %get3A_3 = arith.constant 0 : index
    %get3A_4 = vector.load %arg2[%get3A_2, %get3A_3] : memref<1000x128xf32, #tpu.memory_space<vmem>>, vector<1000x128xf32>
    %add3A = arith.addf %get3A_1, %get3A_4 : vector<1000x128xf32>
    %max3A = arith.constant 0.000000e+00 : f32
    %max3A_5 = vector.broadcast %max3A : f32 to vector<1000x128xf32>
    %max3A_6 = arith.maximumf %add3A, %max3A_5 : vector<1000x128xf32>
    %get3A_7 = arith.constant 0 : index
    %get3A_8 = arith.constant 0 : index
    %get3A_9 = vector.load %arg3[%get3A_7, %get3A_8] : memref<128x128xf32, #tpu.memory_space<vmem>>, vector<128x128xf32>
    %dot_general3A = arith.constant dense<0.000000e+00> : vector<1000x128xf32>
    %dot_general3A_10 = tpu.matmul %max3A_6, %get3A_9, %dot_general3A {dimension_numbers = #tpu.dot_dimension_numbers<[1], [0], [0], [1], [0, 0, 1, 1], [], []>, transpose_lhs_hint = false} : vector<1000x128xf32>, vector<128x128xf32>, vector<1000x128xf32> -> vector<1000x128xf32>
    %get3A_11 = arith.constant 0 : index
    %get3A_12 = arith.constant 0 : index
    %get3A_13 = vector.load %arg4[%get3A_11, %get3A_12] : memref<1x128xf32, #tpu.memory_space<vmem>>, vector<1x128xf32>
    %add3A_14 = vector.broadcast %get3A_13 : vector<1x128xf32> to vector<1000x128xf32>
    %add3A_15 = arith.addf %dot_general3A_10, %add3A_14 : vector<1000x128xf32>
    %swap3A = arith.constant 0 : index
    %swap3A_16 = arith.constant 0 : index
    %swap3A_17 = vector.load %arg5[%swap3A, %swap3A_16] : memref<1000x128xf32, #tpu.memory_space<vmem>>, vector<1000x128xf32>
    tpu.vector_store %arg5[%swap3A, %swap3A_16], %add3A_15 {strides = array<i32>} : memref<1000x128xf32, #tpu.memory_space<vmem>>, vector<1000x128xf32>,
    return
  }
  func.func @transform_0(%arg0: i32) -> (i32, i32) {
    %c0_i32 = arith.constant 0 : i32
    %c0_i32_0 = arith.constant 0 : i32
    return %arg0, %c0_i32 : i32, i32
  }
  func.func @transform_1(%arg0: i32) -> (i32, i32) {
    %c0_i32 = arith.constant 0 : i32
    %c0_i32_0 = arith.constant 0 : i32
    return %arg0, %c0_i32 : i32, i32
  }
  func.func @transform_2(%arg0: i32) -> (i32, i32) {
    %c0_i32 = arith.constant 0 : i32
    %c0_i32_0 = arith.constant 0 : i32
    %c0_i32_1 = arith.constant 0 : i32
    return %c0_i32, %c0_i32_0 : i32, i32
  }
  func.func @transform_3(%arg0: i32) -> (i32, i32) {
    %c0_i32 = arith.constant 0 : i32
    %c0_i32_0 = arith.constant 0 : i32
    %c0_i32_1 = arith.constant 0 : i32
    return %c0_i32, %c0_i32_0 : i32, i32
  }
  func.func @transform_4(%arg0: i32) -> (i32, i32) {
    %c0_i32 = arith.constant 0 : i32
    %c0_i32_0 = arith.constant 0 : i32
    return %arg0, %c0_i32 : i32, i32
  }
}

module attributes {stable_mosaic.version = 14 : i64} {
  func.func @body(%arg0: i32, %arg1: memref<1000x128xf32, #tpu.memory_space<vmem>>, %arg2: memref<128x128xf32, #tpu.memory_space<vmem>>, %arg3: memref<1x128xf32, #tpu.memory_space<vmem>>, %arg4: memref<1000x128xf32, #tpu.memory_space<vmem>>) attributes {dimension_semantics = [#tpu.dimension_semantics<arbitrary>], iteration_bounds = array<i64: 10>, scalar_prefetch = 0 : i64, scratch_operands = 0 : i64, tpu.core_type = #tpu.core_type<tc>, window_params = [{transform_indices = @transform_0, window_bounds = array<i64: 1000, 128>}, {pipeline_mode = #tpu.pipeline_mode<synchronous>, transform_indices = @transform_1, window_bounds = array<i64: 128, 128>}, {pipeline_mode = #tpu.pipeline_mode<synchronous>, transform_indices = @transform_2, window_bounds = array<i64: 1, 128>}, {transform_indices = @transform_3, window_bounds = array<i64: 1000, 128>}]} {
    %get3A = arith.constant 0 : index
    %get3A_0 = arith.constant 0 : index
    %get3A_1 = vector.load %arg1[%get3A, %get3A_0] : memref<1000x128xf32, #tpu.memory_space<vmem>>, vector<1000x128xf32>
    %get3A_2 = arith.constant 0 : index
    %get3A_3 = arith.constant 0 : index
    %get3A_4 = vector.load %arg2[%get3A_2, %get3A_3] : memref<128x128xf32, #tpu.memory_space<vmem>>, vector<128x128xf32>
    %dot_general3A = arith.constant dense<0.000000e+00> : vector<1000x128xf32>
    %dot_general3A_5 = tpu.matmul %get3A_1, %get3A_4, %dot_general3A {dimension_numbers = #tpu.dot_dimension_numbers<[1], [0], [0], [1], [0, 0, 1, 1], [], []>, transpose_lhs_hint = false} : vector<1000x128xf32>, vector<128x128xf32>, vector<1000x128xf32> -> vector<1000x128xf32>
    %get3A_6 = arith.constant 0 : index
    %get3A_7 = arith.constant 0 : index
    %get3A_8 = vector.load %arg3[%get3A_6, %get3A_7] : memref<1x128xf32, #tpu.memory_space<vmem>>, vector<1x128xf32>
    %add3A = vector.broadcast %get3A_8 : vector<1x128xf32> to vector<1000x128xf32>
    %add3A_9 = arith.addf %dot_general3A_5, %add3A : vector<1000x128xf32>
    %swap3A = arith.constant 0 : index
    %swap3A_10 = arith.constant 0 : index
    %swap3A_11 = vector.load %arg4[%swap3A, %swap3A_10] : memref<1000x128xf32, #tpu.memory_space<vmem>>, vector<1000x128xf32>
    tpu.vector_store %arg4[%swap3A, %swap3A_10], %add3A_9 {strides = array<i32>} : memref<1000x128xf32, #tpu.memory_space<vmem>>, vector<1000x128xf32>,
    return
  }
  func.func @transform_0(%arg0: i32) -> (i32, i32) {
    %c0_i32 = arith.constant 0 : i32
    %c0_i32_0 = arith.constant 0 : i32
    return %arg0, %c0_i32 : i32, i32
  }
  func.func @transform_1(%arg0: i32) -> (i32, i32) {
    %c0_i32 = arith.constant 0 : i32
    %c0_i32_0 = arith.constant 0 : i32
    %c0_i32_1 = arith.constant 0 : i32
    return %c0_i32, %c0_i32_0 : i32, i32
  }
  func.func @transform_2(%arg0: i32) -> (i32, i32) {
    %c0_i32 = arith.constant 0 : i32
    %c0_i32_0 = arith.constant 0 : i32
    %c0_i32_1 = arith.constant 0 : i32
    return %c0_i32, %c0_i32_0 : i32, i32
  }
  func.func @transform_3(%arg0: i32) -> (i32, i32) {
    %c0_i32 = arith.constant 0 : i32
    %c0_i32_0 = arith.constant 0 : i32
    return %arg0, %c0_i32 : i32, i32
  }
}

module attributes {stable_mosaic.version = 14 : i64} {
  func.func @body(%arg0: i32, %arg1: memref<1000x128xf32, #tpu.memory_space<vmem>>, %arg2: memref<1000x128xf32, #tpu.memory_space<vmem>>, %arg3: memref<1000x128xf32, #tpu.memory_space<vmem>>) attributes {dimension_semantics = [#tpu.dimension_semantics<arbitrary>], iteration_bounds = array<i64: 10>, scalar_prefetch = 0 : i64, scratch_operands = 0 : i64, tpu.core_type = #tpu.core_type<tc>, window_params = [{transform_indices = @transform_0, window_bounds = array<i64: 1000, 128>}, {transform_indices = @transform_1, window_bounds = array<i64: 1000, 128>}, {transform_indices = @transform_2, window_bounds = array<i64: 1000, 128>}]} {
    %get3A = arith.constant 0 : index
    %get3A_0 = arith.constant 0 : index
    %get3A_1 = vector.load %arg1[%get3A, %get3A_0] : memref<1000x128xf32, #tpu.memory_space<vmem>>, vector<1000x128xf32>
    %get3A_2 = arith.constant 0 : index
    %get3A_3 = arith.constant 0 : index
    %get3A_4 = vector.load %arg2[%get3A_2, %get3A_3] : memref<1000x128xf32, #tpu.memory_space<vmem>>, vector<1000x128xf32>
    %add3A = arith.addf %get3A_1, %get3A_4 : vector<1000x128xf32>
    %max3A = arith.constant 0.000000e+00 : f32
    %max3A_5 = vector.broadcast %max3A : f32 to vector<1000x128xf32>
    %max3A_6 = arith.maximumf %add3A, %max3A_5 : vector<1000x128xf32>
    %mul3A = arith.mulf %max3A_6, %max3A_6 : vector<1000x128xf32>
    %reduce_sum3A = arith.constant dense<0.000000e+00> : vector<1000xf32>
    %reduce_sum3A_7 = vector.multi_reduction <add>, %mul3A, %reduce_sum3A [1] : vector<1000x128xf32> to vector<1000xf32>
    %broadcast_in_dim3A = vector.shape_cast %reduce_sum3A_7 : vector<1000xf32> to vector<1000x1xf32>
    %sqrt3A = math.sqrt %broadcast_in_dim3A : vector<1000x1xf32>
    %max3A_8 = arith.constant 9.99999996E-13 : f32
    %max3A_9 = vector.broadcast %max3A_8 : f32 to vector<1000x1xf32>
    %max3A_10 = arith.maximumf %sqrt3A, %max3A_9 : vector<1000x1xf32>
    %div3A = vector.broadcast %max3A_10 : vector<1000x1xf32> to vector<1000x128xf32>
    %div3A_11 = arith.divf %max3A_6, %div3A : vector<1000x128xf32>
    %swap3A = arith.constant 0 : index
    %swap3A_12 = arith.constant 0 : index
    %swap3A_13 = vector.load %arg3[%swap3A, %swap3A_12] : memref<1000x128xf32, #tpu.memory_space<vmem>>, vector<1000x128xf32>
    tpu.vector_store %arg3[%swap3A, %swap3A_12], %div3A_11 {strides = array<i32>} : memref<1000x128xf32, #tpu.memory_space<vmem>>, vector<1000x128xf32>,
    return
  }
  func.func @transform_0(%arg0: i32) -> (i32, i32) {
    %c0_i32 = arith.constant 0 : i32
    %c0_i32_0 = arith.constant 0 : i32
    return %arg0, %c0_i32 : i32, i32
  }
  func.func @transform_1(%arg0: i32) -> (i32, i32) {
    %c0_i32 = arith.constant 0 : i32
    %c0_i32_0 = arith.constant 0 : i32
    return %arg0, %c0_i32 : i32, i32
  }
  func.func @transform_2(%arg0: i32) -> (i32, i32) {
    %c0_i32 = arith.constant 0 : i32
    %c0_i32_0 = arith.constant 0 : i32
    return %arg0, %c0_i32 : i32, i32
  }
}

</mosaic_0001>

<sc_bundles>
// kernel: kernel.10.cloned.1.call-start
scs
__scs_entry_jumppad:
0x0: {  	(pc) =	sbr.rel $0x88, $3  }
0x1: {  	(tag) =	ssettag $0x0;
	lr =	simm.s32 $0x1  }
0x2: {  	[smem:$0x3F9B] =	sst lr;
	_ =	strace $0xD0000000  }
0x3: {  	_ = 	snop  }
0x4: {  	_ = 	snop  }
0x5: {  	_ = 	snop  }
0x6: {  	_ = 	snop  }
0x7: {  	_ = 	snop  }
__scs_overlays_trampoline_lowered:
0x8: {  	[smem:$0x3FAA] =	sst s0  }
0x9: {  	[smem:$0x3FAB] =	sst s1  }
0xa: {  	[smem:$0x3FAC] =	sst s2  }
0xb: {  	[smem:$0x3FAD] =	sst s3  }
0xc: {  	[smem:$0x3FAE] =	sst s4  }
0xd: {  	[smem:$0x3FAF] =	sst s5  }
0xe: {  	[smem:$0x3FB0] =	sst s6  }
0xf: {  	[smem:$0x3FB1] =	sst s7  }
0x10: {  	[smem:$0x3FB2] =	sst s8  }
0x11: {  	[smem:$0x3FB3] =	sst s9;
	s0 =	simm.s32 @!p0 $0x0  }
0x12: {  	s1 =	sld [smem:$0x3F99];
	s0 =	simm.s32 @p0 $0x1  }
0x13: {  	[smem:$0x3FB4] =	sst s0;
	s0 =	simm.s32 @!p1 $0x0  }
0x14: {  	s2 =	sld [smem:$0x3F98];
	s0 =	simm.s32 @p1 $0x1  }
0x15: {  	[smem:$0x3FB5] =	sst s0;
	s0 =	simm.s32 @!p2 $0x0  }
0x16: {  	s3 =	sld [smem:$0x3FDB];
	s0 =	simm.s32 @p2 $0x1  }
0x17: {  	s4 =	simm.s32 $0x1BF5;
	[smem:$0x3FB7] =	sst s0  }
0x18: {  	s0 =	sld [smem:$0x3F9A];
	_ =	swait.ge [sflag:s4], $0x0  }
0x19: {  	s7 =	sld [smem:$0x3F9B]  }
0x1a: {  	s8 =	sadd.s32 $0xFFFFE003, lr  }
0x1b: {  	s9 =	sadd.s32 $0xFFFFFEF7, lr;
	s5 =	simm.s32 $0xFFFFFFFF;
	p2 =	slt.u32 s8, $0xFFFFF086  }
0x1c: {  	p1 =	slt.u32 s9, $0xF7A;
	s5 =	simm.s32 @!p2 $0x0  }
0x1d: {  	s5 =	simm.s32 @p1 $0x1;
	p0 =	seq.s32 s7, s2  }
0x1e: {  	s7 =	smul.u32 @!p0 $0xF7A, s2;
	p2 =	seq.s32 @!p0 s5, $0x0  }
0x1f: {  	s9 =	smul.u32 $0xF7A, s1;
	s8 =	simm.s32 @!p0 $0x1BF5;
	p2 =	por !p2, p0  }
0x20: {  	[sflag:s8] =	ssyncset.s32 @!p0 $0xFFFFF086;
	s6 =	sadd.s32 @!p0 s3, s7;
	s7 =	simm.s32 @!p0 $0x108  }
0x21: {  	s3 =	sadd.s32 s3, s9;
	s6 =	sadd.s32 @!p0 $0x88, s6;
	s7 =	simm.s32 @p2 $0x1082  }
0x22: {  	[simem:s7], [sflag:s8] =	dma.local @!p0 [hbm:s6], $0xF7A  }
0x23: {  	s9 =	sor.u32 $0xD0000000, s2;
	s6 =	simm.s32 $0x108;
	_ =	swait.ge @!p0 [sflag:s8], $0x0  }
0x24: {  	s3 =	sadd.s32 $0x88, s3;
	s6 =	simm.s32 @!p1 $0x1082;
	[sflag:s4] =	ssyncset.s32 $0xFFFFF086  }
0x25: {  	[simem:s6], [sflag:s4] =	dma.local [hbm:s3], $0xF7A  }
0x26: {  	[smem:$0x3F9B] =	sst s1;
	(tag) =	ssettag s2;
	_ =	strace s9  }
0x27: {  	s1 =	sld [smem:$0x3FAB]  }
0x28: {  	s2 =	sld [smem:$0x3FAC]  }
0x29: {  	s4 =	sld [smem:$0x3FAE]  }
0x2a: {  	p0 =	seq.s32 s5, $0x0;
	s5 =	sld [smem:$0x3FAF]  }
0x2b: {  	s6 =	sld [smem:$0x3FB0]  }
0x2c: {  	s7 =	sld [smem:$0x3FB1]  }
0x2d: {  	s3 =	simm.s32 $0x108;
	s8 =	sld [smem:$0x3FB2]  }
0x2e: {  	s3 =	simm.s32 @!p0 $0x1082;
	s9 =	sld [smem:$0x3FB3]  }
0x2f: {  	lr =	sadd.s32 s0, s3;
	s0 =	sld [smem:$0x3FAA]  }
0x30: {  	s3 =	sld [smem:$0x3FAD]  }
0x31: {  	[smem:$0x3FB6] =	sst s10  }
0x32: {  	s10 =	sld [smem:$0x3FB4];
	_ =	sdelay $0x3  }
0x33: {  	p0 =	seq.s32 s10, $0x1;
	s10 =	sld [smem:$0x3FB6];
	_ =	sdelay $0x3  }
0x34: {  	[smem:$0x3FB6] =	sst s10  }
0x35: {  	s10 =	sld [smem:$0x3FB5];
	_ =	sdelay $0x3  }
0x36: {  	p1 =	seq.s32 s10, $0x1;
	s10 =	sld [smem:$0x3FB6];
	_ =	sdelay $0x3  }
0x37: {  	[smem:$0x3FB6] =	sst s10  }
0x38: {  	s10 =	sld [smem:$0x3FB7]  }
0x39: {  	_ = 	snop;
	(pc) =	sbr.ind lr, $3  }
0x3a: {  	_ = 	snop  }
0x3b: {  	_ = 	snop  }
0x3c: {  	p2 =	seq.s32 s10, $0x1;
	s10 =	sld [smem:$0x3FB6]  }
0x3d: {  	_ =	shalt  }
0x3e: {  	_ =	shalt  }
0x3f: {  	_ =	shalt  }
0x40: {  	_ =	shalt  }
0x41: {  	_ =	shalt  }
0x42: {  	_ =	shalt  }
0x43: {  	_ =	shalt  }
0x44: {  	_ =	shalt  }
0x45: {  	_ =	shalt  }
0x46: {  	_ =	shalt  }
0x47: {  	_ =	shalt  }
0x48: {  	_ =	shalt  }
0x49: {  	_ =	shalt  }
0x4a: {  	_ =	shalt  }
0x4b: {  	_ =	shalt  }
0x4c: {  	_ =	shalt  }
0x4d: {  	_ =	shalt  }
0x4e: {  	_ =	shalt  }
0x4f: {  	_ =	shalt  }
0x50: {  	_ =	shalt  }
0x51: {  	_ =	shalt  }
0x52: {  	_ =	shalt  }
0x53: {  	_ =	shalt  }
0x54: {  	_ =	shalt  }
0x55: {  	_ =	shalt  }
0x56: {  	_ =	shalt  }
0x57: {  	_ =	shalt  }
0x58: {  	_ =	shalt  }
0x59: {  	_ =	shalt  }
0x5a: {  	_ =	shalt  }
0x5b: {  	_ =	shalt  }
0x5c: {  	_ =	shalt  }
0x5d: {  	_ =	shalt  }
0x5e: {  	_ =	shalt  }
0x5f: {  	_ =	shalt  }
0x60: {  	_ =	shalt  }
0x61: {  	_ =	shalt  }
0x62: {  	_ =	shalt  }
0x63: {  	_ =	shalt  }
0x64: {  	_ =	shalt  }
0x65: {  	_ =	shalt  }
0x66: {  	_ =	shalt  }
0x67: {  	_ =	shalt  }
0x68: {  	_ =	shalt  }
0x69: {  	_ =	shalt  }
0x6a: {  	_ =	shalt  }
0x6b: {  	_ =	shalt  }
0x6c: {  	_ =	shalt  }
0x6d: {  	_ =	shalt  }
0x6e: {  	_ =	shalt  }
0x6f: {  	_ =	shalt  }
0x70: {  	_ =	shalt  }
0x71: {  	_ =	shalt  }
0x72: {  	_ =	shalt  }
0x73: {  	_ =	shalt  }
0x74: {  	_ =	shalt  }
0x75: {  	_ =	shalt  }
0x76: {  	_ =	shalt  }
0x77: {  	_ =	shalt  }
0x78: {  	_ =	shalt  }
0x79: {  	_ =	shalt  }
0x7a: {  	_ =	shalt  }
0x7b: {  	_ =	shalt  }
0x7c: {  	_ =	shalt  }
0x7d: {  	_ =	shalt  }
0x7e: {  	_ =	shalt  }
0x7f: {  	_ =	shalt  }
0x80: {  	_ =	shalt  }
0x81: {  	_ =	shalt  }
0x82: {  	_ =	shalt  }
0x83: {  	_ =	shalt  }
0x84: {  	_ =	shalt  }
0x85: {  	_ =	shalt  }
0x86: {  	_ =	shalt  }
0x87: {  	_ =	shalt  }
.Lfunc_end0:
.L_simem_size_0:
called_computation.1_lowered:
.L_overlay_start_0:
0x88: {  	s2 =	sld [smem:$0x3FD9]  }
0x89: {  	s3 =	sld [smem:$0x3FFE];
	_ =	sdelay $0x1  }
0x8a: {  	s1 =	srdreg.scid  }
0x8b: {  	s0 =	sand.u32 $0x1, s1  }
0x8c: {  	s17 =	sshll.u32 s0, $0xA;
	s2 =	sadd.s32 s3, s2  }
0x8d: {  	s2 =	sadd.s32 s2, s17  }
0x8e: {  	[smem:$0x3FC2] =	sst s2  }
0x8f: {  	_ = 	snop  }
0x90: {  	s2 =	sld [smem:$0x3FD0];
	(tm) =	ssettm $0x1  }
0x91: {  	s18 =	sld [smem:$0x3FFB];
	_ =	sdelay $0x3  }
0x92: {  	_ =	strace s18  }
0x93: {  	s3 =	sld [smem:$0x3FFC];
	_ =	sdelay $0x3  }
0x94: {  	_ =	strace s3  }
0x95: {  	s3 =	sld [smem:$0x3FFD];
	_ =	sdelay $0x3  }
0x96: {  	_ =	strace s3  }
0x97: {  	_ =	strace $0x8FFFFFFF  }
0x98: {  	s19 =	sld [smem:$0x3FDB];
	_ =	sdelay $0x1  }
0x99: {  	s4 =	simm.s32 $_scs_section_size  }
0x9a: {  	s5 =	simm.s32 $_size__tile_overlayer_lowered;
	s6 =	simm.s32 $_tile_overlayer_lowered  }
0x9b: {  	s22 =	simm.s32 $0x1BFF;
	s21 =	sshll.u32 s6, $0x1;
	s3 =	sadd.s32 s4, s19  }
0x9c: {  	s7 =	simm.s32 $0x0;
	s20 =	sshll.u32 s5, $0x1;
	s5 =	sadd.s32 s21, s3  }
0x9d: {  	[timem:s7], [sflag:s22] =	dma.local [hbm:s5], s20  }
0x9e: {  	_ =	swait.ge [sflag:s22], s20  }
0x9f: {  	s4 =	ssub.s32 $0x0, s20;
	[sflag:s22] =	ssyncset.done $0x0  }
0xa0: {  	[sflag:s22] =	ssyncadd.s32 s4;
	_ =	sdelay $0x1  }
0xa1: {  	s23 =	simm.s32 $0x1B8B  }
0xa2: {  	_ =	swait.ge [sflag:s23], $0x1  }
0xa3: {  	[sflag:s23] =	ssyncset.done $0x0  }
0xa4: {  	s25 =	simm.s32 $0x1B8E;
	s24 =	sld [smem:$0x3FFE];
	[sflag:s23] =	ssyncadd.s32 $0xFFFFFFFF  }
0xa5: {  	s26 =	simm.s32 $execute0_lowered;
	[smem:$0x3FD2] =	sst s25  }
0xa6: {  	s5 =	sshll.u32 s26, $0x1;
	_ =	strace $0x80000049;
	[dreg:$0x1] =	wrdreg $0xFFFFFFFF  }
0xa7: {  	s28 =	simm.s32 $_size_execute0_lowered;
	s3 =	sadd.s32 s3, s5;
	[dreg:$0x0] =	wrdreg $0x0  }
0xa8: {  	s5 =	sshll.u32 s28, $0x1;
	[dreg:$0x2] =	wrdreg s3  }
0xa9: {  	[dreg:$0x3] =	wrdreg s5  }
0xaa: {  	[dreg:$0x4] =	wrdreg $0xC0  }
0xab: {  	_ =	task [dreg:s7], $0x5FFFF  }
0xac: {  	[dreg:$0x1] =	wrdreg $0xFFFFFFFF  }
0xad: {  	[dreg:$0x0] =	wrdreg $0x60  }
0xae: {  	[dreg:$0x2] =	wrdreg s2  }
0xaf: {  	[dreg:$0x3] =	wrdreg s24  }
0xb0: {  	[dreg:$0x4] =	wrdreg $0xA6000  }
0xb1: {  	[dreg:$0x5] =	wrdreg $0x9  }
0xb2: {  	_ =	task.clear_ibuf [dreg:s7], $0x6FFFF;
	_ =	strace $0x90000049  }
0xb3: {  	s29 =	simm.s32 $0x9;
	_ =	strace $0x8000004B  }
0xb4: {  	_ =	swait.ge [sflag:s29], $0x1  }
0xb5: {  	[sflag:s29] =	ssyncadd.s32 $0xFFFFFFFF  }
0xb6: {  	_ =	strace $0x9000004B  }
0xb7: {  	_ =	sfence  }
0xb8: {  	s30 =	sld [smem:$0x0];
	_ =	sdelay $0x2  }
0xb9: {  	s31 =	sshll.u32 s1, $0xD;
	s1 =	sshrl.u32 s1, $0x2  }
0xba: {  	s3 =	sand.u32 $0x4000, s31;
	s1 =	sadd.s32 s1, s30  }
0xbb: {  	s0 =	sor.u32 s3, s0;
	s1 =	sshll.u32 s1, $0x11  }
0xbc: {  	s0 =	sor.u32 s1, s0  }
0xbd: {  	s0 =	sadd.s32 $0x8F2B, s0  }
0xbe: {  	[sflag:s0] =	ssyncadd.remote.s32 $0x1  }
0xbf: {  	_ =	sfence.sel $0xFFFF  }
0xc0: {  	[dreg:$0x0] =	wrdreg $0xFFFFFFFF;
	(pc) =	sbr.abs _section_cstart, $3  }
0xc1: {  	[dreg:$0x1] =	wrdreg $0xFFFFFFFF  }
0xc2: {  	_ =	task.clear_ibuf [dreg:s7], $0x2FFFF;
	_ =	strace $0x9FFFFFFF  }
0xc3: {  	(tm) =	ssettm $0x7FFFFFFF  }
tec
execute0_lowered:
.L_overlay_start_1:
0x0: {  	(tag) =	ssettag $0x1  }
0x1: {  	s1 =	rddreg [dreg:$0x0]  }
0x2: {  	s0 =	rddreg [dreg:$0x1]  }
0x3: {  	s2 =	rddreg [dreg:$0x2]  }
0x4: {  	s3 =	simm.s32 $0x0;
	s12 =	stileid.u32;
	s23 =	srdreg.scid  }
0x5: {  	s20 =	simm.s32 $0x400;
	s21 =	simm.s32 $0x480;
	s22 =	simm.s32 $0x2E00  }
0x6: {  	s28 =	simm.s32 $0x9;
	s29 =	simm.s32 $0xD;
	s30 =	simm.s32 $0x50  }
0x7: {  	s31 =	simm.s32 $0x3;
	[smem:$0x7FF] =	sst s3;
	s5 =	sadd.s32 $0xBC00, s0  }
0x8: {  	s6 =	sadd.s32 $0x1E00, s0;
	s4 =	smul.u32 $0x1680, s12;
	s8 =	sadd.s32 $0x15A00, s0  }
0x9: {  	s3 =	sand.u32 $0x1, s23;
	s7 =	smul.u32 $0x3840, s12;
	s0 =	sadd.s32 $0x3DA00, s0  }
0xa: {  	s11 =	smul.u32 $0x50000, s12;
	_ =	strace $0x8000004A;
	[dreg:$0x5] =	wrdreg s20  }
0xb: {  	s16 =	smul.u32 $0x2800, s12;
	s23 =	simm.s32 $0x500;
	[dreg:$0x6] =	wrdreg s21  }
0xc: {  	s9 =	ssub.s32 $0x2, s3;
	p0 =	seq.s32 s3, $0x0;
	[dreg:$0x7] =	wrdreg s22  }
0xd: {  	[dreg:$0x8] =	wrdreg s23;
	s3 =	sadd.s32 $0x38400, s4;
	s24 =	sshrl.u32 s9, $0x1  }
0xe: {  	s14 =	sshrl.u32 s11, $0x2;
	s0 =	smov.u32 @p0 s8;
	s8 =	simm.s32 $0x7  }
0xf: {  	s3 =	smov.u32 @p0 s7;
	s4 =	ssub.s32 s9, s24;
	s7 =	simm.s32 $0xB4  }
0x10: {  	s24 =	simm.s32 $0x5600;
	s22 =	sadd.s32 s0, s16;
	s0 =	simm.s32 $0x4  }
0x11: {  	s25 =	sshrl.u32 s3, $0x3;
	s4 =	smax.u32 s4, $0x1;
	[dreg:$0x9] =	wrdreg s24  }
0x12: {  	s7 =	simm.s32 @!p0 $0x48;
	s13 =	sadd.s32 s5, s25;
	[dreg:$0x11] =	wrdreg s4  }
0x13: {  	s11 =	sadd.s32 $0xF0, s3;
	s9 =	sadd.s32 s6, s25;
	[dreg:$0xc] =	wrdreg s13  }
0x14: {  	s24 =	simm.s32 $0x600;
	s15 =	sshrl.u32 s7, $0x2;
	[dreg:$0xd] =	wrdreg s9  }
0x15: {  	s10 =	sadd.s32 $0xA, s25;
	s25 =	simm.s32 $0x580;
	[dreg:$0x10] =	wrdreg s15  }
0x16: {  	s3 =	simm.s32 $0x1;
	s26 =	sadd.s32 s5, s10;
	[dreg:$0xa] =	wrdreg s25  }
0x17: {  	s4 =	simm.s32 $0x6;
	s10 =	sadd.s32 s6, s10;
	[dreg:$0xe] =	wrdreg s26  }
0x18: {  	s13 =	sadd.s32 $0xFFFFFFFF, s7;
	s25 =	simm.s32 $0x11;
	[dreg:$0xf] =	wrdreg s10  }
0x19: {  	[dreg:$0x4] =	wrdreg s13;
	s13 =	sadd.s32 s14, s2;
	s26 =	simm.s32 $0x7E00  }
0x1a: {  	s9 =	simm.s32 $0x8;
	s17 =	sadd.s32 $0x2800, s13;
	[dreg:$0xb] =	wrdreg s26  }
0x1b: {  	s18 =	sadd.s32 $0x5000, s13;
	s19 =	sadd.s32 $0x7800, s13;
	[dreg:$0x12] =	wrdreg s17  }
0x1c: {  	s10 =	sadd.s32 $0xA000, s13;
	s20 =	sadd.s32 $0xF000, s13;
	[dreg:$0x13] =	wrdreg s18  }
0x1d: {  	s21 =	sadd.s32 $0x11800, s13;
	s26 =	simm.s32 $0x2;
	[dreg:$0x14] =	wrdreg s19  }
0x1e: {  	v0 =	vimm.f32 $0.0e+00;
	[dreg:$0x15] =	wrdreg s10;
	s19 =	sadd.s32 $0xC800, s13;
	s10 =	simm.s32 $0x0  }
.LBB2_1:
0x1f: {  	s14 =	simm.s32 $0x0  }
0x20: {  	s12 =	sand.u32 $0xFE00, s14  }
0x21: {  	s14 =	sand.u32 $0x70, s14;
	s23 =	sshrl.u32 s12, $0x2  }
0x22: {  	s12 =	simm.s32 $0x40;
	s23 =	sor.u32 s14, s23;
	s14 =	simm.s32 $0x0  }
.LBB2_2:
0x23: {  	p0 =	sne.s32 s12, $0x9FC0  }
0x24: {  	[tilespmem:s23+$0x600] =	vst v0;
	s14 =	sadd.s32 $0x10, s14;
	s23 =	smov.u32 s12;
	s12 =	sadd.s32 $0x40, s12  }
.Ltmp0:
0x25: {  	(pc) =	sbr.rel @p0 .LBB2_2-.Ltmp0, $4  }
0x26: {  	_ = 	snop  }
0x27: {  	s23 =	sand.u32 $0xFE00, s23  }
0x28: {  	s15 =	sand.u32 $0x70, s14;
	s23 =	sshrl.u32 s23, $0x2  }
0x29: {  	s23 =	sor.u32 s15, s23  }
0x2a: {  	[tilespmem:s23+$0x600] =	vst v0  }
0x2b: {  	[spmem:s13] =	stream.linear.scatter [tilespmem:s24], [sflag:$0x11], $0x2800, $0x38;
	[tilespmem:$0x1E600] =	vst v63  }
0x2c: {  	_ =	swait.ge [sflag:s25], $0x2800  }
0x2d: {  	[sflag:s25] =	ssyncset.done $0x0  }
0x2e: {  	s12 =	rddreg [dreg:$0x12];
	[sflag:s25] =	ssyncadd.s32 $0xFFFFD800  }
0x2f: {  	[spmem:s12] =	stream.linear.scatter [tilespmem:s24], [sflag:$0x11], $0x2800, $0x38;
	[tilespmem:$0x1E600] =	vst v63  }
0x30: {  	_ =	swait.ge [sflag:s25], $0x2800  }
0x31: {  	[sflag:s25] =	ssyncset.done $0x0  }
0x32: {  	s15 =	rddreg [dreg:$0x13];
	[sflag:s25] =	ssyncadd.s32 $0xFFFFD800  }
0x33: {  	[spmem:s15] =	stream.linear.scatter [tilespmem:s24], [sflag:$0x11], $0x2800, $0x38;
	[tilespmem:$0x1E600] =	vst v63  }
0x34: {  	_ =	swait.ge [sflag:s25], $0x2800  }
0x35: {  	[sflag:s25] =	ssyncset.done $0x0  }
0x36: {  	s16 =	rddreg [dreg:$0x14];
	[sflag:s25] =	ssyncadd.s32 $0xFFFFD800  }
0x37: {  	[spmem:s16] =	stream.linear.scatter [tilespmem:s24], [sflag:$0x11], $0x2800, $0x38;
	[tilespmem:$0x1E600] =	vst v63  }
0x38: {  	_ =	swait.ge [sflag:s25], $0x2800  }
0x39: {  	[sflag:s25] =	ssyncset.done $0x0  }
0x3a: {  	s17 =	rddreg [dreg:$0x15];
	[sflag:s25] =	ssyncadd.s32 $0xFFFFD800  }
0x3b: {  	[spmem:s17] =	stream.linear.scatter [tilespmem:s24], [sflag:$0x11], $0x2800, $0x38;
	[tilespmem:$0x1E600] =	vst v63  }
0x3c: {  	_ =	swait.ge [sflag:s25], $0x2800  }
0x3d: {  	[sflag:s25] =	ssyncset.done $0x0  }
0x3e: {  	[sflag:s25] =	ssyncadd.s32 $0xFFFFD800  }
0x3f: {  	[spmem:s19] =	stream.linear.scatter [tilespmem:s24], [sflag:$0x11], $0x2800, $0x38;
	[tilespmem:$0x1E600] =	vst v63  }
0x40: {  	_ =	swait.ge [sflag:s25], $0x2800  }
0x41: {  	[sflag:s25] =	ssyncset.done $0x0  }
0x42: {  	[sflag:s25] =	ssyncadd.s32 $0xFFFFD800  }
0x43: {  	[spmem:s20] =	stream.linear.scatter [tilespmem:s24], [sflag:$0x11], $0x2800, $0x38;
	[tilespmem:$0x1E600] =	vst v63  }
0x44: {  	_ =	swait.ge [sflag:s25], $0x2800  }
0x45: {  	[sflag:s25] =	ssyncset.done $0x0  }
0x46: {  	[sflag:s25] =	ssyncadd.s32 $0xFFFFD800  }
0x47: {  	[spmem:s21] =	stream.linear.scatter [tilespmem:s24], [sflag:$0x11], $0x2800, $0x38;
	[tilespmem:$0x1E600] =	vst v63  }
0x48: {  	_ =	swait.ge [sflag:s25], $0x2800  }
0x49: {  	[sflag:s25] =	ssyncset.done $0x0  }
0x4a: {  	[sflag:s25] =	ssyncadd.s32 $0xFFFFD800  }
0x4b: {  	[bflag:$0x0] =	sbarrier.arrive $0xFFFF  }
0x4c: {  	s14 =	simm.s32 $0x0;
	s18 =	rddreg [dreg:$0xc]  }
0x4d: {  	[tilespmem:s14], [sflag:$0x9] =	stream.linear.gather [hbm4b:s18+s14], $0x50, $0x38;
	[tilespmem:$0x1E600] =	vst v63  }
0x4e: {  	s15 =	simm.s32 $0x200;
	s23 =	rddreg [dreg:$0xd]  }
0x4f: {  	[tilespmem:s15], [sflag:$0xD] =	stream.linear.gather [hbm4b:s23+s14], $0x50, $0x38;
	[tilespmem:$0x1E600] =	vst v63  }
0x50: {  	_ =	swait.ge [sflag:s28], $0x50  }
0x51: {  	[sflag:s28] =	ssyncset.done $0x0  }
0x52: {  	[sflag:s28] =	ssyncadd.s32 $0xFFFFFFB0  }
0x53: {  	_ =	swait.ge [sflag:s29], $0x50  }
0x54: {  	[sflag:s29] =	ssyncset.done $0x0  }
0x55: {  	[sflag:s29] =	ssyncadd.s32 $0xFFFFFFB0  }
0x56: {  	[tilespmem:s24], [sflag:$0x1] =	stream.indirect.gather [hbm4b:s1+s30], $0x80, s14, s30, $0xb8;
	[tilespmem:$0x1E600] =	vst v63  }
0x57: {  	s17 =	simm.s32 $0x80;
	s16 =	rddreg [dreg:$0xe]  }
0x58: {  	[tilespmem:s17], [sflag:$0xA] =	stream.linear.gather [hbm4b:s16+s14], $0x50, $0x38;
	[tilespmem:$0x1E600] =	vst v63  }
0x59: {  	s23 =	simm.s32 $0x280;
	s18 =	rddreg [dreg:$0xf]  }
0x5a: {  	[tilespmem:s23], [sflag:$0xE] =	stream.linear.gather [hbm4b:s18+s14], $0x50, $0x38;
	[tilespmem:$0x1E600] =	vst v63  }
0x5b: {  	s12 =	rddreg [dreg:$0x10];
	s23 =	smov.u32 s11  }
.LBB2_4:
0x5c: {  	p0 =	seq.s32 s14, $0x0  }
0x5d: {  	s15 =	simm.s32 @!p0 $0x6  }
0x5e: {  	_ =	swait.ge @!p0 [sflag:s15], $0x2800  }
0x5f: {  	s16 =	rddreg [dreg:$0x4]  }
0x60: {  	[sflag:s15] =	ssyncset.done @!p0 $0x0;
	p1 =	sge.s32 s14, s16  }
0x61: {  	[sflag:s15] =	ssyncadd.s32 @!p0 $0xFFFFD800;
	s15 =	simm.s32 @!p1 $0xA  }
0x62: {  	_ =	swait.ge @!p1 [sflag:s15], $0x50  }
0x63: {  	[sflag:s15] =	ssyncset.done @!p1 $0x0  }
0x64: {  	[sflag:s15] =	ssyncadd.s32 @!p1 $0xFFFFFFB0;
	s15 =	simm.s32 @!p1 $0xE  }
0x65: {  	_ =	swait.ge @!p1 [sflag:s15], $0x50  }
0x66: {  	s16 =	simm.s32 @!p1 $0x80;
	[sflag:s15] =	ssyncset.done @!p1 $0x0  }
0x67: {  	s17 =	simm.s32 @!p1 $0x2E00;
	[sflag:s15] =	ssyncadd.s32 @!p1 $0xFFFFFFB0;
	s15 =	simm.s32 @!p1 $0x50  }
0x68: {  	[tilespmem:s17], [sflag:$0x2] =	stream.indirect.gather @!p1 [hbm4b:s1+s15], $0x80, s16, s15, $0xb8;
	[tilespmem:$0x1E600] =	vst v63  }
0x69: {  	_ =	swait.ge [sflag:s3], $0x2800  }
0x6a: {  	[sflag:s3] =	ssyncset.done $0x0  }
0x6b: {  	[sflag:s3] =	ssyncadd.s32 $0xFFFFD800  }
0x6c: {  	v1 =	vld [tilespmem:$0x200]  }
0x6d: {  	v2 =	vld [tilespmem:$0x210]  }
0x6e: {  	v3 =	vld [tilespmem:$0x220]  }
0x6f: {  	v4 =	vld [tilespmem:$0x230]  }
0x70: {  	v5 =	vld [tilespmem:$0x240]  }
0x71: {  	[tilespmem:$0x400] =	vst v1  }
0x72: {  	s16 =	sadd.s32 $0x2, s14;
	[tilespmem:$0x410] =	vst v2  }
0x73: {  	p1 =	sge.u32 s16, s7;
	[tilespmem:$0x420] =	vst v3  }
0x74: {  	s15 =	sadd.s32 @!p1 $0xFFFFFFB0, s23;
	[tilespmem:$0x430] =	vst v4  }
0x75: {  	s18 =	rddreg [dreg:$0x5];
	s15 =	sshrl.u32 @!p1 s15, $0x3;
	[tilespmem:$0x440] =	vst v5  }
0x76: {  	[spmem:s2] =	stream.indirect.scatter.add.f32 [tilespmem:s24], [sflag:$0x5], $0x80, s18, s30, $0xb8;
	[tilespmem:$0x1E600] =	vst v63  }
0x77: {  	s17 =	simm.s32 @!p1 $0x0;
	s16 =	sadd.s32 @!p1 s5, s15;
	s18 =	simm.s32 @!p1 $0x100  }
0x78: {  	[tilespmem:s18], [sflag:$0xB] =	stream.linear.gather @!p1 [hbm4b:s16+s17], $0x50, $0x38;
	[tilespmem:$0x1E600] =	vst v63  }
0x79: {  	s15 =	sadd.s32 @!p1 s6, s15;
	s16 =	simm.s32 @!p1 $0x300  }
0x7a: {  	[tilespmem:s16], [sflag:$0xF] =	stream.linear.gather @!p1 [hbm4b:s15+s17], $0x50, $0x38;
	[tilespmem:$0x1E600] =	vst v63  }
0x7b: {  	s15 =	simm.s32 @!p0 $0x7  }
0x7c: {  	_ =	swait.ge @!p0 [sflag:s15], $0x2800  }
0x7d: {  	[sflag:s15] =	ssyncset.done @!p0 $0x0  }
0x7e: {  	[sflag:s15] =	ssyncadd.s32 @!p0 $0xFFFFD800;
	s15 =	simm.s32 @!p1 $0xB  }
0x7f: {  	_ =	swait.ge @!p1 [sflag:s15], $0x50  }
0x80: {  	[sflag:s15] =	ssyncset.done @!p1 $0x0  }
0x81: {  	[sflag:s15] =	ssyncadd.s32 @!p1 $0xFFFFFFB0;
	s15 =	simm.s32 @!p1 $0xF  }
0x82: {  	_ =	swait.ge @!p1 [sflag:s15], $0x50  }
0x83: {  	[sflag:s15] =	ssyncset.done @!p1 $0x0  }
0x84: {  	s16 =	simm.s32 @!p1 $0x5600;
	[sflag:s15] =	ssyncadd.s32 @!p1 $0xFFFFFFB0;
	s15 =	simm.s32 @!p1 $0x50  }
0x85: {  	[tilespmem:s16], [sflag:$0x3] =	stream.indirect.gather @!p1 [hbm4b:s1+s15], $0x80, s18, s15, $0xb8;
	[tilespmem:$0x1E600] =	vst v63  }
0x86: {  	_ =	swait.ge [sflag:s26], $0x2800  }
0x87: {  	[sflag:s26] =	ssyncset.done $0x0  }
0x88: {  	[sflag:s26] =	ssyncadd.s32 $0xFFFFD800  }
0x89: {  	v1 =	vld [tilespmem:$0x280]  }
0x8a: {  	v2 =	vld [tilespmem:$0x290]  }
0x8b: {  	v3 =	vld [tilespmem:$0x2A0]  }
0x8c: {  	v58 =	vld [tilespmem:$0x2B0]  }
0x8d: {  	v59 =	vld [tilespmem:$0x2C0]  }
0x8e: {  	[tilespmem:$0x480] =	vst v1  }
0x8f: {  	[tilespmem:$0x490] =	vst v2  }
0x90: {  	s16 =	sadd.s32 $0x3, s14;
	[tilespmem:$0x4A0] =	vst v3  }
0x91: {  	p1 =	sge.u32 s16, s7;
	s17 =	rddreg [dreg:$0x6];
	[tilespmem:$0x4B0] =	vst v58  }
0x92: {  	s18 =	rddreg [dreg:$0x7];
	s15 =	sshrl.u32 @!p1 s23, $0x3;
	[tilespmem:$0x4C0] =	vst v59  }
0x93: {  	[spmem:s2] =	stream.indirect.scatter.add.f32 [tilespmem:s18], [sflag:$0x6], $0x80, s17, s30, $0xb8;
	[tilespmem:$0x1E600] =	vst v63  }
0x94: {  	s16 =	sadd.s32 @!p1 s5, s15;
	s17 =	simm.s32 @!p1 $0x0;
	s18 =	simm.s32 @!p1 $0x180  }
0x95: {  	[tilespmem:s18], [sflag:$0xC] =	stream.linear.gather @!p1 [hbm4b:s16+s17], $0x50, $0x38;
	[tilespmem:$0x1E600] =	vst v63  }
0x96: {  	s15 =	sadd.s32 @!p1 s6, s15;
	s16 =	simm.s32 @!p1 $0x380  }
0x97: {  	[tilespmem:s16], [sflag:$0x10] =	stream.linear.gather @!p1 [hbm4b:s15+s17], $0x50, $0x38;
	[tilespmem:$0x1E600] =	vst v63  }
0x98: {  	s15 =	simm.s32 @!p0 $0x8  }
0x99: {  	_ =	swait.ge @!p0 [sflag:s15], $0x2800  }
0x9a: {  	[sflag:s15] =	ssyncset.done @!p0 $0x0  }
0x9b: {  	[sflag:s15] =	ssyncadd.s32 @!p0 $0xFFFFD800;
	s15 =	simm.s32 @!p1 $0xC  }
0x9c: {  	_ =	swait.ge @!p1 [sflag:s15], $0x50  }
0x9d: {  	[sflag:s15] =	ssyncset.done @!p1 $0x0  }
0x9e: {  	[sflag:s15] =	ssyncadd.s32 @!p1 $0xFFFFFFB0;
	s15 =	simm.s32 @!p1 $0x10  }
0x9f: {  	_ =	swait.ge @!p1 [sflag:s15], $0x50  }
0xa0: {  	[sflag:s15] =	ssyncset.done @!p1 $0x0  }
0xa1: {  	s16 =	simm.s32 @!p1 $0x7E00;
	[sflag:s15] =	ssyncadd.s32 @!p1 $0xFFFFFFB0;
	s15 =	simm.s32 @!p1 $0x50  }
0xa2: {  	[tilespmem:s16], [sflag:$0x4] =	stream.indirect.gather @!p1 [hbm4b:s1+s15], $0x80, s18, s15, $0xb8;
	[tilespmem:$0x1E600] =	vst v63  }
0xa3: {  	_ =	swait.ge [sflag:s31], $0x2800  }
0xa4: {  	[sflag:s31] =	ssyncset.done $0x0  }
0xa5: {  	[sflag:s31] =	ssyncadd.s32 $0xFFFFD800  }
0xa6: {  	v1 =	vld [tilespmem:$0x300]  }
0xa7: {  	v2 =	vld [tilespmem:$0x310]  }
0xa8: {  	v3 =	vld [tilespmem:$0x320]  }
0xa9: {  	v60 =	vld [tilespmem:$0x330]  }
0xaa: {  	v61 =	vld [tilespmem:$0x340]  }
0xab: {  	[tilespmem:$0x500] =	vst v1  }
0xac: {  	s15 =	sadd.s32 $0x4, s14;
	[tilespmem:$0x510] =	vst v2  }
0xad: {  	p0 =	slt.u32 s15, s7;
	[tilespmem:$0x520] =	vst v3  }
0xae: {  	s17 =	rddreg [dreg:$0x8];
	s16 =	sadd.s32 @p0 $0x50, s23;
	[tilespmem:$0x530] =	vst v60  }
0xaf: {  	s18 =	rddreg [dreg:$0x9];
	s16 =	sshrl.u32 @p0 s16, $0x3;
	[tilespmem:$0x540] =	vst v61  }
0xb0: {  	[spmem:s2] =	stream.indirect.scatter.add.f32 [tilespmem:s18], [sflag:$0x7], $0x80, s17, s30, $0xb8;
	[tilespmem:$0x1E600] =	vst v63  }
0xb1: {  	s17 =	sadd.s32 @p0 s5, s16;
	s18 =	simm.s32 @p0 $0x0  }
0xb2: {  	[tilespmem:s18], [sflag:$0x9] =	stream.linear.gather @p0 [hbm4b:s17+s18], $0x50, $0x38;
	[tilespmem:$0x1E600] =	vst v63  }
0xb3: {  	s16 =	sadd.s32 @p0 s6, s16;
	s17 =	simm.s32 @p0 $0x200  }
0xb4: {  	[tilespmem:s17], [sflag:$0xD] =	stream.linear.gather @p0 [hbm4b:s16+s18], $0x50, $0x38;
	[tilespmem:$0x1E600] =	vst v63  }
0xb5: {  	s16 =	simm.s32 @p0 $0x5  }
0xb6: {  	_ =	swait.ge @p0 [sflag:s16], $0x2800  }
0xb7: {  	[sflag:s16] =	ssyncset.done @p0 $0x0  }
0xb8: {  	[sflag:s16] =	ssyncadd.s32 @p0 $0xFFFFD800;
	s16 =	simm.s32 @p0 $0x9  }
0xb9: {  	_ =	swait.ge @p0 [sflag:s16], $0x50  }
0xba: {  	[sflag:s16] =	ssyncset.done @p0 $0x0  }
0xbb: {  	[sflag:s16] =	ssyncadd.s32 @p0 $0xFFFFFFB0;
	s16 =	simm.s32 @p0 $0xD  }
0xbc: {  	_ =	swait.ge @p0 [sflag:s16], $0x50  }
0xbd: {  	[sflag:s16] =	ssyncset.done @p0 $0x0  }
0xbe: {  	s17 =	simm.s32 @p0 $0x600;
	[sflag:s16] =	ssyncadd.s32 @p0 $0xFFFFFFB0;
	s16 =	simm.s32 @p0 $0x50  }
0xbf: {  	[tilespmem:s17], [sflag:$0x1] =	stream.indirect.gather @p0 [hbm4b:s1+s16], $0x80, s18, s16, $0xb8;
	[tilespmem:$0x1E600] =	vst v63  }
0xc0: {  	s16 =	simm.s32 @!p0 $0x5  }
0xc1: {  	_ =	swait.ge @!p0 [sflag:s16], $0x2800  }
0xc2: {  	[sflag:s16] =	ssyncset.done @!p0 $0x0  }
0xc3: {  	[sflag:s16] =	ssyncadd.s32 @!p0 $0xFFFFD800  }
0xc4: {  	_ =	swait.ge [sflag:s0], $0x2800  }
0xc5: {  	[sflag:s0] =	ssyncset.done $0x0  }
0xc6: {  	[sflag:s0] =	ssyncadd.s32 $0xFFFFD800  }
0xc7: {  	v1 =	vld [tilespmem:$0x380]  }
0xc8: {  	v2 =	vld [tilespmem:$0x390]  }
0xc9: {  	v3 =	vld [tilespmem:$0x3A0]  }
0xca: {  	v62 =	vld [tilespmem:$0x3B0]  }
0xcb: {  	v63 =	vld [tilespmem:$0x3C0]  }
0xcc: {  	[tilespmem:$0x580] =	vst v1  }
0xcd: {  	[tilespmem:$0x590] =	vst v2  }
0xce: {  	[tilespmem:$0x5A0] =	vst v3  }
0xcf: {  	s17 =	rddreg [dreg:$0xa];
	[tilespmem:$0x5B0] =	vst v62  }
0xd0: {  	s18 =	rddreg [dreg:$0xb];
	[tilespmem:$0x5C0] =	vst v63  }
0xd1: {  	[spmem:s2] =	stream.indirect.scatter.add.f32 [tilespmem:s18], [sflag:$0x8], $0x80, s17, s30, $0xb8;
	[tilespmem:$0x1E600] =	vst v63  }
0xd2: {  	s18 =	sadd.s32 $0x5, s14  }
0xd3: {  	p0 =	sge.u32 s18, s7  }
0xd4: {  	s14 =	sadd.s32 @!p0 $0xA0, s23  }
0xd5: {  	s14 =	sshrl.u32 @!p0 s14, $0x3  }
0xd6: {  	s17 =	simm.s32 @!p0 $0x0;
	s18 =	simm.s32 @!p0 $0x80;
	s16 =	sadd.s32 @!p0 s5, s14  }
0xd7: {  	[tilespmem:s18], [sflag:$0xA] =	stream.linear.gather @!p0 [hbm4b:s16+s17], $0x50, $0x38;
	[tilespmem:$0x1E600] =	vst v63  }
0xd8: {  	s12 =	sadd.s32 $0xFFFFFFFF, s12;
	s14 =	sadd.s32 @!p0 s6, s14;
	s16 =	simm.s32 @!p0 $0x280  }
0xd9: {  	[tilespmem:s16], [sflag:$0xE] =	stream.linear.gather @!p0 [hbm4b:s14+s17], $0x50, $0x38;
	[tilespmem:$0x1E600] =	vst v63  }
0xda: {  	p0 =	sne.s32 s12, $0x0  }
.Ltmp1:
0xdb: {  	_ = 	snop;
	(pc) =	sbr.rel @p0 .LBB2_4-.Ltmp1, $2  }
0xdc: {  	_ =	sdelay $0x2  }
0xdd: {  	s23 =	sadd.s32 $0x140, s23;
	s14 =	smov.u32 s15  }
0xde: {  	_ =	swait.ge [sflag:s4], $0x2800  }
0xdf: {  	[sflag:s4] =	ssyncset.done $0x0  }
0xe0: {  	[sflag:s4] =	ssyncadd.s32 $0xFFFFD800  }
0xe1: {  	_ =	swait.ge [sflag:s8], $0x2800  }
0xe2: {  	[sflag:s8] =	ssyncset.done $0x0  }
0xe3: {  	[sflag:s8] =	ssyncadd.s32 $0xFFFFD800  }
0xe4: {  	_ =	swait.ge [sflag:s9], $0x2800  }
0xe5: {  	s12 =	stileid.u32;
	[sflag:s9] =	ssyncset.done $0x0  }
0xe6: {  	s12 =	sshll.u32 s12, $0x6;
	[sflag:s9] =	ssyncadd.s32 $0xFFFFD800  }
0xe7: {  	s14 =	sshrl.u32 s13, $0x3;
	s12 =	sor.u32 $0x1C11, s12;
	[bflag:$0x0] =	sbarrier.arrive $0xFFFF  }
0xe8: {  	[hbm:s22], [sflag:s12] =	dma.local [spmem:s14], $0x2800  }
0xe9: {  	_ =	swait.ge [sflag:s25], $0x2800  }
0xea: {  	s10 =	sadd.s32 $0x1, s10;
	s23 =	rddreg [dreg:$0x11]  }
0xeb: {  	p0 =	sne.s32 s10, s23  }
.Ltmp2:
0xec: {  	_ = 	snop;
	(pc) =	sbr.rel @p0 .LBB2_1-.Ltmp2, $3  }
0xed: {  	_ =	sdelay $0x1  }
0xee: {  	[sflag:s25] =	ssyncset.done $0x0  }
0xef: {  	[sflag:s25] =	ssyncadd.s32 $0xFFFFD800  }
0xf0: {  	_ =	sfence.sel $0x180000  }
0xf1: {  	[bflag:$0x0] =	sbarrier.arrive $0xFFFF  }
0xf2: {  	_ =	strace $0x9000004A  }
0xf3: {  	s0 =	stileid.u32;
	[bflag:$0x2] =	sbarrier.arrive $0xFFFF  }
0xf4: {  	p0 =	sne.s32 s0, $0x0;
	s0 =	rddreg [dreg:$0x3]  }
0xf5: {  	s0 =	sadd.s32 @!p0 $0x100000, s0  }
0xf6: {  	[sflag:s0] =	ssyncadd.tile.s32 @!p0 $0x1;
	_ =	shalt  }
.Lfunc_end2:
_tile_overlayer_lowered:
.L_overlay_start_2:
0xf7: {  	(tag) =	ssettag $0x2  }
0xf8: {  	s0 =	rddreg [dreg:$0x0];
	s2 =	stileid.u32  }
0xf9: {  	s1 =	rddreg [dreg:$0x1];
	p0 =	sne.s32 s2, $0x0  }
0xfa: {  	s3 =	rddreg [dreg:$0x2];
	[bflag:$0x3] =	sbarrier.arrive $0xFFFF;
	s2 =	simm.s32 @!p0 $0x1C11  }
0xfb: {  	[timem:s3], [sflag:s2] =	dma.local @!p0 [hbm:s0], s1  }
0xfc: {  	s0 =	simm.s32 @!p0 $0x11  }
0xfd: {  	_ =	swait.ge @!p0 [sflag:s0], s1  }
0xfe: {  	s1 =	ssub.s32 @!p0 $0x0, s1;
	[sflag:s0] =	ssyncset.done @!p0 $0x0  }
0xff: {  	[sflag:s0] =	ssyncadd.s32 @!p0 s1  }
0x100: {  	[bflag:$0x3] =	sbarrier.arrive $0xFFFF  }
0x101: {  	_ =	shalt  }

// kernel: kernel.7.cloned.1.call-start
scs
__scs_entry_jumppad:
0x0: {  	(pc) =	sbr.rel $0x88, $3  }
0x1: {  	(tag) =	ssettag $0x0;
	lr =	simm.s32 $0x1  }
0x2: {  	[smem:$0x3F9B] =	sst lr;
	_ =	strace $0xD0000000  }
0x3: {  	_ = 	snop  }
0x4: {  	_ = 	snop  }
0x5: {  	_ = 	snop  }
0x6: {  	_ = 	snop  }
0x7: {  	_ = 	snop  }
__scs_overlays_trampoline_lowered:
0x8: {  	[smem:$0x3FAA] =	sst s0  }
0x9: {  	[smem:$0x3FAB] =	sst s1  }
0xa: {  	[smem:$0x3FAC] =	sst s2  }
0xb: {  	[smem:$0x3FAD] =	sst s3  }
0xc: {  	[smem:$0x3FAE] =	sst s4  }
0xd: {  	[smem:$0x3FAF] =	sst s5  }
0xe: {  	[smem:$0x3FB0] =	sst s6  }
0xf: {  	[smem:$0x3FB1] =	sst s7  }
0x10: {  	[smem:$0x3FB2] =	sst s8  }
0x11: {  	[smem:$0x3FB3] =	sst s9;
	s0 =	simm.s32 @!p0 $0x0  }
0x12: {  	s1 =	sld [smem:$0x3F99];
	s0 =	simm.s32 @p0 $0x1  }
0x13: {  	[smem:$0x3FB4] =	sst s0;
	s0 =	simm.s32 @!p1 $0x0  }
0x14: {  	s2 =	sld [smem:$0x3F98];
	s0 =	simm.s32 @p1 $0x1  }
0x15: {  	[smem:$0x3FB5] =	sst s0;
	s0 =	simm.s32 @!p2 $0x0  }
0x16: {  	s3 =	sld [smem:$0x3FDB];
	s0 =	simm.s32 @p2 $0x1  }
0x17: {  	s4 =	simm.s32 $0x1BF5;
	[smem:$0x3FB7] =	sst s0  }
0x18: {  	s0 =	sld [smem:$0x3F9A];
	_ =	swait.ge [sflag:s4], $0x0  }
0x19: {  	s7 =	sld [smem:$0x3F9B]  }
0x1a: {  	s8 =	sadd.s32 $0xFFFFE003, lr  }
0x1b: {  	s9 =	sadd.s32 $0xFFFFFEF7, lr;
	s5 =	simm.s32 $0xFFFFFFFF;
	p2 =	slt.u32 s8, $0xFFFFF086  }
0x1c: {  	p1 =	slt.u32 s9, $0xF7A;
	s5 =	simm.s32 @!p2 $0x0  }
0x1d: {  	s5 =	simm.s32 @p1 $0x1;
	p0 =	seq.s32 s7, s2  }
0x1e: {  	s7 =	smul.u32 @!p0 $0xF7A, s2;
	p2 =	seq.s32 @!p0 s5, $0x0  }
0x1f: {  	s9 =	smul.u32 $0xF7A, s1;
	s8 =	simm.s32 @!p0 $0x1BF5;
	p2 =	por !p2, p0  }
0x20: {  	[sflag:s8] =	ssyncset.s32 @!p0 $0xFFFFF086;
	s6 =	sadd.s32 @!p0 s3, s7;
	s7 =	simm.s32 @!p0 $0x108  }
0x21: {  	s3 =	sadd.s32 s3, s9;
	s6 =	sadd.s32 @!p0 $0x88, s6;
	s7 =	simm.s32 @p2 $0x1082  }
0x22: {  	[simem:s7], [sflag:s8] =	dma.local @!p0 [hbm:s6], $0xF7A  }
0x23: {  	s9 =	sor.u32 $0xD0000000, s2;
	s6 =	simm.s32 $0x108;
	_ =	swait.ge @!p0 [sflag:s8], $0x0  }
0x24: {  	s3 =	sadd.s32 $0x88, s3;
	s6 =	simm.s32 @!p1 $0x1082;
	[sflag:s4] =	ssyncset.s32 $0xFFFFF086  }
0x25: {  	[simem:s6], [sflag:s4] =	dma.local [hbm:s3], $0xF7A  }
0x26: {  	[smem:$0x3F9B] =	sst s1;
	(tag) =	ssettag s2;
	_ =	strace s9  }
0x27: {  	s1 =	sld [smem:$0x3FAB]  }
0x28: {  	s2 =	sld [smem:$0x3FAC]  }
0x29: {  	s4 =	sld [smem:$0x3FAE]  }
0x2a: {  	p0 =	seq.s32 s5, $0x0;
	s5 =	sld [smem:$0x3FAF]  }
0x2b: {  	s6 =	sld [smem:$0x3FB0]  }
0x2c: {  	s7 =	sld [smem:$0x3FB1]  }
0x2d: {  	s3 =	simm.s32 $0x108;
	s8 =	sld [smem:$0x3FB2]  }
0x2e: {  	s3 =	simm.s32 @!p0 $0x1082;
	s9 =	sld [smem:$0x3FB3]  }
0x2f: {  	lr =	sadd.s32 s0, s3;
	s0 =	sld [smem:$0x3FAA]  }
0x30: {  	s3 =	sld [smem:$0x3FAD]  }
0x31: {  	[smem:$0x3FB6] =	sst s10  }
0x32: {  	s10 =	sld [smem:$0x3FB4];
	_ =	sdelay $0x3  }
0x33: {  	p0 =	seq.s32 s10, $0x1;
	s10 =	sld [smem:$0x3FB6];
	_ =	sdelay $0x3  }
0x34: {  	[smem:$0x3FB6] =	sst s10  }
0x35: {  	s10 =	sld [smem:$0x3FB5];
	_ =	sdelay $0x3  }
0x36: {  	p1 =	seq.s32 s10, $0x1;
	s10 =	sld [smem:$0x3FB6];
	_ =	sdelay $0x3  }
0x37: {  	[smem:$0x3FB6] =	sst s10  }
0x38: {  	s10 =	sld [smem:$0x3FB7]  }
0x39: {  	_ = 	snop;
	(pc) =	sbr.ind lr, $3  }
0x3a: {  	_ = 	snop  }
0x3b: {  	_ = 	snop  }
0x3c: {  	p2 =	seq.s32 s10, $0x1;
	s10 =	sld [smem:$0x3FB6]  }
0x3d: {  	_ =	shalt  }
0x3e: {  	_ =	shalt  }
0x3f: {  	_ =	shalt  }
0x40: {  	_ =	shalt  }
0x41: {  	_ =	shalt  }
0x42: {  	_ =	shalt  }
0x43: {  	_ =	shalt  }
0x44: {  	_ =	shalt  }
0x45: {  	_ =	shalt  }
0x46: {  	_ =	shalt  }
0x47: {  	_ =	shalt  }
0x48: {  	_ =	shalt  }
0x49: {  	_ =	shalt  }
0x4a: {  	_ =	shalt  }
0x4b: {  	_ =	shalt  }
0x4c: {  	_ =	shalt  }
0x4d: {  	_ =	shalt  }
0x4e: {  	_ =	shalt  }
0x4f: {  	_ =	shalt  }
0x50: {  	_ =	shalt  }
0x51: {  	_ =	shalt  }
0x52: {  	_ =	shalt  }
0x53: {  	_ =	shalt  }
0x54: {  	_ =	shalt  }
0x55: {  	_ =	shalt  }
0x56: {  	_ =	shalt  }
0x57: {  	_ =	shalt  }
0x58: {  	_ =	shalt  }
0x59: {  	_ =	shalt  }
0x5a: {  	_ =	shalt  }
0x5b: {  	_ =	shalt  }
0x5c: {  	_ =	shalt  }
0x5d: {  	_ =	shalt  }
0x5e: {  	_ =	shalt  }
0x5f: {  	_ =	shalt  }
0x60: {  	_ =	shalt  }
0x61: {  	_ =	shalt  }
0x62: {  	_ =	shalt  }
0x63: {  	_ =	shalt  }
0x64: {  	_ =	shalt  }
0x65: {  	_ =	shalt  }
0x66: {  	_ =	shalt  }
0x67: {  	_ =	shalt  }
0x68: {  	_ =	shalt  }
0x69: {  	_ =	shalt  }
0x6a: {  	_ =	shalt  }
0x6b: {  	_ =	shalt  }
0x6c: {  	_ =	shalt  }
0x6d: {  	_ =	shalt  }
0x6e: {  	_ =	shalt  }
0x6f: {  	_ =	shalt  }
0x70: {  	_ =	shalt  }
0x71: {  	_ =	shalt  }
0x72: {  	_ =	shalt  }
0x73: {  	_ =	shalt  }
0x74: {  	_ =	shalt  }
0x75: {  	_ =	shalt  }
0x76: {  	_ =	shalt  }
0x77: {  	_ =	shalt  }
0x78: {  	_ =	shalt  }
0x79: {  	_ =	shalt  }
0x7a: {  	_ =	shalt  }
0x7b: {  	_ =	shalt  }
0x7c: {  	_ =	shalt  }
0x7d: {  	_ =	shalt  }
0x7e: {  	_ =	shalt  }
0x7f: {  	_ =	shalt  }
0x80: {  	_ =	shalt  }
0x81: {  	_ =	shalt  }
0x82: {  	_ =	shalt  }
0x83: {  	_ =	shalt  }
0x84: {  	_ =	shalt  }
0x85: {  	_ =	shalt  }
0x86: {  	_ =	shalt  }
0x87: {  	_ =	shalt  }
.Lfunc_end0:
.L_simem_size_0:
called_computation_lowered:
.L_overlay_start_0:
0x88: {  	s2 =	sld [smem:$0x3FD9]  }
0x89: {  	s3 =	sld [smem:$0x3FFE];
	_ =	sdelay $0x1  }
0x8a: {  	s1 =	srdreg.scid  }
0x8b: {  	s0 =	sand.u32 $0x1, s1  }
0x8c: {  	s17 =	sshll.u32 s0, $0xA;
	s2 =	sadd.s32 s3, s2  }
0x8d: {  	s2 =	sadd.s32 s2, s17  }
0x8e: {  	[smem:$0x3FC2] =	sst s2  }
0x8f: {  	_ = 	snop  }
0x90: {  	s2 =	sld [smem:$0x3FD0];
	(tm) =	ssettm $0x1  }
0x91: {  	s18 =	sld [smem:$0x3FFB];
	_ =	sdelay $0x3  }
0x92: {  	_ =	strace s18  }
0x93: {  	s3 =	sld [smem:$0x3FFC];
	_ =	sdelay $0x3  }
0x94: {  	_ =	strace s3  }
0x95: {  	s3 =	sld [smem:$0x3FFD];
	_ =	sdelay $0x3  }
0x96: {  	_ =	strace s3  }
0x97: {  	_ =	strace $0x8FFFFFFF  }
0x98: {  	s19 =	sld [smem:$0x3FDB];
	_ =	sdelay $0x1  }
0x99: {  	s4 =	simm.s32 $_scs_section_size  }
0x9a: {  	s5 =	simm.s32 $_size__tile_overlayer_lowered;
	s6 =	simm.s32 $_tile_overlayer_lowered  }
0x9b: {  	s22 =	simm.s32 $0x1BFF;
	s21 =	sshll.u32 s6, $0x1;
	s3 =	sadd.s32 s4, s19  }
0x9c: {  	s7 =	simm.s32 $0x0;
	s20 =	sshll.u32 s5, $0x1;
	s5 =	sadd.s32 s21, s3  }
0x9d: {  	[timem:s7], [sflag:s22] =	dma.local [hbm:s5], s20  }
0x9e: {  	_ =	swait.ge [sflag:s22], s20  }
0x9f: {  	s4 =	ssub.s32 $0x0, s20;
	[sflag:s22] =	ssyncset.done $0x0  }
0xa0: {  	[sflag:s22] =	ssyncadd.s32 s4;
	_ =	sdelay $0x1  }
0xa1: {  	s23 =	simm.s32 $0x1B8B  }
0xa2: {  	_ =	swait.ge [sflag:s23], $0x1  }
0xa3: {  	[sflag:s23] =	ssyncset.done $0x0  }
0xa4: {  	s25 =	simm.s32 $0x1B8E;
	s24 =	sld [smem:$0x3FFE];
	[sflag:s23] =	ssyncadd.s32 $0xFFFFFFFF  }
0xa5: {  	s26 =	simm.s32 $execute0_lowered;
	[smem:$0x3FD2] =	sst s25  }
0xa6: {  	s5 =	sshll.u32 s26, $0x1;
	_ =	strace $0x80000046;
	[dreg:$0x1] =	wrdreg $0xFFFFFFFF  }
0xa7: {  	s28 =	simm.s32 $_size_execute0_lowered;
	s3 =	sadd.s32 s3, s5;
	[dreg:$0x0] =	wrdreg $0x0  }
0xa8: {  	s5 =	sshll.u32 s28, $0x1;
	[dreg:$0x2] =	wrdreg s3  }
0xa9: {  	[dreg:$0x3] =	wrdreg s5  }
0xaa: {  	[dreg:$0x4] =	wrdreg $0xC0  }
0xab: {  	_ =	task [dreg:s7], $0x5FFFF  }
0xac: {  	[dreg:$0x1] =	wrdreg $0xFFFFFFFF  }
0xad: {  	[dreg:$0x0] =	wrdreg $0x60  }
0xae: {  	[dreg:$0x2] =	wrdreg s2  }
0xaf: {  	[dreg:$0x3] =	wrdreg s24  }
0xb0: {  	[dreg:$0x4] =	wrdreg $0xA6000  }
0xb1: {  	[dreg:$0x5] =	wrdreg $0x9  }
0xb2: {  	_ =	task.clear_ibuf [dreg:s7], $0x6FFFF;
	_ =	strace $0x90000046  }
0xb3: {  	s29 =	simm.s32 $0x9;
	_ =	strace $0x80000048  }
0xb4: {  	_ =	swait.ge [sflag:s29], $0x1  }
0xb5: {  	[sflag:s29] =	ssyncadd.s32 $0xFFFFFFFF  }
0xb6: {  	_ =	strace $0x90000048  }
0xb7: {  	_ =	sfence  }
0xb8: {  	s30 =	sld [smem:$0x0];
	_ =	sdelay $0x2  }
0xb9: {  	s31 =	sshll.u32 s1, $0xD;
	s1 =	sshrl.u32 s1, $0x2  }
0xba: {  	s3 =	sand.u32 $0x4000, s31;
	s1 =	sadd.s32 s1, s30  }
0xbb: {  	s0 =	sor.u32 s3, s0;
	s1 =	sshll.u32 s1, $0x11  }
0xbc: {  	s0 =	sor.u32 s1, s0  }
0xbd: {  	s0 =	sadd.s32 $0x8F2B, s0  }
0xbe: {  	[sflag:s0] =	ssyncadd.remote.s32 $0x1  }
0xbf: {  	_ =	sfence.sel $0xFFFF  }
0xc0: {  	[dreg:$0x0] =	wrdreg $0xFFFFFFFF;
	(pc) =	sbr.abs _section_cstart, $3  }
0xc1: {  	[dreg:$0x1] =	wrdreg $0xFFFFFFFF  }
0xc2: {  	_ =	task.clear_ibuf [dreg:s7], $0x2FFFF;
	_ =	strace $0x9FFFFFFF  }
0xc3: {  	(tm) =	ssettm $0x7FFFFFFF  }
tec
execute0_lowered:
.L_overlay_start_1:
0x0: {  	(tag) =	ssettag $0x1  }
0x1: {  	s1 =	rddreg [dreg:$0x0]  }
0x2: {  	s0 =	rddreg [dreg:$0x1]  }
0x3: {  	s2 =	rddreg [dreg:$0x2]  }
0x4: {  	s3 =	simm.s32 $0x0;
	s12 =	stileid.u32;
	s23 =	srdreg.scid  }
0x5: {  	s20 =	simm.s32 $0x400;
	s21 =	simm.s32 $0x480;
	s22 =	simm.s32 $0x2E00  }
0x6: {  	s28 =	simm.s32 $0x9;
	s29 =	simm.s32 $0xD;
	s30 =	simm.s32 $0x50  }
0x7: {  	s31 =	simm.s32 $0x3;
	[smem:$0x7FF] =	sst s3;
	s5 =	sadd.s32 $0xBC00, s0  }
0x8: {  	s6 =	sadd.s32 $0x1E00, s0;
	s4 =	smul.u32 $0x1680, s12;
	s8 =	sadd.s32 $0x15A00, s0  }
0x9: {  	s3 =	sand.u32 $0x1, s23;
	s7 =	smul.u32 $0x3840, s12;
	s0 =	sadd.s32 $0x3DA00, s0  }
0xa: {  	s11 =	smul.u32 $0x50000, s12;
	_ =	strace $0x80000047;
	[dreg:$0x5] =	wrdreg s20  }
0xb: {  	s16 =	smul.u32 $0x2800, s12;
	s23 =	simm.s32 $0x500;
	[dreg:$0x6] =	wrdreg s21  }
0xc: {  	s9 =	ssub.s32 $0x2, s3;
	p0 =	seq.s32 s3, $0x0;
	[dreg:$0x7] =	wrdreg s22  }
0xd: {  	[dreg:$0x8] =	wrdreg s23;
	s3 =	sadd.s32 $0x38400, s4;
	s24 =	sshrl.u32 s9, $0x1  }
0xe: {  	s14 =	sshrl.u32 s11, $0x2;
	s0 =	smov.u32 @p0 s8;
	s8 =	simm.s32 $0x7  }
0xf: {  	s3 =	smov.u32 @p0 s7;
	s4 =	ssub.s32 s9, s24;
	s7 =	simm.s32 $0xB4  }
0x10: {  	s24 =	simm.s32 $0x5600;
	s22 =	sadd.s32 s0, s16;
	s0 =	simm.s32 $0x4  }
0x11: {  	s25 =	sshrl.u32 s3, $0x3;
	s4 =	smax.u32 s4, $0x1;
	[dreg:$0x9] =	wrdreg s24  }
0x12: {  	s7 =	simm.s32 @!p0 $0x48;
	s13 =	sadd.s32 s5, s25;
	[dreg:$0x11] =	wrdreg s4  }
0x13: {  	s11 =	sadd.s32 $0xF0, s3;
	s9 =	sadd.s32 s6, s25;
	[dreg:$0xc] =	wrdreg s13  }
0x14: {  	s24 =	simm.s32 $0x600;
	s15 =	sshrl.u32 s7, $0x2;
	[dreg:$0xd] =	wrdreg s9  }
0x15: {  	s10 =	sadd.s32 $0xA, s25;
	s25 =	simm.s32 $0x580;
	[dreg:$0x10] =	wrdreg s15  }
0x16: {  	s3 =	simm.s32 $0x1;
	s26 =	sadd.s32 s5, s10;
	[dreg:$0xa] =	wrdreg s25  }
0x17: {  	s4 =	simm.s32 $0x6;
	s10 =	sadd.s32 s6, s10;
	[dreg:$0xe] =	wrdreg s26  }
0x18: {  	s13 =	sadd.s32 $0xFFFFFFFF, s7;
	s25 =	simm.s32 $0x11;
	[dreg:$0xf] =	wrdreg s10  }
0x19: {  	[dreg:$0x4] =	wrdreg s13;
	s13 =	sadd.s32 s14, s2;
	s26 =	simm.s32 $0x7E00  }
0x1a: {  	s9 =	simm.s32 $0x8;
	s17 =	sadd.s32 $0x2800, s13;
	[dreg:$0xb] =	wrdreg s26  }
0x1b: {  	s18 =	sadd.s32 $0x5000, s13;
	s19 =	sadd.s32 $0x7800, s13;
	[dreg:$0x12] =	wrdreg s17  }
0x1c: {  	s10 =	sadd.s32 $0xA000, s13;
	s20 =	sadd.s32 $0xF000, s13;
	[dreg:$0x13] =	wrdreg s18  }
0x1d: {  	s21 =	sadd.s32 $0x11800, s13;
	s26 =	simm.s32 $0x2;
	[dreg:$0x14] =	wrdreg s19  }
0x1e: {  	v0 =	vimm.f32 $0.0e+00;
	[dreg:$0x15] =	wrdreg s10;
	s19 =	sadd.s32 $0xC800, s13;
	s10 =	simm.s32 $0x0  }
.LBB2_1:
0x1f: {  	s14 =	simm.s32 $0x0  }
0x20: {  	s12 =	sand.u32 $0xFE00, s14  }
0x21: {  	s14 =	sand.u32 $0x70, s14;
	s23 =	sshrl.u32 s12, $0x2  }
0x22: {  	s12 =	simm.s32 $0x40;
	s23 =	sor.u32 s14, s23;
	s14 =	simm.s32 $0x0  }
.LBB2_2:
0x23: {  	p0 =	sne.s32 s12, $0x9FC0  }
0x24: {  	[tilespmem:s23+$0x600] =	vst v0;
	s14 =	sadd.s32 $0x10, s14;
	s23 =	smov.u32 s12;
	s12 =	sadd.s32 $0x40, s12  }
.Ltmp0:
0x25: {  	(pc) =	sbr.rel @p0 .LBB2_2-.Ltmp0, $4  }
0x26: {  	_ = 	snop  }
0x27: {  	s23 =	sand.u32 $0xFE00, s23  }
0x28: {  	s15 =	sand.u32 $0x70, s14;
	s23 =	sshrl.u32 s23, $0x2  }
0x29: {  	s23 =	sor.u32 s15, s23  }
0x2a: {  	[tilespmem:s23+$0x600] =	vst v0  }
0x2b: {  	[spmem:s13] =	stream.linear.scatter [tilespmem:s24], [sflag:$0x11], $0x2800, $0x38;
	[tilespmem:$0x1E600] =	vst v63  }
0x2c: {  	_ =	swait.ge [sflag:s25], $0x2800  }
0x2d: {  	[sflag:s25] =	ssyncset.done $0x0  }
0x2e: {  	s12 =	rddreg [dreg:$0x12];
	[sflag:s25] =	ssyncadd.s32 $0xFFFFD800  }
0x2f: {  	[spmem:s12] =	stream.linear.scatter [tilespmem:s24], [sflag:$0x11], $0x2800, $0x38;
	[tilespmem:$0x1E600] =	vst v63  }
0x30: {  	_ =	swait.ge [sflag:s25], $0x2800  }
0x31: {  	[sflag:s25] =	ssyncset.done $0x0  }
0x32: {  	s15 =	rddreg [dreg:$0x13];
	[sflag:s25] =	ssyncadd.s32 $0xFFFFD800  }
0x33: {  	[spmem:s15] =	stream.linear.scatter [tilespmem:s24], [sflag:$0x11], $0x2800, $0x38;
	[tilespmem:$0x1E600] =	vst v63  }
0x34: {  	_ =	swait.ge [sflag:s25], $0x2800  }
0x35: {  	[sflag:s25] =	ssyncset.done $0x0  }
0x36: {  	s16 =	rddreg [dreg:$0x14];
	[sflag:s25] =	ssyncadd.s32 $0xFFFFD800  }
0x37: {  	[spmem:s16] =	stream.linear.scatter [tilespmem:s24], [sflag:$0x11], $0x2800, $0x38;
	[tilespmem:$0x1E600] =	vst v63  }
0x38: {  	_ =	swait.ge [sflag:s25], $0x2800  }
0x39: {  	[sflag:s25] =	ssyncset.done $0x0  }
0x3a: {  	s17 =	rddreg [dreg:$0x15];
	[sflag:s25] =	ssyncadd.s32 $0xFFFFD800  }
0x3b: {  	[spmem:s17] =	stream.linear.scatter [tilespmem:s24], [sflag:$0x11], $0x2800, $0x38;
	[tilespmem:$0x1E600] =	vst v63  }
0x3c: {  	_ =	swait.ge [sflag:s25], $0x2800  }
0x3d: {  	[sflag:s25] =	ssyncset.done $0x0  }
0x3e: {  	[sflag:s25] =	ssyncadd.s32 $0xFFFFD800  }
0x3f: {  	[spmem:s19] =	stream.linear.scatter [tilespmem:s24], [sflag:$0x11], $0x2800, $0x38;
	[tilespmem:$0x1E600] =	vst v63  }
0x40: {  	_ =	swait.ge [sflag:s25], $0x2800  }
0x41: {  	[sflag:s25] =	ssyncset.done $0x0  }
0x42: {  	[sflag:s25] =	ssyncadd.s32 $0xFFFFD800  }
0x43: {  	[spmem:s20] =	stream.linear.scatter [tilespmem:s24], [sflag:$0x11], $0x2800, $0x38;
	[tilespmem:$0x1E600] =	vst v63  }
0x44: {  	_ =	swait.ge [sflag:s25], $0x2800  }
0x45: {  	[sflag:s25] =	ssyncset.done $0x0  }
0x46: {  	[sflag:s25] =	ssyncadd.s32 $0xFFFFD800  }
0x47: {  	[spmem:s21] =	stream.linear.scatter [tilespmem:s24], [sflag:$0x11], $0x2800, $0x38;
	[tilespmem:$0x1E600] =	vst v63  }
0x48: {  	_ =	swait.ge [sflag:s25], $0x2800  }
0x49: {  	[sflag:s25] =	ssyncset.done $0x0  }
0x4a: {  	[sflag:s25] =	ssyncadd.s32 $0xFFFFD800  }
0x4b: {  	[bflag:$0x0] =	sbarrier.arrive $0xFFFF  }
0x4c: {  	s14 =	simm.s32 $0x0;
	s18 =	rddreg [dreg:$0xc]  }
0x4d: {  	[tilespmem:s14], [sflag:$0x9] =	stream.linear.gather [hbm4b:s18+s14], $0x50, $0x38;
	[tilespmem:$0x1E600] =	vst v63  }
0x4e: {  	s15 =	simm.s32 $0x200;
	s23 =	rddreg [dreg:$0xd]  }
0x4f: {  	[tilespmem:s15], [sflag:$0xD] =	stream.linear.gather [hbm4b:s23+s14], $0x50, $0x38;
	[tilespmem:$0x1E600] =	vst v63  }
0x50: {  	_ =	swait.ge [sflag:s28], $0x50  }
0x51: {  	[sflag:s28] =	ssyncset.done $0x0  }
0x52: {  	[sflag:s28] =	ssyncadd.s32 $0xFFFFFFB0  }
0x53: {  	_ =	swait.ge [sflag:s29], $0x50  }
0x54: {  	[sflag:s29] =	ssyncset.done $0x0  }
0x55: {  	[sflag:s29] =	ssyncadd.s32 $0xFFFFFFB0  }
0x56: {  	[tilespmem:s24], [sflag:$0x1] =	stream.indirect.gather [hbm4b:s1+s30], $0x80, s14, s30, $0xb8;
	[tilespmem:$0x1E600] =	vst v63  }
0x57: {  	s17 =	simm.s32 $0x80;
	s16 =	rddreg [dreg:$0xe]  }
0x58: {  	[tilespmem:s17], [sflag:$0xA] =	stream.linear.gather [hbm4b:s16+s14], $0x50, $0x38;
	[tilespmem:$0x1E600] =	vst v63  }
0x59: {  	s23 =	simm.s32 $0x280;
	s18 =	rddreg [dreg:$0xf]  }
0x5a: {  	[tilespmem:s23], [sflag:$0xE] =	stream.linear.gather [hbm4b:s18+s14], $0x50, $0x38;
	[tilespmem:$0x1E600] =	vst v63  }
0x5b: {  	s12 =	rddreg [dreg:$0x10];
	s23 =	smov.u32 s11  }
.LBB2_4:
0x5c: {  	p0 =	seq.s32 s14, $0x0  }
0x5d: {  	s15 =	simm.s32 @!p0 $0x6  }
0x5e: {  	_ =	swait.ge @!p0 [sflag:s15], $0x2800  }
0x5f: {  	s16 =	rddreg [dreg:$0x4]  }
0x60: {  	[sflag:s15] =	ssyncset.done @!p0 $0x0;
	p1 =	sge.s32 s14, s16  }
0x61: {  	[sflag:s15] =	ssyncadd.s32 @!p0 $0xFFFFD800;
	s15 =	simm.s32 @!p1 $0xA  }
0x62: {  	_ =	swait.ge @!p1 [sflag:s15], $0x50  }
0x63: {  	[sflag:s15] =	ssyncset.done @!p1 $0x0  }
0x64: {  	[sflag:s15] =	ssyncadd.s32 @!p1 $0xFFFFFFB0;
	s15 =	simm.s32 @!p1 $0xE  }
0x65: {  	_ =	swait.ge @!p1 [sflag:s15], $0x50  }
0x66: {  	s16 =	simm.s32 @!p1 $0x80;
	[sflag:s15] =	ssyncset.done @!p1 $0x0  }
0x67: {  	s17 =	simm.s32 @!p1 $0x2E00;
	[sflag:s15] =	ssyncadd.s32 @!p1 $0xFFFFFFB0;
	s15 =	simm.s32 @!p1 $0x50  }
0x68: {  	[tilespmem:s17], [sflag:$0x2] =	stream.indirect.gather @!p1 [hbm4b:s1+s15], $0x80, s16, s15, $0xb8;
	[tilespmem:$0x1E600] =	vst v63  }
0x69: {  	_ =	swait.ge [sflag:s3], $0x2800  }
0x6a: {  	[sflag:s3] =	ssyncset.done $0x0  }
0x6b: {  	[sflag:s3] =	ssyncadd.s32 $0xFFFFD800  }
0x6c: {  	v1 =	vld [tilespmem:$0x200]  }
0x6d: {  	v2 =	vld [tilespmem:$0x210]  }
0x6e: {  	v3 =	vld [tilespmem:$0x220]  }
0x6f: {  	v4 =	vld [tilespmem:$0x230]  }
0x70: {  	v5 =	vld [tilespmem:$0x240]  }
0x71: {  	[tilespmem:$0x400] =	vst v1  }
0x72: {  	s16 =	sadd.s32 $0x2, s14;
	[tilespmem:$0x410] =	vst v2  }
0x73: {  	p1 =	sge.u32 s16, s7;
	[tilespmem:$0x420] =	vst v3  }
0x74: {  	s15 =	sadd.s32 @!p1 $0xFFFFFFB0, s23;
	[tilespmem:$0x430] =	vst v4  }
0x75: {  	s18 =	rddreg [dreg:$0x5];
	s15 =	sshrl.u32 @!p1 s15, $0x3;
	[tilespmem:$0x440] =	vst v5  }
0x76: {  	[spmem:s2] =	stream.indirect.scatter.add.f32 [tilespmem:s24], [sflag:$0x5], $0x80, s18, s30, $0xb8;
	[tilespmem:$0x1E600] =	vst v63  }
0x77: {  	s17 =	simm.s32 @!p1 $0x0;
	s16 =	sadd.s32 @!p1 s5, s15;
	s18 =	simm.s32 @!p1 $0x100  }
0x78: {  	[tilespmem:s18], [sflag:$0xB] =	stream.linear.gather @!p1 [hbm4b:s16+s17], $0x50, $0x38;
	[tilespmem:$0x1E600] =	vst v63  }
0x79: {  	s15 =	sadd.s32 @!p1 s6, s15;
	s16 =	simm.s32 @!p1 $0x300  }
0x7a: {  	[tilespmem:s16], [sflag:$0xF] =	stream.linear.gather @!p1 [hbm4b:s15+s17], $0x50, $0x38;
	[tilespmem:$0x1E600] =	vst v63  }
0x7b: {  	s15 =	simm.s32 @!p0 $0x7  }
0x7c: {  	_ =	swait.ge @!p0 [sflag:s15], $0x2800  }
0x7d: {  	[sflag:s15] =	ssyncset.done @!p0 $0x0  }
0x7e: {  	[sflag:s15] =	ssyncadd.s32 @!p0 $0xFFFFD800;
	s15 =	simm.s32 @!p1 $0xB  }
0x7f: {  	_ =	swait.ge @!p1 [sflag:s15], $0x50  }
0x80: {  	[sflag:s15] =	ssyncset.done @!p1 $0x0  }
0x81: {  	[sflag:s15] =	ssyncadd.s32 @!p1 $0xFFFFFFB0;
	s15 =	simm.s32 @!p1 $0xF  }
0x82: {  	_ =	swait.ge @!p1 [sflag:s15], $0x50  }
0x83: {  	[sflag:s15] =	ssyncset.done @!p1 $0x0  }
0x84: {  	s16 =	simm.s32 @!p1 $0x5600;
	[sflag:s15] =	ssyncadd.s32 @!p1 $0xFFFFFFB0;
	s15 =	simm.s32 @!p1 $0x50  }
0x85: {  	[tilespmem:s16], [sflag:$0x3] =	stream.indirect.gather @!p1 [hbm4b:s1+s15], $0x80, s18, s15, $0xb8;
	[tilespmem:$0x1E600] =	vst v63  }
0x86: {  	_ =	swait.ge [sflag:s26], $0x2800  }
0x87: {  	[sflag:s26] =	ssyncset.done $0x0  }
0x88: {  	[sflag:s26] =	ssyncadd.s32 $0xFFFFD800  }
0x89: {  	v1 =	vld [tilespmem:$0x280]  }
0x8a: {  	v2 =	vld [tilespmem:$0x290]  }
0x8b: {  	v3 =	vld [tilespmem:$0x2A0]  }
0x8c: {  	v58 =	vld [tilespmem:$0x2B0]  }
0x8d: {  	v59 =	vld [tilespmem:$0x2C0]  }
0x8e: {  	[tilespmem:$0x480] =	vst v1  }
0x8f: {  	[tilespmem:$0x490] =	vst v2  }
0x90: {  	s16 =	sadd.s32 $0x3, s14;
	[tilespmem:$0x4A0] =	vst v3  }
0x91: {  	p1 =	sge.u32 s16, s7;
	s17 =	rddreg [dreg:$0x6];
	[tilespmem:$0x4B0] =	vst v58  }
0x92: {  	s18 =	rddreg [dreg:$0x7];
	s15 =	sshrl.u32 @!p1 s23, $0x3;
	[tilespmem:$0x4C0] =	vst v59  }
0x93: {  	[spmem:s2] =	stream.indirect.scatter.add.f32 [tilespmem:s18], [sflag:$0x6], $0x80, s17, s30, $0xb8;
	[tilespmem:$0x1E600] =	vst v63  }
0x94: {  	s16 =	sadd.s32 @!p1 s5, s15;
	s17 =	simm.s32 @!p1 $0x0;
	s18 =	simm.s32 @!p1 $0x180  }
0x95: {  	[tilespmem:s18], [sflag:$0xC] =	stream.linear.gather @!p1 [hbm4b:s16+s17], $0x50, $0x38;
	[tilespmem:$0x1E600] =	vst v63  }
0x96: {  	s15 =	sadd.s32 @!p1 s6, s15;
	s16 =	simm.s32 @!p1 $0x380  }
0x97: {  	[tilespmem:s16], [sflag:$0x10] =	stream.linear.gather @!p1 [hbm4b:s15+s17], $0x50, $0x38;
	[tilespmem:$0x1E600] =	vst v63  }
0x98: {  	s15 =	simm.s32 @!p0 $0x8  }
0x99: {  	_ =	swait.ge @!p0 [sflag:s15], $0x2800  }
0x9a: {  	[sflag:s15] =	ssyncset.done @!p0 $0x0  }
0x9b: {  	[sflag:s15] =	ssyncadd.s32 @!p0 $0xFFFFD800;
	s15 =	simm.s32 @!p1 $0xC  }
0x9c: {  	_ =	swait.ge @!p1 [sflag:s15], $0x50  }
0x9d: {  	[sflag:s15] =	ssyncset.done @!p1 $0x0  }
0x9e: {  	[sflag:s15] =	ssyncadd.s32 @!p1 $0xFFFFFFB0;
	s15 =	simm.s32 @!p1 $0x10  }
0x9f: {  	_ =	swait.ge @!p1 [sflag:s15], $0x50  }
0xa0: {  	[sflag:s15] =	ssyncset.done @!p1 $0x0  }
0xa1: {  	s16 =	simm.s32 @!p1 $0x7E00;
	[sflag:s15] =	ssyncadd.s32 @!p1 $0xFFFFFFB0;
	s15 =	simm.s32 @!p1 $0x50  }
0xa2: {  	[tilespmem:s16], [sflag:$0x4] =	stream.indirect.gather @!p1 [hbm4b:s1+s15], $0x80, s18, s15, $0xb8;
	[tilespmem:$0x1E600] =	vst v63  }
0xa3: {  	_ =	swait.ge [sflag:s31], $0x2800  }
0xa4: {  	[sflag:s31] =	ssyncset.done $0x0  }
0xa5: {  	[sflag:s31] =	ssyncadd.s32 $0xFFFFD800  }
0xa6: {  	v1 =	vld [tilespmem:$0x300]  }
0xa7: {  	v2 =	vld [tilespmem:$0x310]  }
0xa8: {  	v3 =	vld [tilespmem:$0x320]  }
0xa9: {  	v60 =	vld [tilespmem:$0x330]  }
0xaa: {  	v61 =	vld [tilespmem:$0x340]  }
0xab: {  	[tilespmem:$0x500] =	vst v1  }
0xac: {  	s15 =	sadd.s32 $0x4, s14;
	[tilespmem:$0x510] =	vst v2  }
0xad: {  	p0 =	slt.u32 s15, s7;
	[tilespmem:$0x520] =	vst v3  }
0xae: {  	s17 =	rddreg [dreg:$0x8];
	s16 =	sadd.s32 @p0 $0x50, s23;
	[tilespmem:$0x530] =	vst v60  }
0xaf: {  	s18 =	rddreg [dreg:$0x9];
	s16 =	sshrl.u32 @p0 s16, $0x3;
	[tilespmem:$0x540] =	vst v61  }
0xb0: {  	[spmem:s2] =	stream.indirect.scatter.add.f32 [tilespmem:s18], [sflag:$0x7], $0x80, s17, s30, $0xb8;
	[tilespmem:$0x1E600] =	vst v63  }
0xb1: {  	s17 =	sadd.s32 @p0 s5, s16;
	s18 =	simm.s32 @p0 $0x0  }
0xb2: {  	[tilespmem:s18], [sflag:$0x9] =	stream.linear.gather @p0 [hbm4b:s17+s18], $0x50, $0x38;
	[tilespmem:$0x1E600] =	vst v63  }
0xb3: {  	s16 =	sadd.s32 @p0 s6, s16;
	s17 =	simm.s32 @p0 $0x200  }
0xb4: {  	[tilespmem:s17], [sflag:$0xD] =	stream.linear.gather @p0 [hbm4b:s16+s18], $0x50, $0x38;
	[tilespmem:$0x1E600] =	vst v63  }
0xb5: {  	s16 =	simm.s32 @p0 $0x5  }
0xb6: {  	_ =	swait.ge @p0 [sflag:s16], $0x2800  }
0xb7: {  	[sflag:s16] =	ssyncset.done @p0 $0x0  }
0xb8: {  	[sflag:s16] =	ssyncadd.s32 @p0 $0xFFFFD800;
	s16 =	simm.s32 @p0 $0x9  }
0xb9: {  	_ =	swait.ge @p0 [sflag:s16], $0x50  }
0xba: {  	[sflag:s16] =	ssyncset.done @p0 $0x0  }
0xbb: {  	[sflag:s16] =	ssyncadd.s32 @p0 $0xFFFFFFB0;
	s16 =	simm.s32 @p0 $0xD  }
0xbc: {  	_ =	swait.ge @p0 [sflag:s16], $0x50  }
0xbd: {  	[sflag:s16] =	ssyncset.done @p0 $0x0  }
0xbe: {  	s17 =	simm.s32 @p0 $0x600;
	[sflag:s16] =	ssyncadd.s32 @p0 $0xFFFFFFB0;
	s16 =	simm.s32 @p0 $0x50  }
0xbf: {  	[tilespmem:s17], [sflag:$0x1] =	stream.indirect.gather @p0 [hbm4b:s1+s16], $0x80, s18, s16, $0xb8;
	[tilespmem:$0x1E600] =	vst v63  }
0xc0: {  	s16 =	simm.s32 @!p0 $0x5  }
0xc1: {  	_ =	swait.ge @!p0 [sflag:s16], $0x2800  }
0xc2: {  	[sflag:s16] =	ssyncset.done @!p0 $0x0  }
0xc3: {  	[sflag:s16] =	ssyncadd.s32 @!p0 $0xFFFFD800  }
0xc4: {  	_ =	swait.ge [sflag:s0], $0x2800  }
0xc5: {  	[sflag:s0] =	ssyncset.done $0x0  }
0xc6: {  	[sflag:s0] =	ssyncadd.s32 $0xFFFFD800  }
0xc7: {  	v1 =	vld [tilespmem:$0x380]  }
0xc8: {  	v2 =	vld [tilespmem:$0x390]  }
0xc9: {  	v3 =	vld [tilespmem:$0x3A0]  }
0xca: {  	v62 =	vld [tilespmem:$0x3B0]  }
0xcb: {  	v63 =	vld [tilespmem:$0x3C0]  }
0xcc: {  	[tilespmem:$0x580] =	vst v1  }
0xcd: {  	[tilespmem:$0x590] =	vst v2  }
0xce: {  	[tilespmem:$0x5A0] =	vst v3  }
0xcf: {  	s17 =	rddreg [dreg:$0xa];
	[tilespmem:$0x5B0] =	vst v62  }
0xd0: {  	s18 =	rddreg [dreg:$0xb];
	[tilespmem:$0x5C0] =	vst v63  }
0xd1: {  	[spmem:s2] =	stream.indirect.scatter.add.f32 [tilespmem:s18], [sflag:$0x8], $0x80, s17, s30, $0xb8;
	[tilespmem:$0x1E600] =	vst v63  }
0xd2: {  	s18 =	sadd.s32 $0x5, s14  }
0xd3: {  	p0 =	sge.u32 s18, s7  }
0xd4: {  	s14 =	sadd.s32 @!p0 $0xA0, s23  }
0xd5: {  	s14 =	sshrl.u32 @!p0 s14, $0x3  }
0xd6: {  	s17 =	simm.s32 @!p0 $0x0;
	s18 =	simm.s32 @!p0 $0x80;
	s16 =	sadd.s32 @!p0 s5, s14  }
0xd7: {  	[tilespmem:s18], [sflag:$0xA] =	stream.linear.gather @!p0 [hbm4b:s16+s17], $0x50, $0x38;
	[tilespmem:$0x1E600] =	vst v63  }
0xd8: {  	s12 =	sadd.s32 $0xFFFFFFFF, s12;
	s14 =	sadd.s32 @!p0 s6, s14;
	s16 =	simm.s32 @!p0 $0x280  }
0xd9: {  	[tilespmem:s16], [sflag:$0xE] =	stream.linear.gather @!p0 [hbm4b:s14+s17], $0x50, $0x38;
	[tilespmem:$0x1E600] =	vst v63  }
0xda: {  	p0 =	sne.s32 s12, $0x0  }
.Ltmp1:
0xdb: {  	_ = 	snop;
	(pc) =	sbr.rel @p0 .LBB2_4-.Ltmp1, $2  }
0xdc: {  	_ =	sdelay $0x2  }
0xdd: {  	s23 =	sadd.s32 $0x140, s23;
	s14 =	smov.u32 s15  }
0xde: {  	_ =	swait.ge [sflag:s4], $0x2800  }
0xdf: {  	[sflag:s4] =	ssyncset.done $0x0  }
0xe0: {  	[sflag:s4] =	ssyncadd.s32 $0xFFFFD800  }
0xe1: {  	_ =	swait.ge [sflag:s8], $0x2800  }
0xe2: {  	[sflag:s8] =	ssyncset.done $0x0  }
0xe3: {  	[sflag:s8] =	ssyncadd.s32 $0xFFFFD800  }
0xe4: {  	_ =	swait.ge [sflag:s9], $0x2800  }
0xe5: {  	s12 =	stileid.u32;
	[sflag:s9] =	ssyncset.done $0x0  }
0xe6: {  	s12 =	sshll.u32 s12, $0x6;
	[sflag:s9] =	ssyncadd.s32 $0xFFFFD800  }
0xe7: {  	s14 =	sshrl.u32 s13, $0x3;
	s12 =	sor.u32 $0x1C11, s12;
	[bflag:$0x0] =	sbarrier.arrive $0xFFFF  }
0xe8: {  	[hbm:s22], [sflag:s12] =	dma.local [spmem:s14], $0x2800  }
0xe9: {  	_ =	swait.ge [sflag:s25], $0x2800  }
0xea: {  	s10 =	sadd.s32 $0x1, s10;
	s23 =	rddreg [dreg:$0x11]  }
0xeb: {  	p0 =	sne.s32 s10, s23  }
.Ltmp2:
0xec: {  	_ = 	snop;
	(pc) =	sbr.rel @p0 .LBB2_1-.Ltmp2, $3  }
0xed: {  	_ =	sdelay $0x1  }
0xee: {  	[sflag:s25] =	ssyncset.done $0x0  }
0xef: {  	[sflag:s25] =	ssyncadd.s32 $0xFFFFD800  }
0xf0: {  	_ =	sfence.sel $0x180000  }
0xf1: {  	[bflag:$0x0] =	sbarrier.arrive $0xFFFF  }
0xf2: {  	_ =	strace $0x90000047  }
0xf3: {  	s0 =	stileid.u32;
	[bflag:$0x2] =	sbarrier.arrive $0xFFFF  }
0xf4: {  	p0 =	sne.s32 s0, $0x0;
	s0 =	rddreg [dreg:$0x3]  }
0xf5: {  	s0 =	sadd.s32 @!p0 $0x100000, s0  }
0xf6: {  	[sflag:s0] =	ssyncadd.tile.s32 @!p0 $0x1;
	_ =	shalt  }
.Lfunc_end2:
_tile_overlayer_lowered:
.L_overlay_start_2:
0xf7: {  	(tag) =	ssettag $0x2  }
0xf8: {  	s0 =	rddreg [dreg:$0x0];
	s2 =	stileid.u32  }
0xf9: {  	s1 =	rddreg [dreg:$0x1];
	p0 =	sne.s32 s2, $0x0  }
0xfa: {  	s3 =	rddreg [dreg:$0x2];
	[bflag:$0x3] =	sbarrier.arrive $0xFFFF;
	s2 =	simm.s32 @!p0 $0x1C11  }
0xfb: {  	[timem:s3], [sflag:s2] =	dma.local @!p0 [hbm:s0], s1  }
0xfc: {  	s0 =	simm.s32 @!p0 $0x11  }
0xfd: {  	_ =	swait.ge @!p0 [sflag:s0], s1  }
0xfe: {  	s1 =	ssub.s32 @!p0 $0x0, s1;
	[sflag:s0] =	ssyncset.done @!p0 $0x0  }
0xff: {  	[sflag:s0] =	ssyncadd.s32 @!p0 s1  }
0x100: {  	[bflag:$0x3] =	sbarrier.arrive $0xFFFF  }
0x101: {  	_ =	shalt  }

</sc_bundles>
